<compile_context>
chip_gen: v7x
topology: tpu7x:2x2x1
jax: 0.10.2.dev20260603
libtpu: 0.0.44.dev20260713+nightly
codegen_flags: <defaults>
</compile_context>

<pallas_src>
import functools

import jax
import jax.numpy as jnp
from jax import lax
from jax.experimental import pallas as pl
from jax.experimental.pallas import tpu as pltpu
from jax.experimental.pallas import tpu_sc as plsc

_N0, _N1, _N2 = 100000, 25000, 2500
_E0, _E1 = 400000, 40000
_F = 128
_FH = 64
_K = 128

_K0 = 112
_G0 = 8
_NG0 = 28
_NCH0 = _NG0 * _G0
_EPT0 = _NCH0 * _K0
_E0P = 16 * _EPT0
_B0 = 12504
_ACC0 = 12512
_CNT0 = 12544
_ZSP0 = 784
_GSZ = _G0 * _K0

_NCH1 = 10
_EPT1 = _NCH1 * _K
_E1H = 16 * _EPT1
_ACC1 = 2512
_CNT1 = 2560
_ZSP1 = 160

_mesh = plsc.VectorSubcoreMesh(
    core_axis_name="c", subcore_axis_name="s", num_cores=2, num_subcores=16)


@functools.partial(
    pl.kernel,
    out_type=[
        jax.ShapeDtypeStruct((2, 16, _CNT0), jnp.float32),
        jax.ShapeDtypeStruct((2, 16, _CNT1), jnp.float32),
    ],
    mesh=_mesh,
    compiler_params=pltpu.CompilerParams(needs_layout_passes=False),
    scratch_types=[
        pltpu.VMEM((_NCH0, _K0), jnp.int32),
        pltpu.VMEM((_NCH1, _K), jnp.int32),
        pltpu.VMEM((_CNT0,), jnp.float32),
        pltpu.VMEM((_CNT1,), jnp.float32),
    ],
)
def _counts(d0_r, d1_r, z_r, c0_r, c1_r, d0_v, d1_v, c0_v, c1_v):
  c = lax.axis_index("c")
  s = lax.axis_index("s")
  pltpu.sync_copy(d0_r.at[c, s], d0_v)
  pltpu.sync_copy(d1_r.at[c, s], d1_v)
  pltpu.sync_copy(z_r, c0_v)
  pltpu.sync_copy(z_r.at[pl.ds(0, _CNT1)], c1_v)
  one16 = jnp.full((16,), 1.0, jnp.float32)

  def h0(j, carry):
    def inner(t, carry2):
      plsc.addupdate_scatter(c0_v, [d0_v[j, pl.ds(t * 16, 16)]], one16)
      return carry2
    return lax.fori_loop(0, _K0 // 16, inner, carry)

  lax.fori_loop(0, _NCH0, h0, 0)

  def h1(j, carry):
    def inner(t, carry2):
      plsc.addupdate_scatter(c1_v, [d1_v[j, pl.ds(t * 16, 16)]], one16)
      return carry2
    return lax.fori_loop(0, _K // 16, inner, carry)

  lax.fori_loop(0, _NCH1, h1, 0)
  pltpu.sync_copy(c0_v, c0_r.at[c, s])
  pltpu.sync_copy(c1_v, c1_r.at[c, s])


def _pre(x, hist, w0, b0):
  bm = 1000

  def body(x_r, h_r, w_r, b_r, o_r):
    h = jnp.dot(x_r[...], w_r[...], preferred_element_type=jnp.float32)
    o_r[...] = jnp.maximum(h + b_r[...], 0.0) - h_r[...]

  return pl.pallas_call(
      body,
      grid=(_N0 // bm,),
      in_specs=[
          pl.BlockSpec((bm, _F), lambda i: (i, 0)),
          pl.BlockSpec((bm, _F), lambda i: (i, 0)),
          pl.BlockSpec((_F, _F), lambda i: (0, 0)),
          pl.BlockSpec((1, _F), lambda i: (0, 0)),
      ],
      out_specs=pl.BlockSpec((bm, _F), lambda i: (i, 0)),
      out_shape=jax.ShapeDtypeStruct((_N0, _F), jnp.float32),
  )(x, hist, w0, b0.reshape(1, _F))


@functools.partial(
    pl.kernel,
    out_type=jax.ShapeDtypeStruct((_N1, _F), jnp.float32),
    mesh=_mesh,
    scratch_types=[
        pltpu.VMEM((_GSZ,), jnp.int32),
        pltpu.VMEM((_G0, _K0), jnp.int32),
        pltpu.VMEM((2, _K0, _F), jnp.float32),
        pltpu.VMEM_SHARED((_ACC0, _F), jnp.float32),
        pltpu.SemaphoreType.DMA,
        pltpu.SemaphoreType.DMA,
        pltpu.SemaphoreType.DMA,
        pltpu.SemaphoreType.DMA,
    ],
)
def _agg0(h_r, src_r, dsts_r, z128_r, sums_r,
          src_g, dst_g, rows_v, acc, ga, gb, sa, sb):
  c = lax.axis_index("c")
  s = lax.axis_index("s")
  z0 = jnp.where(s == 15, _ACC0 - _ZSP0, s * _ZSP0)
  pltpu.sync_copy(z128_r, acc.at[pl.ds(z0, _ZSP0)])
  plsc.subcore_barrier()

  gsem = (ga, gb)
  ssem = (sa, sb)

  def group(g, carry):
    pltpu.sync_copy(src_r.at[pl.ds(s * _EPT0 + g * _GSZ, _GSZ)], src_g)
    pltpu.sync_copy(dsts_r.at[c, s, pl.ds(g * _G0, _G0)], dst_g)

    def gather(k, b):
      return pltpu.make_async_copy(
          h_r.at[src_g.at[pl.ds(k * _K0, _K0)]], rows_v.at[b], gsem[b])

    def scatter(k, b):
      return pltpu.make_async_copy(rows_v.at[b], acc.at[dst_g.at[k]], ssem[b])

    gather(0, 0).start()
    for k in range(_G0):
      b = k & 1
      if k >= 1:
        scatter(k - 1, 1 - b).wait()
      if k + 1 < _G0:
        gather(k + 1, 1 - b).start()
      gather(k, b).wait()
      scatter(k, b).start(add=True)
    scatter(_G0 - 1, 1).wait()
    return carry

  lax.fori_loop(0, _NG0, group, 0)
  plsc.subcore_barrier()
  w0 = jnp.where(s == 15,
                 jnp.where(c == 0, _B0 - _ZSP0, (_N1 - _B0) - _ZSP0),
                 s * _ZSP0)
  pltpu.sync_copy(acc.at[pl.ds(w0, _ZSP0)],
                  sums_r.at[pl.ds(c * _B0 + w0, _ZSP0)])


def _mid(sums, cnt, agg0, hist1, w1, b1, w2):
  bm = 1000

  def body(s_r, c_r, a_r, h_r, w1_r, b1_r, w2_r, y_r):
    n = jnp.maximum(jnp.sum(c_r[...], axis=1, keepdims=True), 1.0)
    m = s_r[...] / n + a_r[...]
    t = jnp.dot(m, w1_r[...], preferred_element_type=jnp.float32) + b1_r[...]
    tcat = jnp.concatenate([t, jnp.maximum(t, 0.0)], axis=1) - h_r[...]
    y = jnp.dot(tcat, w2_r[...], preferred_element_type=jnp.float32)
    y_r[...] = jnp.concatenate(
        [y, jnp.zeros((bm, _F - _FH), jnp.float32)], axis=1)

  return pl.pallas_call(
      body,
      grid=(_N1 // bm,),
      in_specs=[
          pl.BlockSpec((bm, _F), lambda i: (i, 0)),
          pl.BlockSpec((bm, 16), lambda i: (i, 0)),
          pl.BlockSpec((bm, _F), lambda i: (i, 0)),
          pl.BlockSpec((bm, 2 * _F), lambda i: (i, 0)),
          pl.BlockSpec((_F, _F), lambda i: (0, 0)),
          pl.BlockSpec((1, _F), lambda i: (0, 0)),
          pl.BlockSpec((2 * _F, _FH), lambda i: (0, 0)),
      ],
      out_specs=pl.BlockSpec((bm, _F), lambda i: (i, 0)),
      out_shape=jax.ShapeDtypeStruct((_N1, _F), jnp.float32),
  )(sums, cnt, agg0, hist1, w1, b1.reshape(1, _F), w2)


@functools.partial(
    pl.kernel,
    out_type=jax.ShapeDtypeStruct((2, _ACC1, _F), jnp.float32),
    mesh=_mesh,
    scratch_types=[
        pltpu.VMEM((_EPT1,), jnp.int32),
        pltpu.VMEM((_NCH1, _K), jnp.int32),
        pltpu.VMEM((2, _K, _F), jnp.float32),
        pltpu.VMEM_SHARED((_ACC1, _F), jnp.float32),
        pltpu.SemaphoreType.DMA,
        pltpu.SemaphoreType.DMA,
        pltpu.SemaphoreType.DMA,
        pltpu.SemaphoreType.DMA,
    ],
)
def _agg1(y_r, srcs_r, dsts_r, z128_r, psum_r, src_v, dst_v, rows_v, acc,
          ga, gb, sa, sb):
  c = lax.axis_index("c")
  s = lax.axis_index("s")
  z0 = jnp.where(s == 15, _ACC1 - _ZSP1, s * _ZSP1)
  pltpu.sync_copy(z128_r.at[pl.ds(0, _ZSP1)], acc.at[pl.ds(z0, _ZSP1)])
  pltpu.sync_copy(srcs_r.at[c, pl.ds(s * _EPT1, _EPT1)], src_v)
  pltpu.sync_copy(dsts_r.at[c, s], dst_v)
  plsc.subcore_barrier()

  gsem = (ga, gb)
  ssem = (sa, sb)

  def gather(j, b):
    return pltpu.make_async_copy(
        y_r.at[src_v.at[pl.ds(j * _K, _K)]], rows_v.at[b], gsem[b])

  def scatter(j, b):
    return pltpu.make_async_copy(rows_v.at[b], acc.at[dst_v.at[j]], ssem[b])

  for j in range(_NCH1):
    b = j & 1
    if j >= 2:
      scatter(j - 2, b).wait()
    gj = gather(j, b)
    gj.start()
    gj.wait()
    scatter(j, b).start(add=True)
  scatter(_NCH1 - 2, 0).wait()
  scatter(_NCH1 - 1, 1).wait()
  plsc.subcore_barrier()
  pltpu.sync_copy(acc.at[pl.ds(z0, _ZSP1)], psum_r.at[c, pl.ds(z0, _ZSP1)])


def _post(psums, cnt1, agg1, w2, b2):
  def body(ps_r, c_r, a_r, w_r, b_r, o_r):
    sums = (ps_r[0] + ps_r[1])[:_N2, :_FH]
    n = jnp.maximum(jnp.sum(c_r[...], axis=1, keepdims=True), 1.0)
    z = jnp.dot(a_r[...], w_r[...], preferred_element_type=jnp.float32)
    o_r[...] = sums / n + z + b_r[...]

  return pl.pallas_call(
      body,
      grid=(1,),
      in_specs=[
          pl.BlockSpec((2, _ACC1, _F), lambda i: (0, 0, 0)),
          pl.BlockSpec((_N2, 32), lambda i: (0, 0)),
          pl.BlockSpec((_N2, 2 * _F), lambda i: (0, 0)),
          pl.BlockSpec((2 * _F, _FH), lambda i: (0, 0)),
          pl.BlockSpec((1, _FH), lambda i: (0, 0)),
      ],
      out_specs=pl.BlockSpec((_N2, _FH), lambda i: (0, 0)),
      out_shape=jax.ShapeDtypeStruct((_N2, _FH), jnp.float32),
  )(psums, cnt1, agg1, w2, b2.reshape(1, _FH))


def _pad1d(a, n, val):
  return jnp.concatenate([a, jnp.full((n - a.shape[0],), val, a.dtype)])


def kernel(preprocess, h_hist_0, h_hist_1, agg_h_0, agg_h_1,
           edge_index_0, edge_index_1, W0, b0, W1, b1, W2, b2):
  z128 = jnp.zeros((_ZSP0, _F), jnp.float32)
  z1d = jnp.zeros((_CNT0,), jnp.float32)

  src0 = _pad1d(edge_index_0[0], _E0P, 0)
  d0 = _pad1d(edge_index_0[1], _E0P, _N1)
  dsts0 = jnp.stack([
      jnp.where(d0 < _B0, d0, _B0),
      jnp.where(d0 >= _B0, d0 - _B0, _B0),
  ]).reshape(2, 16, _NCH0, _K0)
  half = _E1 // 2
  srcs1 = jnp.stack([
      _pad1d(edge_index_1[0, :half], _E1H, 0),
      _pad1d(edge_index_1[0, half:], _E1H, 0),
  ])
  dsts1 = jnp.stack([
      _pad1d(edge_index_1[1, :half], _E1H, _N2),
      _pad1d(edge_index_1[1, half:], _E1H, _N2),
  ]).reshape(2, 16, _NCH1, _K)

  cnt0, cnt1 = _counts(dsts0, dsts1, z1d)
  cnt0_t = jnp.concatenate(
      [cnt0[0].T[:_B0], cnt0[1].T[:_N1 - _B0]], axis=0)
  cnt1_t = jnp.concatenate([cnt1[0].T[:_N2], cnt1[1].T[:_N2]], axis=1)

  h = _pre(preprocess, h_hist_0, W0, b0)

  sums0 = _agg0(h, src0, dsts0, z128)

  y = _mid(sums0, cnt0_t, agg_h_0, h_hist_1, W1, b1, W2)

  psums = _agg1(y, srcs1, dsts1, z128)

  return _post(psums, cnt1_t, agg_h_1, W2, b2)

# --- scband reference (transcript-rebuilt; emitter-appended) ---
"""Pipeline reference for scband-gcnsampling-18141941859035 (READ-ONLY COPY).

The authoritative reference and input builder live on the scoring server;
editing this copy changes nothing except your own understanding.
"""

import jax, jax.numpy as jnp
import numpy as np

N0, N1, N2 = 100000, 25000, 2500
E0, E1 = 400000, 40000
IN_FEATS, N_HIDDEN, N_CLASSES = 128, 128, 64


def setup_inputs(seed: int = 0) -> dict:
    key = jax.random.key(seed)
    ks = jax.random.split(key, 16)
    preprocess = jax.random.normal(ks[0], (N0, IN_FEATS), dtype=jnp.float32)
    h_hist_0 = jax.random.normal(ks[1], (N0, N_HIDDEN), dtype=jnp.float32) * 0.1
    h_hist_1 = jax.random.normal(ks[2], (N1, 2 * N_HIDDEN), dtype=jnp.float32) * 0.1
    agg_h_0 = jax.random.normal(ks[3], (N1, N_HIDDEN), dtype=jnp.float32) * 0.1
    agg_h_1 = jax.random.normal(ks[4], (N2, 2 * N_HIDDEN), dtype=jnp.float32) * 0.1
    # block 0: src nodes in layer0 (N0), dst nodes in layer1 (N1)
    src0 = jax.random.randint(ks[5], (E0,), 0, N0, dtype=jnp.int32)
    dst0 = jax.random.randint(ks[6], (E0,), 0, N1, dtype=jnp.int32)
    edge_index_0 = jnp.stack([src0, dst0], axis=0)
    # block 1: src nodes in layer1 (N1), dst nodes in layer2 (N2)
    src1 = jax.random.randint(ks[7], (E1,), 0, N1, dtype=jnp.int32)
    dst1 = jax.random.randint(ks[8], (E1,), 0, N2, dtype=jnp.int32)
    edge_index_1 = jnp.stack([src1, dst1], axis=0)
    # learned parameters (nn.Linear: y = x @ W + b)
    W0 = jax.random.normal(ks[9], (IN_FEATS, N_HIDDEN), dtype=jnp.float32) / np.sqrt(IN_FEATS)
    b0 = jnp.zeros((N_HIDDEN,), dtype=jnp.float32)
    W1 = jax.random.normal(ks[10], (N_HIDDEN, N_HIDDEN), dtype=jnp.float32) / np.sqrt(N_HIDDEN)
    b1 = jnp.zeros((N_HIDDEN,), dtype=jnp.float32)
    W2 = jax.random.normal(ks[11], (2 * N_HIDDEN, N_CLASSES), dtype=jnp.float32) / np.sqrt(2 * N_HIDDEN)
    b2 = jnp.zeros((N_CLASSES,), dtype=jnp.float32)
    return {
        "preprocess": preprocess,
        "h_hist_0": h_hist_0,
        "h_hist_1": h_hist_1,
        "agg_h_0": agg_h_0,
        "agg_h_1": agg_h_1,
        "edge_index_0": edge_index_0,
        "edge_index_1": edge_index_1,
        "W0": W0, "b0": b0,
        "W1": W1, "b1": b1,
        "W2": W2, "b2": b2,
    }


def _mean_agg(h_src, src, dst, num_dst):
    # DGL block_compute(fn.copy_src('h','m'), fn.mean('m','h'))
    msg = jnp.take(h_src, src, axis=0)
    summed = jax.ops.segment_sum(msg, dst, num_segments=num_dst)
    cnt = jax.ops.segment_sum(jnp.ones((src.shape[0],), dtype=h_src.dtype), dst, num_segments=num_dst)
    return summed / jnp.maximum(cnt, 1.0)[:, None]


def reference(preprocess, h_hist_0, h_hist_1, agg_h_0, agg_h_1,
              edge_index_0, edge_index_1, W0, b0, W1, b1, W2, b2):
    # GCNSampling.forward (training path, dropout=0 so no dropout; n_layers=2)
    h = preprocess @ W0 + b0
    # skip_start = (0 == n_layers - 1) is False -> plain activation
    h = jax.nn.relu(h)

    # ---- block 0: NodeUpdate(layer_id=1, n_hidden->n_hidden, concat=True) ----
    h = h - h_hist_0                     # control-variate history subtraction
    mean0 = _mean_agg(h, edge_index_0[0], edge_index_0[1], agg_h_0.shape[0])
    h1 = mean0 + agg_h_0                 # + agg_h_{layer_id-1} = agg_h_0
    h1 = h1 @ W1 + b1
    h1 = jnp.concatenate([h1, jax.nn.relu(h1)], axis=1)  # concat (skip_start layer)

    # ---- block 1: NodeUpdate(layer_id=2, 2*n_hidden->n_classes, no activation) ----
    h1 = h1 - h_hist_1
    mean1 = _mean_agg(h1, edge_index_1[0], edge_index_1[1], agg_h_1.shape[0])
    h2 = mean1 + agg_h_1
    h2 = h2 @ W2 + b2                    # activation=None on final NodeUpdate
    return h2


if False:  # reference __main__ guard neutralized (emitter)
    out = reference(**setup_inputs())
    print(out.shape, out.dtype)

if __name__ == "__main__":
    import jax
    _d = setup_inputs()
    print(jax.jit(kernel)(*tuple(_d.values())))

</pallas_src>

<mosaic_0001>
#map = affine_map<(d0, d1) -> (0, 0)>
#map1 = affine_map<(d0, d1) -> (0)>
#map2 = affine_map<(d0, d1) -> (0, 0, 0, 0)>
module attributes {stable_mosaic.version = 14 : i64} {
  func.func @_agg0(%arg0: i32, %arg1: i32, %arg2: memref<100000x128xf32, #tpu.memory_space<hbm>>, %arg3: memref<401408xi32, #tpu.memory_space<hbm>>, %arg4: memref<2x16x224x112xi32, #tpu.memory_space<hbm>>, %arg5: memref<784x128xf32, #tpu.memory_space<hbm>>, %arg6: memref<25000x128xf32, #tpu.memory_space<hbm>>, %arg7: memref<896xi32, #tpu.memory_space<vmem>>, %arg8: memref<8x112xi32, #tpu.memory_space<vmem>>, %arg9: memref<2x112x128xf32, #tpu.memory_space<vmem>>, %arg10: memref<12512x128xf32, #tpu.memory_space<vmem_shared>>, %arg11: memref<!tpu.dma_semaphore, #tpu.memory_space<semaphore_mem>>, %arg12: memref<!tpu.dma_semaphore, #tpu.memory_space<semaphore_mem>>, %arg13: memref<!tpu.dma_semaphore, #tpu.memory_space<semaphore_mem>>, %arg14: memref<!tpu.dma_semaphore, #tpu.memory_space<semaphore_mem>>) attributes {dimension_semantics = [#tpu.dimension_semantics<core_parallel>, #tpu.dimension_semantics<subcore_parallel>], iteration_bounds = array<i64: 2, 16>, scalar_prefetch = 0 : i64, scratch_operands = 8 : i64, tpu.core_type = #tpu.core_type<sc_vector_subcore>, window_params = [{transform_indices = #map}, {transform_indices = #map1}, {transform_indices = #map2}, {transform_indices = #map}, {transform_indices = #map}]} {
    %eq3A = arith.constant 15 : i32
    %eq3A_0 = arith.cmpi eq, %arg1, %eq3A : i32
    %mul3A = arith.constant 784 : i32
    %mul3A_1 = arith.muli %arg1, %mul3A : i32
    %jit3A = arith.constant 11728 : i32
    %select_n3A = arith.select %eq3A_0, %jit3A, %mul3A_1 : i32
    "tpu.region"() ({
      %run_scoped3A = tpu.sem_alloc : memref<!tpu.dma_semaphore, #tpu.memory_space<semaphore_mem>>
      %dma_start3A = arith.constant 0 : i32
      %dma_start3A_20 = tpu.memref_slice %arg10[%select_n3A, %dma_start3A] : memref<12512x128xf32, #tpu.memory_space<vmem_shared>> -> memref<784x128xf32, #tpu.memory_space<vmem_shared>>
      tpu.enqueue_dma source(%arg5 : memref<784x128xf32, #tpu.memory_space<hbm>>) target(%dma_start3A_20 : memref<784x128xf32, #tpu.memory_space<vmem_shared>>) target_semaphore(%run_scoped3A : memref<!tpu.dma_semaphore, #tpu.memory_space<semaphore_mem>>)
      %dma_wait3A = arith.constant 0 : i32
      %dma_wait3A_21 = tpu.memref_slice %arg10[%select_n3A, %dma_wait3A] : memref<12512x128xf32, #tpu.memory_space<vmem_shared>> -> memref<784x128xf32, #tpu.memory_space<vmem_shared>>
      tpu.wait_dma2 semaphore(%run_scoped3A : memref<!tpu.dma_semaphore, #tpu.memory_space<semaphore_mem>>) src(%arg5 : memref<784x128xf32, #tpu.memory_space<hbm>>) dst(%dma_wait3A_21 : memref<784x128xf32, #tpu.memory_space<vmem_shared>>)
      tpu.yield
    }) : () -> ()
    %barrier3A = arith.constant 0 : index
    tpu.barrier barrier_id(%barrier3A)
    %scan3A = arith.constant 0 : i32
    %scan3A_2 = arith.constant 0 : i32
    %scan3A_3 = arith.constant 28 : i32
    %scan3A_4 = arith.addi %scan3A_2, %scan3A_3 : i32
    %scan3A_5 = arith.constant 1 : i32
    scf.for %scan3A_20 = %scan3A_2 to %scan3A_4 step %scan3A_5  : i32 {
      %mul3A_21 = arith.constant 25088 : i32
      %mul3A_22 = arith.muli %arg1, %mul3A_21 : i32
      %mul3A_23 = arith.constant 896 : i32
      %mul3A_24 = arith.muli %scan3A_20, %mul3A_23 : i32
      %add3A_25 = arith.addi %mul3A_22, %mul3A_24 : i32
      "tpu.region"() ({
        %run_scoped3A = tpu.sem_alloc : memref<!tpu.dma_semaphore, #tpu.memory_space<semaphore_mem>>
        %dma_start3A_378 = tpu.memref_slice %arg3[%add3A_25] : memref<401408xi32, #tpu.memory_space<hbm>> -> memref<896xi32, #tpu.memory_space<hbm>>
        %dma_start3A_379 = tpu.memref_slice %arg3[%add3A_25] : memref<401408xi32, #tpu.memory_space<hbm>> -> memref<896xi32, #tpu.memory_space<hbm>>
        tpu.enqueue_dma source(%dma_start3A_379 : memref<896xi32, #tpu.memory_space<hbm>>) target(%arg7 : memref<896xi32, #tpu.memory_space<vmem>>) target_semaphore(%run_scoped3A : memref<!tpu.dma_semaphore, #tpu.memory_space<semaphore_mem>>)
        %dma_wait3A_380 = tpu.memref_slice %arg3[%add3A_25] : memref<401408xi32, #tpu.memory_space<hbm>> -> memref<896xi32, #tpu.memory_space<hbm>>
        %dma_wait3A_381 = tpu.memref_slice %arg3[%add3A_25] : memref<401408xi32, #tpu.memory_space<hbm>> -> memref<896xi32, #tpu.memory_space<hbm>>
        tpu.wait_dma2 semaphore(%run_scoped3A : memref<!tpu.dma_semaphore, #tpu.memory_space<semaphore_mem>>) src(%dma_wait3A_381 : memref<896xi32, #tpu.memory_space<hbm>>) dst(%arg7 : memref<896xi32, #tpu.memory_space<vmem>>)
        tpu.yield
      }) : () -> ()
      %mul3A_26 = arith.constant 8 : i32
      %mul3A_27 = arith.muli %scan3A_20, %mul3A_26 : i32
      "tpu.region"() ({
        %run_scoped3A = tpu.sem_alloc : memref<!tpu.dma_semaphore, #tpu.memory_space<semaphore_mem>>
        %dma_start3A_378 = arith.constant 0 : i32
        %dma_start3A_379 = tpu.memref_slice %arg4[%arg0, %arg1, %mul3A_27, %dma_start3A_378] : memref<2x16x224x112xi32, #tpu.memory_space<hbm>> -> memref<1x1x8x112xi32, #tpu.memory_space<hbm>>
        %dma_start3A_380 = tpu.memref_squeeze %dma_start3A_379 : memref<1x1x8x112xi32, #tpu.memory_space<hbm>> -> memref<8x112xi32, #tpu.memory_space<hbm>>
        %dma_start3A_381 = arith.constant 0 : i32
        %dma_start3A_382 = tpu.memref_slice %arg4[%arg0, %arg1, %mul3A_27, %dma_start3A_381] : memref<2x16x224x112xi32, #tpu.memory_space<hbm>> -> memref<1x1x8x112xi32, #tpu.memory_space<hbm>>
        %dma_start3A_383 = tpu.memref_squeeze %dma_start3A_382 : memref<1x1x8x112xi32, #tpu.memory_space<hbm>> -> memref<8x112xi32, #tpu.memory_space<hbm>>
        tpu.enqueue_dma source(%dma_start3A_383 : memref<8x112xi32, #tpu.memory_space<hbm>>) target(%arg8 : memref<8x112xi32, #tpu.memory_space<vmem>>) target_semaphore(%run_scoped3A : memref<!tpu.dma_semaphore, #tpu.memory_space<semaphore_mem>>)
        %dma_wait3A_384 = arith.constant 0 : i32
        %dma_wait3A_385 = tpu.memref_slice %arg4[%arg0, %arg1, %mul3A_27, %dma_wait3A_384] : memref<2x16x224x112xi32, #tpu.memory_space<hbm>> -> memref<1x1x8x112xi32, #tpu.memory_space<hbm>>
        %dma_wait3A_386 = tpu.memref_squeeze %dma_wait3A_385 : memref<1x1x8x112xi32, #tpu.memory_space<hbm>> -> memref<8x112xi32, #tpu.memory_space<hbm>>
        %dma_wait3A_387 = arith.constant 0 : i32
        %dma_wait3A_388 = tpu.memref_slice %arg4[%arg0, %arg1, %mul3A_27, %dma_wait3A_387] : memref<2x16x224x112xi32, #tpu.memory_space<hbm>> -> memref<1x1x8x112xi32, #tpu.memory_space<hbm>>
        %dma_wait3A_389 = tpu.memref_squeeze %dma_wait3A_388 : memref<1x1x8x112xi32, #tpu.memory_space<hbm>> -> memref<8x112xi32, #tpu.memory_space<hbm>>
        tpu.wait_dma2 semaphore(%run_scoped3A : memref<!tpu.dma_semaphore, #tpu.memory_space<semaphore_mem>>) src(%dma_wait3A_389 : memref<8x112xi32, #tpu.memory_space<hbm>>) dst(%arg8 : memref<8x112xi32, #tpu.memory_space<vmem>>)
        tpu.yield
      }) : () -> ()
      %dma_start3A = arith.constant 0 : i32
      %dma_start3A_28 = arith.constant 0 : i32
      %dma_start3A_29 = arith.constant 0 : i32
      %dma_start3A_30 = tpu.memref_slice %arg9[%dma_start3A, %dma_start3A_28, %dma_start3A_29] : memref<2x112x128xf32, #tpu.memory_space<vmem>> -> memref<1x112x128xf32, #tpu.memory_space<vmem>>
      %dma_start3A_31 = tpu.memref_squeeze %dma_start3A_30 : memref<1x112x128xf32, #tpu.memory_space<vmem>> -> memref<112x128xf32, #tpu.memory_space<vmem>>
      %dma_start3A_32 = arith.constant 0 : i32
      %dma_start3A_33 = tpu.memref_slice %arg7[%dma_start3A_32] : memref<896xi32, #tpu.memory_space<vmem>> -> memref<112xi32, #tpu.memory_space<vmem>>
      %dma_start3A_34 = arith.constant 0 : i32
      %dma_start3A_35 = arith.constant 0 : i32
      %dma_start3A_36 = tpu.memref_slice %arg2[%dma_start3A_34, %dma_start3A_35] : memref<100000x128xf32, #tpu.memory_space<hbm>> -> memref<100000x128xf32, #tpu.memory_space<hbm>>
      tpu.enqueue_indirect_dma source(%dma_start3A_36 : memref<100000x128xf32, #tpu.memory_space<hbm>>) target(%dma_start3A_31 : memref<112x128xf32, #tpu.memory_space<vmem>>) offsets(%dma_start3A_33 : memref<112xi32, #tpu.memory_space<vmem>>) semaphore(%arg11 : memref<!tpu.dma_semaphore, #tpu.memory_space<semaphore_mem>>)
      %dma_start3A_37 = arith.constant 1 : i32
      %dma_start3A_38 = arith.constant 0 : i32
      %dma_start3A_39 = arith.constant 0 : i32
      %dma_start3A_40 = tpu.memref_slice %arg9[%dma_start3A_37, %dma_start3A_38, %dma_start3A_39] : memref<2x112x128xf32, #tpu.memory_space<vmem>> -> memref<1x112x128xf32, #tpu.memory_space<vmem>>
      %dma_start3A_41 = tpu.memref_squeeze %dma_start3A_40 : memref<1x112x128xf32, #tpu.memory_space<vmem>> -> memref<112x128xf32, #tpu.memory_space<vmem>>
      %dma_start3A_42 = arith.constant 112 : i32
      %dma_start3A_43 = tpu.memref_slice %arg7[%dma_start3A_42] : memref<896xi32, #tpu.memory_space<vmem>> -> memref<112xi32, #tpu.memory_space<vmem>>
      %dma_start3A_44 = arith.constant 0 : i32
      %dma_start3A_45 = arith.constant 0 : i32
      %dma_start3A_46 = tpu.memref_slice %arg2[%dma_start3A_44, %dma_start3A_45] : memref<100000x128xf32, #tpu.memory_space<hbm>> -> memref<100000x128xf32, #tpu.memory_space<hbm>>
      tpu.enqueue_indirect_dma source(%dma_start3A_46 : memref<100000x128xf32, #tpu.memory_space<hbm>>) target(%dma_start3A_41 : memref<112x128xf32, #tpu.memory_space<vmem>>) offsets(%dma_start3A_43 : memref<112xi32, #tpu.memory_space<vmem>>) semaphore(%arg12 : memref<!tpu.dma_semaphore, #tpu.memory_space<semaphore_mem>>)
      %dma_wait3A = arith.constant 0 : i32
      %dma_wait3A_47 = arith.constant 0 : i32
      %dma_wait3A_48 = arith.constant 0 : i32
      %dma_wait3A_49 = tpu.memref_slice %arg9[%dma_wait3A, %dma_wait3A_47, %dma_wait3A_48] : memref<2x112x128xf32, #tpu.memory_space<vmem>> -> memref<1x112x128xf32, #tpu.memory_space<vmem>>
      %dma_wait3A_50 = tpu.memref_squeeze %dma_wait3A_49 : memref<1x112x128xf32, #tpu.memory_space<vmem>> -> memref<112x128xf32, #tpu.memory_space<vmem>>
      %dma_wait3A_51 = arith.constant 0 : i32
      %dma_wait3A_52 = tpu.memref_slice %arg7[%dma_wait3A_51] : memref<896xi32, #tpu.memory_space<vmem>> -> memref<112xi32, #tpu.memory_space<vmem>>
      %dma_wait3A_53 = arith.constant 0 : i32
      %dma_wait3A_54 = arith.constant 0 : i32
      %dma_wait3A_55 = tpu.memref_slice %arg2[%dma_wait3A_53, %dma_wait3A_54] : memref<100000x128xf32, #tpu.memory_space<hbm>> -> memref<100000x128xf32, #tpu.memory_space<hbm>>
      tpu.wait_indirect_dma semaphore(%arg11 : memref<!tpu.dma_semaphore, #tpu.memory_space<semaphore_mem>>) src(%dma_wait3A_55 : memref<100000x128xf32, #tpu.memory_space<hbm>>) dst(%dma_wait3A_50 : memref<112x128xf32, #tpu.memory_space<vmem>>)
      %dma_start3A_56 = arith.constant 0 : i32
      %dma_start3A_57 = arith.constant 0 : i32
      %dma_start3A_58 = arith.constant 0 : i32
      %dma_start3A_59 = arith.constant 0 : i32
      %dma_start3A_60 = tpu.memref_slice %arg9[%dma_start3A_56, %dma_start3A_58, %dma_start3A_59] : memref<2x112x128xf32, #tpu.memory_space<vmem>> -> memref<1x112x128xf32, #tpu.memory_space<vmem>>
      %dma_start3A_61 = tpu.memref_squeeze %dma_start3A_60 : memref<1x112x128xf32, #tpu.memory_space<vmem>> -> memref<112x128xf32, #tpu.memory_space<vmem>>
      %dma_start3A_62 = arith.constant 0 : i32
      %dma_start3A_63 = tpu.memref_slice %arg8[%dma_start3A_57, %dma_start3A_62] : memref<8x112xi32, #tpu.memory_space<vmem>> -> memref<1x112xi32, #tpu.memory_space<vmem>>
      %dma_start3A_64 = tpu.memref_squeeze %dma_start3A_63 : memref<1x112xi32, #tpu.memory_space<vmem>> -> memref<112xi32, #tpu.memory_space<vmem>>
      %dma_start3A_65 = arith.constant 0 : i32
      %dma_start3A_66 = arith.constant 0 : i32
      %dma_start3A_67 = tpu.memref_slice %arg10[%dma_start3A_65, %dma_start3A_66] : memref<12512x128xf32, #tpu.memory_space<vmem_shared>> -> memref<12512x128xf32, #tpu.memory_space<vmem_shared>>
      tpu.enqueue_indirect_dma source(%dma_start3A_61 : memref<112x128xf32, #tpu.memory_space<vmem>>) target(%dma_start3A_67 : memref<12512x128xf32, #tpu.memory_space<vmem_shared>>) offsets(%dma_start3A_64 : memref<112xi32, #tpu.memory_space<vmem>>) semaphore(%arg13 : memref<!tpu.dma_semaphore, #tpu.memory_space<semaphore_mem>>) {add = true}
      %dma_wait3A_68 = arith.constant 0 : i32
      %dma_wait3A_69 = arith.constant 0 : i32
      %dma_wait3A_70 = arith.constant 0 : i32
      %dma_wait3A_71 = arith.constant 0 : i32
      %dma_wait3A_72 = tpu.memref_slice %arg9[%dma_wait3A_68, %dma_wait3A_70, %dma_wait3A_71] : memref<2x112x128xf32, #tpu.memory_space<vmem>> -> memref<1x112x128xf32, #tpu.memory_space<vmem>>
      %dma_wait3A_73 = tpu.memref_squeeze %dma_wait3A_72 : memref<1x112x128xf32, #tpu.memory_space<vmem>> -> memref<112x128xf32, #tpu.memory_space<vmem>>
      %dma_wait3A_74 = arith.constant 0 : i32
      %dma_wait3A_75 = tpu.memref_slice %arg8[%dma_wait3A_69, %dma_wait3A_74] : memref<8x112xi32, #tpu.memory_space<vmem>> -> memref<1x112xi32, #tpu.memory_space<vmem>>
      %dma_wait3A_76 = tpu.memref_squeeze %dma_wait3A_75 : memref<1x112xi32, #tpu.memory_space<vmem>> -> memref<112xi32, #tpu.memory_space<vmem>>
      %dma_wait3A_77 = arith.constant 0 : i32
      %dma_wait3A_78 = arith.constant 0 : i32
      %dma_wait3A_79 = tpu.memref_slice %arg10[%dma_wait3A_77, %dma_wait3A_78] : memref<12512x128xf32, #tpu.memory_space<vmem_shared>> -> memref<12512x128xf32, #tpu.memory_space<vmem_shared>>
      tpu.wait_indirect_dma semaphore(%arg13 : memref<!tpu.dma_semaphore, #tpu.memory_space<semaphore_mem>>) src(%dma_wait3A_73 : memref<112x128xf32, #tpu.memory_space<vmem>>) dst(%dma_wait3A_79 : memref<12512x128xf32, #tpu.memory_space<vmem_shared>>)
      %dma_start3A_80 = arith.constant 0 : i32
      %dma_start3A_81 = arith.constant 0 : i32
      %dma_start3A_82 = arith.constant 0 : i32
      %dma_start3A_83 = tpu.memref_slice %arg9[%dma_start3A_80, %dma_start3A_81, %dma_start3A_82] : memref<2x112x128xf32, #tpu.memory_space<vmem>> -> memref<1x112x128xf32, #tpu.memory_space<vmem>>
      %dma_start3A_84 = tpu.memref_squeeze %dma_start3A_83 : memref<1x112x128xf32, #tpu.memory_space<vmem>> -> memref<112x128xf32, #tpu.memory_space<vmem>>
      %dma_start3A_85 = arith.constant 224 : i32
      %dma_start3A_86 = tpu.memref_slice %arg7[%dma_start3A_85] : memref<896xi32, #tpu.memory_space<vmem>> -> memref<112xi32, #tpu.memory_space<vmem>>
      %dma_start3A_87 = arith.constant 0 : i32
      %dma_start3A_88 = arith.constant 0 : i32
      %dma_start3A_89 = tpu.memref_slice %arg2[%dma_start3A_87, %dma_start3A_88] : memref<100000x128xf32, #tpu.memory_space<hbm>> -> memref<100000x128xf32, #tpu.memory_space<hbm>>
      tpu.enqueue_indirect_dma source(%dma_start3A_89 : memref<100000x128xf32, #tpu.memory_space<hbm>>) target(%dma_start3A_84 : memref<112x128xf32, #tpu.memory_space<vmem>>) offsets(%dma_start3A_86 : memref<112xi32, #tpu.memory_space<vmem>>) semaphore(%arg11 : memref<!tpu.dma_semaphore, #tpu.memory_space<semaphore_mem>>)
      %dma_wait3A_90 = arith.constant 1 : i32
      %dma_wait3A_91 = arith.constant 0 : i32
      %dma_wait3A_92 = arith.constant 0 : i32
      %dma_wait3A_93 = tpu.memref_slice %arg9[%dma_wait3A_90, %dma_wait3A_91, %dma_wait3A_92] : memref<2x112x128xf32, #tpu.memory_space<vmem>> -> memref<1x112x128xf32, #tpu.memory_space<vmem>>
      %dma_wait3A_94 = tpu.memref_squeeze %dma_wait3A_93 : memref<1x112x128xf32, #tpu.memory_space<vmem>> -> memref<112x128xf32, #tpu.memory_space<vmem>>
      %dma_wait3A_95 = arith.constant 112 : i32
      %dma_wait3A_96 = tpu.memref_slice %arg7[%dma_wait3A_95] : memref<896xi32, #tpu.memory_space<vmem>> -> memref<112xi32, #tpu.memory_space<vmem>>
      %dma_wait3A_97 = arith.constant 0 : i32
      %dma_wait3A_98 = arith.constant 0 : i32
      %dma_wait3A_99 = tpu.memref_slice %arg2[%dma_wait3A_97, %dma_wait3A_98] : memref<100000x128xf32, #tpu.memory_space<hbm>> -> memref<100000x128xf32, #tpu.memory_space<hbm>>
      tpu.wait_indirect_dma semaphore(%arg12 : memref<!tpu.dma_semaphore, #tpu.memory_space<semaphore_mem>>) src(%dma_wait3A_99 : memref<100000x128xf32, #tpu.memory_space<hbm>>) dst(%dma_wait3A_94 : memref<112x128xf32, #tpu.memory_space<vmem>>)
      %dma_start3A_100 = arith.constant 1 : i32
      %dma_start3A_101 = arith.constant 1 : i32
      %dma_start3A_102 = arith.constant 0 : i32
      %dma_start3A_103 = arith.constant 0 : i32
      %dma_start3A_104 = tpu.memref_slice %arg9[%dma_start3A_100, %dma_start3A_102, %dma_start3A_103] : memref<2x112x128xf32, #tpu.memory_space<vmem>> -> memref<1x112x128xf32, #tpu.memory_space<vmem>>
      %dma_start3A_105 = tpu.memref_squeeze %dma_start3A_104 : memref<1x112x128xf32, #tpu.memory_space<vmem>> -> memref<112x128xf32, #tpu.memory_space<vmem>>
      %dma_start3A_106 = arith.constant 0 : i32
      %dma_start3A_107 = tpu.memref_slice %arg8[%dma_start3A_101, %dma_start3A_106] : memref<8x112xi32, #tpu.memory_space<vmem>> -> memref<1x112xi32, #tpu.memory_space<vmem>>
      %dma_start3A_108 = tpu.memref_squeeze %dma_start3A_107 : memref<1x112xi32, #tpu.memory_space<vmem>> -> memref<112xi32, #tpu.memory_space<vmem>>
      %dma_start3A_109 = arith.constant 0 : i32
      %dma_start3A_110 = arith.constant 0 : i32
      %dma_start3A_111 = tpu.memref_slice %arg10[%dma_start3A_109, %dma_start3A_110] : memref<12512x128xf32, #tpu.memory_space<vmem_shared>> -> memref<12512x128xf32, #tpu.memory_space<vmem_shared>>
      tpu.enqueue_indirect_dma source(%dma_start3A_105 : memref<112x128xf32, #tpu.memory_space<vmem>>) target(%dma_start3A_111 : memref<12512x128xf32, #tpu.memory_space<vmem_shared>>) offsets(%dma_start3A_108 : memref<112xi32, #tpu.memory_space<vmem>>) semaphore(%arg14 : memref<!tpu.dma_semaphore, #tpu.memory_space<semaphore_mem>>) {add = true}
      %dma_wait3A_112 = arith.constant 1 : i32
      %dma_wait3A_113 = arith.constant 1 : i32
      %dma_wait3A_114 = arith.constant 0 : i32
      %dma_wait3A_115 = arith.constant 0 : i32
      %dma_wait3A_116 = tpu.memref_slice %arg9[%dma_wait3A_112, %dma_wait3A_114, %dma_wait3A_115] : memref<2x112x128xf32, #tpu.memory_space<vmem>> -> memref<1x112x128xf32, #tpu.memory_space<vmem>>
      %dma_wait3A_117 = tpu.memref_squeeze %dma_wait3A_116 : memref<1x112x128xf32, #tpu.memory_space<vmem>> -> memref<112x128xf32, #tpu.memory_space<vmem>>
      %dma_wait3A_118 = arith.constant 0 : i32
      %dma_wait3A_119 = tpu.memref_slice %arg8[%dma_wait3A_113, %dma_wait3A_118] : memref<8x112xi32, #tpu.memory_space<vmem>> -> memref<1x112xi32, #tpu.memory_space<vmem>>
      %dma_wait3A_120 = tpu.memref_squeeze %dma_wait3A_119 : memref<1x112xi32, #tpu.memory_space<vmem>> -> memref<112xi32, #tpu.memory_space<vmem>>
      %dma_wait3A_121 = arith.constant 0 : i32
      %dma_wait3A_122 = arith.constant 0 : i32
      %dma_wait3A_123 = tpu.memref_slice %arg10[%dma_wait3A_121, %dma_wait3A_122] : memref<12512x128xf32, #tpu.memory_space<vmem_shared>> -> memref<12512x128xf32, #tpu.memory_space<vmem_shared>>
      tpu.wait_indirect_dma semaphore(%arg14 : memref<!tpu.dma_semaphore, #tpu.memory_space<semaphore_mem>>) src(%dma_wait3A_117 : memref<112x128xf32, #tpu.memory_space<vmem>>) dst(%dma_wait3A_123 : memref<12512x128xf32, #tpu.memory_space<vmem_shared>>)
      %dma_start3A_124 = arith.constant 1 : i32
      %dma_start3A_125 = arith.constant 0 : i32
      %dma_start3A_126 = arith.constant 0 : i32
      %dma_start3A_127 = tpu.memref_slice %arg9[%dma_start3A_124, %dma_start3A_125, %dma_start3A_126] : memref<2x112x128xf32, #tpu.memory_space<vmem>> -> memref<1x112x128xf32, #tpu.memory_space<vmem>>
      %dma_start3A_128 = tpu.memref_squeeze %dma_start3A_127 : memref<1x112x128xf32, #tpu.memory_space<vmem>> -> memref<112x128xf32, #tpu.memory_space<vmem>>
      %dma_start3A_129 = arith.constant 336 : i32
      %dma_start3A_130 = tpu.memref_slice %arg7[%dma_start3A_129] : memref<896xi32, #tpu.memory_space<vmem>> -> memref<112xi32, #tpu.memory_space<vmem>>
      %dma_start3A_131 = arith.constant 0 : i32
      %dma_start3A_132 = arith.constant 0 : i32
      %dma_start3A_133 = tpu.memref_slice %arg2[%dma_start3A_131, %dma_start3A_132] : memref<100000x128xf32, #tpu.memory_space<hbm>> -> memref<100000x128xf32, #tpu.memory_space<hbm>>
      tpu.enqueue_indirect_dma source(%dma_start3A_133 : memref<100000x128xf32, #tpu.memory_space<hbm>>) target(%dma_start3A_128 : memref<112x128xf32, #tpu.memory_space<vmem>>) offsets(%dma_start3A_130 : memref<112xi32, #tpu.memory_space<vmem>>) semaphore(%arg12 : memref<!tpu.dma_semaphore, #tpu.memory_space<semaphore_mem>>)
      %dma_wait3A_134 = arith.constant 0 : i32
      %dma_wait3A_135 = arith.constant 0 : i32
      %dma_wait3A_136 = arith.constant 0 : i32
      %dma_wait3A_137 = tpu.memref_slice %arg9[%dma_wait3A_134, %dma_wait3A_135, %dma_wait3A_136] : memref<2x112x128xf32, #tpu.memory_space<vmem>> -> memref<1x112x128xf32, #tpu.memory_space<vmem>>
      %dma_wait3A_138 = tpu.memref_squeeze %dma_wait3A_137 : memref<1x112x128xf32, #tpu.memory_space<vmem>> -> memref<112x128xf32, #tpu.memory_space<vmem>>
      %dma_wait3A_139 = arith.constant 224 : i32
      %dma_wait3A_140 = tpu.memref_slice %arg7[%dma_wait3A_139] : memref<896xi32, #tpu.memory_space<vmem>> -> memref<112xi32, #tpu.memory_space<vmem>>
      %dma_wait3A_141 = arith.constant 0 : i32
      %dma_wait3A_142 = arith.constant 0 : i32
      %dma_wait3A_143 = tpu.memref_slice %arg2[%dma_wait3A_141, %dma_wait3A_142] : memref<100000x128xf32, #tpu.memory_space<hbm>> -> memref<100000x128xf32, #tpu.memory_space<hbm>>
      tpu.wait_indirect_dma semaphore(%arg11 : memref<!tpu.dma_semaphore, #tpu.memory_space<semaphore_mem>>) src(%dma_wait3A_143 : memref<100000x128xf32, #tpu.memory_space<hbm>>) dst(%dma_wait3A_138 : memref<112x128xf32, #tpu.memory_space<vmem>>)
      %dma_start3A_144 = arith.constant 0 : i32
      %dma_start3A_145 = arith.constant 2 : i32
      %dma_start3A_146 = arith.constant 0 : i32
      %dma_start3A_147 = arith.constant 0 : i32
      %dma_start3A_148 = tpu.memref_slice %arg9[%dma_start3A_144, %dma_start3A_146, %dma_start3A_147] : memref<2x112x128xf32, #tpu.memory_space<vmem>> -> memref<1x112x128xf32, #tpu.memory_space<vmem>>
      %dma_start3A_149 = tpu.memref_squeeze %dma_start3A_148 : memref<1x112x128xf32, #tpu.memory_space<vmem>> -> memref<112x128xf32, #tpu.memory_space<vmem>>
      %dma_start3A_150 = arith.constant 0 : i32
      %dma_start3A_151 = tpu.memref_slice %arg8[%dma_start3A_145, %dma_start3A_150] : memref<8x112xi32, #tpu.memory_space<vmem>> -> memref<1x112xi32, #tpu.memory_space<vmem>>
      %dma_start3A_152 = tpu.memref_squeeze %dma_start3A_151 : memref<1x112xi32, #tpu.memory_space<vmem>> -> memref<112xi32, #tpu.memory_space<vmem>>
      %dma_start3A_153 = arith.constant 0 : i32
      %dma_start3A_154 = arith.constant 0 : i32
      %dma_start3A_155 = tpu.memref_slice %arg10[%dma_start3A_153, %dma_start3A_154] : memref<12512x128xf32, #tpu.memory_space<vmem_shared>> -> memref<12512x128xf32, #tpu.memory_space<vmem_shared>>
      tpu.enqueue_indirect_dma source(%dma_start3A_149 : memref<112x128xf32, #tpu.memory_space<vmem>>) target(%dma_start3A_155 : memref<12512x128xf32, #tpu.memory_space<vmem_shared>>) offsets(%dma_start3A_152 : memref<112xi32, #tpu.memory_space<vmem>>) semaphore(%arg13 : memref<!tpu.dma_semaphore, #tpu.memory_space<semaphore_mem>>) {add = true}
      %dma_wait3A_156 = arith.constant 0 : i32
      %dma_wait3A_157 = arith.constant 2 : i32
      %dma_wait3A_158 = arith.constant 0 : i32
      %dma_wait3A_159 = arith.constant 0 : i32
      %dma_wait3A_160 = tpu.memref_slice %arg9[%dma_wait3A_156, %dma_wait3A_158, %dma_wait3A_159] : memref<2x112x128xf32, #tpu.memory_space<vmem>> -> memref<1x112x128xf32, #tpu.memory_space<vmem>>
      %dma_wait3A_161 = tpu.memref_squeeze %dma_wait3A_160 : memref<1x112x128xf32, #tpu.memory_space<vmem>> -> memref<112x128xf32, #tpu.memory_space<vmem>>
      %dma_wait3A_162 = arith.constant 0 : i32
      %dma_wait3A_163 = tpu.memref_slice %arg8[%dma_wait3A_157, %dma_wait3A_162] : memref<8x112xi32, #tpu.memory_space<vmem>> -> memref<1x112xi32, #tpu.memory_space<vmem>>
      %dma_wait3A_164 = tpu.memref_squeeze %dma_wait3A_163 : memref<1x112xi32, #tpu.memory_space<vmem>> -> memref<112xi32, #tpu.memory_space<vmem>>
      %dma_wait3A_165 = arith.constant 0 : i32
      %dma_wait3A_166 = arith.constant 0 : i32
      %dma_wait3A_167 = tpu.memref_slice %arg10[%dma_wait3A_165, %dma_wait3A_166] : memref<12512x128xf32, #tpu.memory_space<vmem_shared>> -> memref<12512x128xf32, #tpu.memory_space<vmem_shared>>
      tpu.wait_indirect_dma semaphore(%arg13 : memref<!tpu.dma_semaphore, #tpu.memory_space<semaphore_mem>>) src(%dma_wait3A_161 : memref<112x128xf32, #tpu.memory_space<vmem>>) dst(%dma_wait3A_167 : memref<12512x128xf32, #tpu.memory_space<vmem_shared>>)
      %dma_start3A_168 = arith.constant 0 : i32
      %dma_start3A_169 = arith.constant 0 : i32
      %dma_start3A_170 = arith.constant 0 : i32
      %dma_start3A_171 = tpu.memref_slice %arg9[%dma_start3A_168, %dma_start3A_169, %dma_start3A_170] : memref<2x112x128xf32, #tpu.memory_space<vmem>> -> memref<1x112x128xf32, #tpu.memory_space<vmem>>
      %dma_start3A_172 = tpu.memref_squeeze %dma_start3A_171 : memref<1x112x128xf32, #tpu.memory_space<vmem>> -> memref<112x128xf32, #tpu.memory_space<vmem>>
      %dma_start3A_173 = arith.constant 448 : i32
      %dma_start3A_174 = tpu.memref_slice %arg7[%dma_start3A_173] : memref<896xi32, #tpu.memory_space<vmem>> -> memref<112xi32, #tpu.memory_space<vmem>>
      %dma_start3A_175 = arith.constant 0 : i32
      %dma_start3A_176 = arith.constant 0 : i32
      %dma_start3A_177 = tpu.memref_slice %arg2[%dma_start3A_175, %dma_start3A_176] : memref<100000x128xf32, #tpu.memory_space<hbm>> -> memref<100000x128xf32, #tpu.memory_space<hbm>>
      tpu.enqueue_indirect_dma source(%dma_start3A_177 : memref<100000x128xf32, #tpu.memory_space<hbm>>) target(%dma_start3A_172 : memref<112x128xf32, #tpu.memory_space<vmem>>) offsets(%dma_start3A_174 : memref<112xi32, #tpu.memory_space<vmem>>) semaphore(%arg11 : memref<!tpu.dma_semaphore, #tpu.memory_space<semaphore_mem>>)
      %dma_wait3A_178 = arith.constant 1 : i32
      %dma_wait3A_179 = arith.constant 0 : i32
      %dma_wait3A_180 = arith.constant 0 : i32
      %dma_wait3A_181 = tpu.memref_slice %arg9[%dma_wait3A_178, %dma_wait3A_179, %dma_wait3A_180] : memref<2x112x128xf32, #tpu.memory_space<vmem>> -> memref<1x112x128xf32, #tpu.memory_space<vmem>>
      %dma_wait3A_182 = tpu.memref_squeeze %dma_wait3A_181 : memref<1x112x128xf32, #tpu.memory_space<vmem>> -> memref<112x128xf32, #tpu.memory_space<vmem>>
      %dma_wait3A_183 = arith.constant 336 : i32
      %dma_wait3A_184 = tpu.memref_slice %arg7[%dma_wait3A_183] : memref<896xi32, #tpu.memory_space<vmem>> -> memref<112xi32, #tpu.memory_space<vmem>>
      %dma_wait3A_185 = arith.constant 0 : i32
      %dma_wait3A_186 = arith.constant 0 : i32
      %dma_wait3A_187 = tpu.memref_slice %arg2[%dma_wait3A_185, %dma_wait3A_186] : memref<100000x128xf32, #tpu.memory_space<hbm>> -> memref<100000x128xf32, #tpu.memory_space<hbm>>
      tpu.wait_indirect_dma semaphore(%arg12 : memref<!tpu.dma_semaphore, #tpu.memory_space<semaphore_mem>>) src(%dma_wait3A_187 : memref<100000x128xf32, #tpu.memory_space<hbm>>) dst(%dma_wait3A_182 : memref<112x128xf32, #tpu.memory_space<vmem>>)
      %dma_start3A_188 = arith.constant 1 : i32
      %dma_start3A_189 = arith.constant 3 : i32
      %dma_start3A_190 = arith.constant 0 : i32
      %dma_start3A_191 = arith.constant 0 : i32
      %dma_start3A_192 = tpu.memref_slice %arg9[%dma_start3A_188, %dma_start3A_190, %dma_start3A_191] : memref<2x112x128xf32, #tpu.memory_space<vmem>> -> memref<1x112x128xf32, #tpu.memory_space<vmem>>
      %dma_start3A_193 = tpu.memref_squeeze %dma_start3A_192 : memref<1x112x128xf32, #tpu.memory_space<vmem>> -> memref<112x128xf32, #tpu.memory_space<vmem>>
      %dma_start3A_194 = arith.constant 0 : i32
      %dma_start3A_195 = tpu.memref_slice %arg8[%dma_start3A_189, %dma_start3A_194] : memref<8x112xi32, #tpu.memory_space<vmem>> -> memref<1x112xi32, #tpu.memory_space<vmem>>
      %dma_start3A_196 = tpu.memref_squeeze %dma_start3A_195 : memref<1x112xi32, #tpu.memory_space<vmem>> -> memref<112xi32, #tpu.memory_space<vmem>>
      %dma_start3A_197 = arith.constant 0 : i32
      %dma_start3A_198 = arith.constant 0 : i32
      %dma_start3A_199 = tpu.memref_slice %arg10[%dma_start3A_197, %dma_start3A_198] : memref<12512x128xf32, #tpu.memory_space<vmem_shared>> -> memref<12512x128xf32, #tpu.memory_space<vmem_shared>>
      tpu.enqueue_indirect_dma source(%dma_start3A_193 : memref<112x128xf32, #tpu.memory_space<vmem>>) target(%dma_start3A_199 : memref<12512x128xf32, #tpu.memory_space<vmem_shared>>) offsets(%dma_start3A_196 : memref<112xi32, #tpu.memory_space<vmem>>) semaphore(%arg14 : memref<!tpu.dma_semaphore, #tpu.memory_space<semaphore_mem>>) {add = true}
      %dma_wait3A_200 = arith.constant 1 : i32
      %dma_wait3A_201 = arith.constant 3 : i32
      %dma_wait3A_202 = arith.constant 0 : i32
      %dma_wait3A_203 = arith.constant 0 : i32
      %dma_wait3A_204 = tpu.memref_slice %arg9[%dma_wait3A_200, %dma_wait3A_202, %dma_wait3A_203] : memref<2x112x128xf32, #tpu.memory_space<vmem>> -> memref<1x112x128xf32, #tpu.memory_space<vmem>>
      %dma_wait3A_205 = tpu.memref_squeeze %dma_wait3A_204 : memref<1x112x128xf32, #tpu.memory_space<vmem>> -> memref<112x128xf32, #tpu.memory_space<vmem>>
      %dma_wait3A_206 = arith.constant 0 : i32
      %dma_wait3A_207 = tpu.memref_slice %arg8[%dma_wait3A_201, %dma_wait3A_206] : memref<8x112xi32, #tpu.memory_space<vmem>> -> memref<1x112xi32, #tpu.memory_space<vmem>>
      %dma_wait3A_208 = tpu.memref_squeeze %dma_wait3A_207 : memref<1x112xi32, #tpu.memory_space<vmem>> -> memref<112xi32, #tpu.memory_space<vmem>>
      %dma_wait3A_209 = arith.constant 0 : i32
      %dma_wait3A_210 = arith.constant 0 : i32
      %dma_wait3A_211 = tpu.memref_slice %arg10[%dma_wait3A_209, %dma_wait3A_210] : memref<12512x128xf32, #tpu.memory_space<vmem_shared>> -> memref<12512x128xf32, #tpu.memory_space<vmem_shared>>
      tpu.wait_indirect_dma semaphore(%arg14 : memref<!tpu.dma_semaphore, #tpu.memory_space<semaphore_mem>>) src(%dma_wait3A_205 : memref<112x128xf32, #tpu.memory_space<vmem>>) dst(%dma_wait3A_211 : memref<12512x128xf32, #tpu.memory_space<vmem_shared>>)
      %dma_start3A_212 = arith.constant 1 : i32
      %dma_start3A_213 = arith.constant 0 : i32
      %dma_start3A_214 = arith.constant 0 : i32
      %dma_start3A_215 = tpu.memref_slice %arg9[%dma_start3A_212, %dma_start3A_213, %dma_start3A_214] : memref<2x112x128xf32, #tpu.memory_space<vmem>> -> memref<1x112x128xf32, #tpu.memory_space<vmem>>
      %dma_start3A_216 = tpu.memref_squeeze %dma_start3A_215 : memref<1x112x128xf32, #tpu.memory_space<vmem>> -> memref<112x128xf32, #tpu.memory_space<vmem>>
      %dma_start3A_217 = arith.constant 560 : i32
      %dma_start3A_218 = tpu.memref_slice %arg7[%dma_start3A_217] : memref<896xi32, #tpu.memory_space<vmem>> -> memref<112xi32, #tpu.memory_space<vmem>>
      %dma_start3A_219 = arith.constant 0 : i32
      %dma_start3A_220 = arith.constant 0 : i32
      %dma_start3A_221 = tpu.memref_slice %arg2[%dma_start3A_219, %dma_start3A_220] : memref<100000x128xf32, #tpu.memory_space<hbm>> -> memref<100000x128xf32, #tpu.memory_space<hbm>>
      tpu.enqueue_indirect_dma source(%dma_start3A_221 : memref<100000x128xf32, #tpu.memory_space<hbm>>) target(%dma_start3A_216 : memref<112x128xf32, #tpu.memory_space<vmem>>) offsets(%dma_start3A_218 : memref<112xi32, #tpu.memory_space<vmem>>) semaphore(%arg12 : memref<!tpu.dma_semaphore, #tpu.memory_space<semaphore_mem>>)
      %dma_wait3A_222 = arith.constant 0 : i32
      %dma_wait3A_223 = arith.constant 0 : i32
      %dma_wait3A_224 = arith.constant 0 : i32
      %dma_wait3A_225 = tpu.memref_slice %arg9[%dma_wait3A_222, %dma_wait3A_223, %dma_wait3A_224] : memref<2x112x128xf32, #tpu.memory_space<vmem>> -> memref<1x112x128xf32, #tpu.memory_space<vmem>>
      %dma_wait3A_226 = tpu.memref_squeeze %dma_wait3A_225 : memref<1x112x128xf32, #tpu.memory_space<vmem>> -> memref<112x128xf32, #tpu.memory_space<vmem>>
      %dma_wait3A_227 = arith.constant 448 : i32
      %dma_wait3A_228 = tpu.memref_slice %arg7[%dma_wait3A_227] : memref<896xi32, #tpu.memory_space<vmem>> -> memref<112xi32, #tpu.memory_space<vmem>>
      %dma_wait3A_229 = arith.constant 0 : i32
      %dma_wait3A_230 = arith.constant 0 : i32
      %dma_wait3A_231 = tpu.memref_slice %arg2[%dma_wait3A_229, %dma_wait3A_230] : memref<100000x128xf32, #tpu.memory_space<hbm>> -> memref<100000x128xf32, #tpu.memory_space<hbm>>
      tpu.wait_indirect_dma semaphore(%arg11 : memref<!tpu.dma_semaphore, #tpu.memory_space<semaphore_mem>>) src(%dma_wait3A_231 : memref<100000x128xf32, #tpu.memory_space<hbm>>) dst(%dma_wait3A_226 : memref<112x128xf32, #tpu.memory_space<vmem>>)
      %dma_start3A_232 = arith.constant 0 : i32
      %dma_start3A_233 = arith.constant 4 : i32
      %dma_start3A_234 = arith.constant 0 : i32
      %dma_start3A_235 = arith.constant 0 : i32
      %dma_start3A_236 = tpu.memref_slice %arg9[%dma_start3A_232, %dma_start3A_234, %dma_start3A_235] : memref<2x112x128xf32, #tpu.memory_space<vmem>> -> memref<1x112x128xf32, #tpu.memory_space<vmem>>
      %dma_start3A_237 = tpu.memref_squeeze %dma_start3A_236 : memref<1x112x128xf32, #tpu.memory_space<vmem>> -> memref<112x128xf32, #tpu.memory_space<vmem>>
      %dma_start3A_238 = arith.constant 0 : i32
      %dma_start3A_239 = tpu.memref_slice %arg8[%dma_start3A_233, %dma_start3A_238] : memref<8x112xi32, #tpu.memory_space<vmem>> -> memref<1x112xi32, #tpu.memory_space<vmem>>
      %dma_start3A_240 = tpu.memref_squeeze %dma_start3A_239 : memref<1x112xi32, #tpu.memory_space<vmem>> -> memref<112xi32, #tpu.memory_space<vmem>>
      %dma_start3A_241 = arith.constant 0 : i32
      %dma_start3A_242 = arith.constant 0 : i32
      %dma_start3A_243 = tpu.memref_slice %arg10[%dma_start3A_241, %dma_start3A_242] : memref<12512x128xf32, #tpu.memory_space<vmem_shared>> -> memref<12512x128xf32, #tpu.memory_space<vmem_shared>>
      tpu.enqueue_indirect_dma source(%dma_start3A_237 : memref<112x128xf32, #tpu.memory_space<vmem>>) target(%dma_start3A_243 : memref<12512x128xf32, #tpu.memory_space<vmem_shared>>) offsets(%dma_start3A_240 : memref<112xi32, #tpu.memory_space<vmem>>) semaphore(%arg13 : memref<!tpu.dma_semaphore, #tpu.memory_space<semaphore_mem>>) {add = true}
      %dma_wait3A_244 = arith.constant 0 : i32
      %dma_wait3A_245 = arith.constant 4 : i32
      %dma_wait3A_246 = arith.constant 0 : i32
      %dma_wait3A_247 = arith.constant 0 : i32
      %dma_wait3A_248 = tpu.memref_slice %arg9[%dma_wait3A_244, %dma_wait3A_246, %dma_wait3A_247] : memref<2x112x128xf32, #tpu.memory_space<vmem>> -> memref<1x112x128xf32, #tpu.memory_space<vmem>>
      %dma_wait3A_249 = tpu.memref_squeeze %dma_wait3A_248 : memref<1x112x128xf32, #tpu.memory_space<vmem>> -> memref<112x128xf32, #tpu.memory_space<vmem>>
      %dma_wait3A_250 = arith.constant 0 : i32
      %dma_wait3A_251 = tpu.memref_slice %arg8[%dma_wait3A_245, %dma_wait3A_250] : memref<8x112xi32, #tpu.memory_space<vmem>> -> memref<1x112xi32, #tpu.memory_space<vmem>>
      %dma_wait3A_252 = tpu.memref_squeeze %dma_wait3A_251 : memref<1x112xi32, #tpu.memory_space<vmem>> -> memref<112xi32, #tpu.memory_space<vmem>>
      %dma_wait3A_253 = arith.constant 0 : i32
      %dma_wait3A_254 = arith.constant 0 : i32
      %dma_wait3A_255 = tpu.memref_slice %arg10[%dma_wait3A_253, %dma_wait3A_254] : memref<12512x128xf32, #tpu.memory_space<vmem_shared>> -> memref<12512x128xf32, #tpu.memory_space<vmem_shared>>
      tpu.wait_indirect_dma semaphore(%arg13 : memref<!tpu.dma_semaphore, #tpu.memory_space<semaphore_mem>>) src(%dma_wait3A_249 : memref<112x128xf32, #tpu.memory_space<vmem>>) dst(%dma_wait3A_255 : memref<12512x128xf32, #tpu.memory_space<vmem_shared>>)
      %dma_start3A_256 = arith.constant 0 : i32
      %dma_start3A_257 = arith.constant 0 : i32
      %dma_start3A_258 = arith.constant 0 : i32
      %dma_start3A_259 = tpu.memref_slice %arg9[%dma_start3A_256, %dma_start3A_257, %dma_start3A_258] : memref<2x112x128xf32, #tpu.memory_space<vmem>> -> memref<1x112x128xf32, #tpu.memory_space<vmem>>
      %dma_start3A_260 = tpu.memref_squeeze %dma_start3A_259 : memref<1x112x128xf32, #tpu.memory_space<vmem>> -> memref<112x128xf32, #tpu.memory_space<vmem>>
      %dma_start3A_261 = arith.constant 672 : i32
      %dma_start3A_262 = tpu.memref_slice %arg7[%dma_start3A_261] : memref<896xi32, #tpu.memory_space<vmem>> -> memref<112xi32, #tpu.memory_space<vmem>>
      %dma_start3A_263 = arith.constant 0 : i32
      %dma_start3A_264 = arith.constant 0 : i32
      %dma_start3A_265 = tpu.memref_slice %arg2[%dma_start3A_263, %dma_start3A_264] : memref<100000x128xf32, #tpu.memory_space<hbm>> -> memref<100000x128xf32, #tpu.memory_space<hbm>>
      tpu.enqueue_indirect_dma source(%dma_start3A_265 : memref<100000x128xf32, #tpu.memory_space<hbm>>) target(%dma_start3A_260 : memref<112x128xf32, #tpu.memory_space<vmem>>) offsets(%dma_start3A_262 : memref<112xi32, #tpu.memory_space<vmem>>) semaphore(%arg11 : memref<!tpu.dma_semaphore, #tpu.memory_space<semaphore_mem>>)
      %dma_wait3A_266 = arith.constant 1 : i32
      %dma_wait3A_267 = arith.constant 0 : i32
      %dma_wait3A_268 = arith.constant 0 : i32
      %dma_wait3A_269 = tpu.memref_slice %arg9[%dma_wait3A_266, %dma_wait3A_267, %dma_wait3A_268] : memref<2x112x128xf32, #tpu.memory_space<vmem>> -> memref<1x112x128xf32, #tpu.memory_space<vmem>>
      %dma_wait3A_270 = tpu.memref_squeeze %dma_wait3A_269 : memref<1x112x128xf32, #tpu.memory_space<vmem>> -> memref<112x128xf32, #tpu.memory_space<vmem>>
      %dma_wait3A_271 = arith.constant 560 : i32
      %dma_wait3A_272 = tpu.memref_slice %arg7[%dma_wait3A_271] : memref<896xi32, #tpu.memory_space<vmem>> -> memref<112xi32, #tpu.memory_space<vmem>>
      %dma_wait3A_273 = arith.constant 0 : i32
      %dma_wait3A_274 = arith.constant 0 : i32
      %dma_wait3A_275 = tpu.memref_slice %arg2[%dma_wait3A_273, %dma_wait3A_274] : memref<100000x128xf32, #tpu.memory_space<hbm>> -> memref<100000x128xf32, #tpu.memory_space<hbm>>
      tpu.wait_indirect_dma semaphore(%arg12 : memref<!tpu.dma_semaphore, #tpu.memory_space<semaphore_mem>>) src(%dma_wait3A_275 : memref<100000x128xf32, #tpu.memory_space<hbm>>) dst(%dma_wait3A_270 : memref<112x128xf32, #tpu.memory_space<vmem>>)
      %dma_start3A_276 = arith.constant 1 : i32
      %dma_start3A_277 = arith.constant 5 : i32
      %dma_start3A_278 = arith.constant 0 : i32
      %dma_start3A_279 = arith.constant 0 : i32
      %dma_start3A_280 = tpu.memref_slice %arg9[%dma_start3A_276, %dma_start3A_278, %dma_start3A_279] : memref<2x112x128xf32, #tpu.memory_space<vmem>> -> memref<1x112x128xf32, #tpu.memory_space<vmem>>
      %dma_start3A_281 = tpu.memref_squeeze %dma_start3A_280 : memref<1x112x128xf32, #tpu.memory_space<vmem>> -> memref<112x128xf32, #tpu.memory_space<vmem>>
      %dma_start3A_282 = arith.constant 0 : i32
      %dma_start3A_283 = tpu.memref_slice %arg8[%dma_start3A_277, %dma_start3A_282] : memref<8x112xi32, #tpu.memory_space<vmem>> -> memref<1x112xi32, #tpu.memory_space<vmem>>
      %dma_start3A_284 = tpu.memref_squeeze %dma_start3A_283 : memref<1x112xi32, #tpu.memory_space<vmem>> -> memref<112xi32, #tpu.memory_space<vmem>>
      %dma_start3A_285 = arith.constant 0 : i32
      %dma_start3A_286 = arith.constant 0 : i32
      %dma_start3A_287 = tpu.memref_slice %arg10[%dma_start3A_285, %dma_start3A_286] : memref<12512x128xf32, #tpu.memory_space<vmem_shared>> -> memref<12512x128xf32, #tpu.memory_space<vmem_shared>>
      tpu.enqueue_indirect_dma source(%dma_start3A_281 : memref<112x128xf32, #tpu.memory_space<vmem>>) target(%dma_start3A_287 : memref<12512x128xf32, #tpu.memory_space<vmem_shared>>) offsets(%dma_start3A_284 : memref<112xi32, #tpu.memory_space<vmem>>) semaphore(%arg14 : memref<!tpu.dma_semaphore, #tpu.memory_space<semaphore_mem>>) {add = true}
      %dma_wait3A_288 = arith.constant 1 : i32
      %dma_wait3A_289 = arith.constant 5 : i32
      %dma_wait3A_290 = arith.constant 0 : i32
      %dma_wait3A_291 = arith.constant 0 : i32
      %dma_wait3A_292 = tpu.memref_slice %arg9[%dma_wait3A_288, %dma_wait3A_290, %dma_wait3A_291] : memref<2x112x128xf32, #tpu.memory_space<vmem>> -> memref<1x112x128xf32, #tpu.memory_space<vmem>>
      %dma_wait3A_293 = tpu.memref_squeeze %dma_wait3A_292 : memref<1x112x128xf32, #tpu.memory_space<vmem>> -> memref<112x128xf32, #tpu.memory_space<vmem>>
      %dma_wait3A_294 = arith.constant 0 : i32
      %dma_wait3A_295 = tpu.memref_slice %arg8[%dma_wait3A_289, %dma_wait3A_294] : memref<8x112xi32, #tpu.memory_space<vmem>> -> memref<1x112xi32, #tpu.memory_space<vmem>>
      %dma_wait3A_296 = tpu.memref_squeeze %dma_wait3A_295 : memref<1x112xi32, #tpu.memory_space<vmem>> -> memref<112xi32, #tpu.memory_space<vmem>>
      %dma_wait3A_297 = arith.constant 0 : i32
      %dma_wait3A_298 = arith.constant 0 : i32
      %dma_wait3A_299 = tpu.memref_slice %arg10[%dma_wait3A_297, %dma_wait3A_298] : memref<12512x128xf32, #tpu.memory_space<vmem_shared>> -> memref<12512x128xf32, #tpu.memory_space<vmem_shared>>
      tpu.wait_indirect_dma semaphore(%arg14 : memref<!tpu.dma_semaphore, #tpu.memory_space<semaphore_mem>>) src(%dma_wait3A_293 : memref<112x128xf32, #tpu.memory_space<vmem>>) dst(%dma_wait3A_299 : memref<12512x128xf32, #tpu.memory_space<vmem_shared>>)
      %dma_start3A_300 = arith.constant 1 : i32
      %dma_start3A_301 = arith.constant 0 : i32
      %dma_start3A_302 = arith.constant 0 : i32
      %dma_start3A_303 = tpu.memref_slice %arg9[%dma_start3A_300, %dma_start3A_301, %dma_start3A_302] : memref<2x112x128xf32, #tpu.memory_space<vmem>> -> memref<1x112x128xf32, #tpu.memory_space<vmem>>
      %dma_start3A_304 = tpu.memref_squeeze %dma_start3A_303 : memref<1x112x128xf32, #tpu.memory_space<vmem>> -> memref<112x128xf32, #tpu.memory_space<vmem>>
      %dma_start3A_305 = arith.constant 784 : i32
      %dma_start3A_306 = tpu.memref_slice %arg7[%dma_start3A_305] : memref<896xi32, #tpu.memory_space<vmem>> -> memref<112xi32, #tpu.memory_space<vmem>>
      %dma_start3A_307 = arith.constant 0 : i32
      %dma_start3A_308 = arith.constant 0 : i32
      %dma_start3A_309 = tpu.memref_slice %arg2[%dma_start3A_307, %dma_start3A_308] : memref<100000x128xf32, #tpu.memory_space<hbm>> -> memref<100000x128xf32, #tpu.memory_space<hbm>>
      tpu.enqueue_indirect_dma source(%dma_start3A_309 : memref<100000x128xf32, #tpu.memory_space<hbm>>) target(%dma_start3A_304 : memref<112x128xf32, #tpu.memory_space<vmem>>) offsets(%dma_start3A_306 : memref<112xi32, #tpu.memory_space<vmem>>) semaphore(%arg12 : memref<!tpu.dma_semaphore, #tpu.memory_space<semaphore_mem>>)
      %dma_wait3A_310 = arith.constant 0 : i32
      %dma_wait3A_311 = arith.constant 0 : i32
      %dma_wait3A_312 = arith.constant 0 : i32
      %dma_wait3A_313 = tpu.memref_slice %arg9[%dma_wait3A_310, %dma_wait3A_311, %dma_wait3A_312] : memref<2x112x128xf32, #tpu.memory_space<vmem>> -> memref<1x112x128xf32, #tpu.memory_space<vmem>>
      %dma_wait3A_314 = tpu.memref_squeeze %dma_wait3A_313 : memref<1x112x128xf32, #tpu.memory_space<vmem>> -> memref<112x128xf32, #tpu.memory_space<vmem>>
      %dma_wait3A_315 = arith.constant 672 : i32
      %dma_wait3A_316 = tpu.memref_slice %arg7[%dma_wait3A_315] : memref<896xi32, #tpu.memory_space<vmem>> -> memref<112xi32, #tpu.memory_space<vmem>>
      %dma_wait3A_317 = arith.constant 0 : i32
      %dma_wait3A_318 = arith.constant 0 : i32
      %dma_wait3A_319 = tpu.memref_slice %arg2[%dma_wait3A_317, %dma_wait3A_318] : memref<100000x128xf32, #tpu.memory_space<hbm>> -> memref<100000x128xf32, #tpu.memory_space<hbm>>
      tpu.wait_indirect_dma semaphore(%arg11 : memref<!tpu.dma_semaphore, #tpu.memory_space<semaphore_mem>>) src(%dma_wait3A_319 : memref<100000x128xf32, #tpu.memory_space<hbm>>) dst(%dma_wait3A_314 : memref<112x128xf32, #tpu.memory_space<vmem>>)
      %dma_start3A_320 = arith.constant 0 : i32
      %dma_start3A_321 = arith.constant 6 : i32
      %dma_start3A_322 = arith.constant 0 : i32
      %dma_start3A_323 = arith.constant 0 : i32
      %dma_start3A_324 = tpu.memref_slice %arg9[%dma_start3A_320, %dma_start3A_322, %dma_start3A_323] : memref<2x112x128xf32, #tpu.memory_space<vmem>> -> memref<1x112x128xf32, #tpu.memory_space<vmem>>
      %dma_start3A_325 = tpu.memref_squeeze %dma_start3A_324 : memref<1x112x128xf32, #tpu.memory_space<vmem>> -> memref<112x128xf32, #tpu.memory_space<vmem>>
      %dma_start3A_326 = arith.constant 0 : i32
      %dma_start3A_327 = tpu.memref_slice %arg8[%dma_start3A_321, %dma_start3A_326] : memref<8x112xi32, #tpu.memory_space<vmem>> -> memref<1x112xi32, #tpu.memory_space<vmem>>
      %dma_start3A_328 = tpu.memref_squeeze %dma_start3A_327 : memref<1x112xi32, #tpu.memory_space<vmem>> -> memref<112xi32, #tpu.memory_space<vmem>>
      %dma_start3A_329 = arith.constant 0 : i32
      %dma_start3A_330 = arith.constant 0 : i32
      %dma_start3A_331 = tpu.memref_slice %arg10[%dma_start3A_329, %dma_start3A_330] : memref<12512x128xf32, #tpu.memory_space<vmem_shared>> -> memref<12512x128xf32, #tpu.memory_space<vmem_shared>>
      tpu.enqueue_indirect_dma source(%dma_start3A_325 : memref<112x128xf32, #tpu.memory_space<vmem>>) target(%dma_start3A_331 : memref<12512x128xf32, #tpu.memory_space<vmem_shared>>) offsets(%dma_start3A_328 : memref<112xi32, #tpu.memory_space<vmem>>) semaphore(%arg13 : memref<!tpu.dma_semaphore, #tpu.memory_space<semaphore_mem>>) {add = true}
      %dma_wait3A_332 = arith.constant 0 : i32
      %dma_wait3A_333 = arith.constant 6 : i32
      %dma_wait3A_334 = arith.constant 0 : i32
      %dma_wait3A_335 = arith.constant 0 : i32
      %dma_wait3A_336 = tpu.memref_slice %arg9[%dma_wait3A_332, %dma_wait3A_334, %dma_wait3A_335] : memref<2x112x128xf32, #tpu.memory_space<vmem>> -> memref<1x112x128xf32, #tpu.memory_space<vmem>>
      %dma_wait3A_337 = tpu.memref_squeeze %dma_wait3A_336 : memref<1x112x128xf32, #tpu.memory_space<vmem>> -> memref<112x128xf32, #tpu.memory_space<vmem>>
      %dma_wait3A_338 = arith.constant 0 : i32
      %dma_wait3A_339 = tpu.memref_slice %arg8[%dma_wait3A_333, %dma_wait3A_338] : memref<8x112xi32, #tpu.memory_space<vmem>> -> memref<1x112xi32, #tpu.memory_space<vmem>>
      %dma_wait3A_340 = tpu.memref_squeeze %dma_wait3A_339 : memref<1x112xi32, #tpu.memory_space<vmem>> -> memref<112xi32, #tpu.memory_space<vmem>>
      %dma_wait3A_341 = arith.constant 0 : i32
      %dma_wait3A_342 = arith.constant 0 : i32
      %dma_wait3A_343 = tpu.memref_slice %arg10[%dma_wait3A_341, %dma_wait3A_342] : memref<12512x128xf32, #tpu.memory_space<vmem_shared>> -> memref<12512x128xf32, #tpu.memory_space<vmem_shared>>
      tpu.wait_indirect_dma semaphore(%arg13 : memref<!tpu.dma_semaphore, #tpu.memory_space<semaphore_mem>>) src(%dma_wait3A_337 : memref<112x128xf32, #tpu.memory_space<vmem>>) dst(%dma_wait3A_343 : memref<12512x128xf32, #tpu.memory_space<vmem_shared>>)
      %dma_wait3A_344 = arith.constant 1 : i32
      %dma_wait3A_345 = arith.constant 0 : i32
      %dma_wait3A_346 = arith.constant 0 : i32
      %dma_wait3A_347 = tpu.memref_slice %arg9[%dma_wait3A_344, %dma_wait3A_345, %dma_wait3A_346] : memref<2x112x128xf32, #tpu.memory_space<vmem>> -> memref<1x112x128xf32, #tpu.memory_space<vmem>>
      %dma_wait3A_348 = tpu.memref_squeeze %dma_wait3A_347 : memref<1x112x128xf32, #tpu.memory_space<vmem>> -> memref<112x128xf32, #tpu.memory_space<vmem>>
      %dma_wait3A_349 = arith.constant 784 : i32
      %dma_wait3A_350 = tpu.memref_slice %arg7[%dma_wait3A_349] : memref<896xi32, #tpu.memory_space<vmem>> -> memref<112xi32, #tpu.memory_space<vmem>>
      %dma_wait3A_351 = arith.constant 0 : i32
      %dma_wait3A_352 = arith.constant 0 : i32
      %dma_wait3A_353 = tpu.memref_slice %arg2[%dma_wait3A_351, %dma_wait3A_352] : memref<100000x128xf32, #tpu.memory_space<hbm>> -> memref<100000x128xf32, #tpu.memory_space<hbm>>
      tpu.wait_indirect_dma semaphore(%arg12 : memref<!tpu.dma_semaphore, #tpu.memory_space<semaphore_mem>>) src(%dma_wait3A_353 : memref<100000x128xf32, #tpu.memory_space<hbm>>) dst(%dma_wait3A_348 : memref<112x128xf32, #tpu.memory_space<vmem>>)
      %dma_start3A_354 = arith.constant 1 : i32
      %dma_start3A_355 = arith.constant 7 : i32
      %dma_start3A_356 = arith.constant 0 : i32
      %dma_start3A_357 = arith.constant 0 : i32
      %dma_start3A_358 = tpu.memref_slice %arg9[%dma_start3A_354, %dma_start3A_356, %dma_start3A_357] : memref<2x112x128xf32, #tpu.memory_space<vmem>> -> memref<1x112x128xf32, #tpu.memory_space<vmem>>
      %dma_start3A_359 = tpu.memref_squeeze %dma_start3A_358 : memref<1x112x128xf32, #tpu.memory_space<vmem>> -> memref<112x128xf32, #tpu.memory_space<vmem>>
      %dma_start3A_360 = arith.constant 0 : i32
      %dma_start3A_361 = tpu.memref_slice %arg8[%dma_start3A_355, %dma_start3A_360] : memref<8x112xi32, #tpu.memory_space<vmem>> -> memref<1x112xi32, #tpu.memory_space<vmem>>
      %dma_start3A_362 = tpu.memref_squeeze %dma_start3A_361 : memref<1x112xi32, #tpu.memory_space<vmem>> -> memref<112xi32, #tpu.memory_space<vmem>>
      %dma_start3A_363 = arith.constant 0 : i32
      %dma_start3A_364 = arith.constant 0 : i32
      %dma_start3A_365 = tpu.memref_slice %arg10[%dma_start3A_363, %dma_start3A_364] : memref<12512x128xf32, #tpu.memory_space<vmem_shared>> -> memref<12512x128xf32, #tpu.memory_space<vmem_shared>>
      tpu.enqueue_indirect_dma source(%dma_start3A_359 : memref<112x128xf32, #tpu.memory_space<vmem>>) target(%dma_start3A_365 : memref<12512x128xf32, #tpu.memory_space<vmem_shared>>) offsets(%dma_start3A_362 : memref<112xi32, #tpu.memory_space<vmem>>) semaphore(%arg14 : memref<!tpu.dma_semaphore, #tpu.memory_space<semaphore_mem>>) {add = true}
      %dma_wait3A_366 = arith.constant 1 : i32
      %dma_wait3A_367 = arith.constant 7 : i32
      %dma_wait3A_368 = arith.constant 0 : i32
      %dma_wait3A_369 = arith.constant 0 : i32
      %dma_wait3A_370 = tpu.memref_slice %arg9[%dma_wait3A_366, %dma_wait3A_368, %dma_wait3A_369] : memref<2x112x128xf32, #tpu.memory_space<vmem>> -> memref<1x112x128xf32, #tpu.memory_space<vmem>>
      %dma_wait3A_371 = tpu.memref_squeeze %dma_wait3A_370 : memref<1x112x128xf32, #tpu.memory_space<vmem>> -> memref<112x128xf32, #tpu.memory_space<vmem>>
      %dma_wait3A_372 = arith.constant 0 : i32
      %dma_wait3A_373 = tpu.memref_slice %arg8[%dma_wait3A_367, %dma_wait3A_372] : memref<8x112xi32, #tpu.memory_space<vmem>> -> memref<1x112xi32, #tpu.memory_space<vmem>>
      %dma_wait3A_374 = tpu.memref_squeeze %dma_wait3A_373 : memref<1x112xi32, #tpu.memory_space<vmem>> -> memref<112xi32, #tpu.memory_space<vmem>>
      %dma_wait3A_375 = arith.constant 0 : i32
      %dma_wait3A_376 = arith.constant 0 : i32
      %dma_wait3A_377 = tpu.memref_slice %arg10[%dma_wait3A_375, %dma_wait3A_376] : memref<12512x128xf32, #tpu.memory_space<vmem_shared>> -> memref<12512x128xf32, #tpu.memory_space<vmem_shared>>
      tpu.wait_indirect_dma semaphore(%arg14 : memref<!tpu.dma_semaphore, #tpu.memory_space<semaphore_mem>>) src(%dma_wait3A_371 : memref<112x128xf32, #tpu.memory_space<vmem>>) dst(%dma_wait3A_377 : memref<12512x128xf32, #tpu.memory_space<vmem_shared>>)
    }
    %scan3A_6 = arith.constant 28 : i32
    %barrier3A_7 = arith.constant 0 : index
    tpu.barrier barrier_id(%barrier3A_7)
    %eq3A_8 = arith.constant 15 : i32
    %eq3A_9 = arith.cmpi eq, %arg1, %eq3A_8 : i32
    %eq3A_10 = arith.constant 0 : i32
    %eq3A_11 = arith.cmpi eq, %arg0, %eq3A_10 : i32
    %jit3A_12 = arith.constant 11720 : i32
    %jit3A_13 = arith.constant 11712 : i32
    %select_n3A_14 = arith.select %eq3A_11, %jit3A_12, %jit3A_13 : i32
    %mul3A_15 = arith.constant 784 : i32
    %mul3A_16 = arith.muli %arg1, %mul3A_15 : i32
    %select_n3A_17 = arith.select %eq3A_9, %select_n3A_14, %mul3A_16 : i32
    %mul3A_18 = arith.constant 12504 : i32
    %mul3A_19 = arith.muli %arg0, %mul3A_18 : i32
    %add3A = arith.addi %mul3A_19, %select_n3A_17 : i32
    "tpu.region"() ({
      %run_scoped3A = tpu.sem_alloc : memref<!tpu.dma_semaphore, #tpu.memory_space<semaphore_mem>>
      %dma_start3A = arith.constant 0 : i32
      %dma_start3A_20 = tpu.memref_slice %arg6[%add3A, %dma_start3A] : memref<25000x128xf32, #tpu.memory_space<hbm>> -> memref<784x128xf32, #tpu.memory_space<hbm>>
      %dma_start3A_21 = arith.constant 0 : i32
      %dma_start3A_22 = tpu.memref_slice %arg10[%select_n3A_17, %dma_start3A_21] : memref<12512x128xf32, #tpu.memory_space<vmem_shared>> -> memref<784x128xf32, #tpu.memory_space<vmem_shared>>
      tpu.enqueue_dma source(%dma_start3A_22 : memref<784x128xf32, #tpu.memory_space<vmem_shared>>) target(%dma_start3A_20 : memref<784x128xf32, #tpu.memory_space<hbm>>) target_semaphore(%run_scoped3A : memref<!tpu.dma_semaphore, #tpu.memory_space<semaphore_mem>>)
      %dma_wait3A = arith.constant 0 : i32
      %dma_wait3A_23 = tpu.memref_slice %arg6[%add3A, %dma_wait3A] : memref<25000x128xf32, #tpu.memory_space<hbm>> -> memref<784x128xf32, #tpu.memory_space<hbm>>
      %dma_wait3A_24 = arith.constant 0 : i32
      %dma_wait3A_25 = tpu.memref_slice %arg10[%select_n3A_17, %dma_wait3A_24] : memref<12512x128xf32, #tpu.memory_space<vmem_shared>> -> memref<784x128xf32, #tpu.memory_space<vmem_shared>>
      tpu.wait_dma2 semaphore(%run_scoped3A : memref<!tpu.dma_semaphore, #tpu.memory_space<semaphore_mem>>) src(%dma_wait3A_25 : memref<784x128xf32, #tpu.memory_space<vmem_shared>>) dst(%dma_wait3A_23 : memref<784x128xf32, #tpu.memory_space<hbm>>)
      tpu.yield
    }) : () -> ()
    return
  }
}

#map = affine_map<(d0, d1) -> (0, 0, 0, 0)>
#map1 = affine_map<(d0, d1) -> (0)>
#map2 = affine_map<(d0, d1) -> (0, 0, 0)>
module attributes {stable_mosaic.version = 14 : i64} {
  func.func @_counts(%arg0: i32, %arg1: i32, %arg2: memref<2x16x224x112xi32, #tpu.memory_space<hbm>>, %arg3: memref<2x16x10x128xi32, #tpu.memory_space<hbm>>, %arg4: memref<12544xf32, #tpu.memory_space<hbm>>, %arg5: memref<2x16x12544xf32, #tpu.memory_space<hbm>>, %arg6: memref<2x16x2560xf32, #tpu.memory_space<hbm>>, %arg7: memref<224x112xi32, #tpu.memory_space<vmem>>, %arg8: memref<10x128xi32, #tpu.memory_space<vmem>>, %arg9: memref<12544xf32, #tpu.memory_space<vmem>>, %arg10: memref<2560xf32, #tpu.memory_space<vmem>>) attributes {dimension_semantics = [#tpu.dimension_semantics<core_parallel>, #tpu.dimension_semantics<subcore_parallel>], iteration_bounds = array<i64: 2, 16>, scalar_prefetch = 0 : i64, scratch_operands = 4 : i64, tpu.core_type = #tpu.core_type<sc_vector_subcore>, window_params = [{transform_indices = #map}, {transform_indices = #map}, {transform_indices = #map1}, {transform_indices = #map2}, {transform_indices = #map2}]} {
    "tpu.region"() ({
      %run_scoped3A = tpu.sem_alloc : memref<!tpu.dma_semaphore, #tpu.memory_space<semaphore_mem>>
      %dma_start3A = arith.constant 0 : i32
      %dma_start3A_12 = arith.constant 0 : i32
      %dma_start3A_13 = tpu.memref_slice %arg2[%arg0, %arg1, %dma_start3A, %dma_start3A_12] : memref<2x16x224x112xi32, #tpu.memory_space<hbm>> -> memref<1x1x224x112xi32, #tpu.memory_space<hbm>>
      %dma_start3A_14 = tpu.memref_squeeze %dma_start3A_13 : memref<1x1x224x112xi32, #tpu.memory_space<hbm>> -> memref<224x112xi32, #tpu.memory_space<hbm>>
      %dma_start3A_15 = arith.constant 0 : i32
      %dma_start3A_16 = arith.constant 0 : i32
      %dma_start3A_17 = tpu.memref_slice %arg2[%arg0, %arg1, %dma_start3A_15, %dma_start3A_16] : memref<2x16x224x112xi32, #tpu.memory_space<hbm>> -> memref<1x1x224x112xi32, #tpu.memory_space<hbm>>
      %dma_start3A_18 = tpu.memref_squeeze %dma_start3A_17 : memref<1x1x224x112xi32, #tpu.memory_space<hbm>> -> memref<224x112xi32, #tpu.memory_space<hbm>>
      tpu.enqueue_dma source(%dma_start3A_18 : memref<224x112xi32, #tpu.memory_space<hbm>>) target(%arg7 : memref<224x112xi32, #tpu.memory_space<vmem>>) target_semaphore(%run_scoped3A : memref<!tpu.dma_semaphore, #tpu.memory_space<semaphore_mem>>)
      %dma_wait3A = arith.constant 0 : i32
      %dma_wait3A_19 = arith.constant 0 : i32
      %dma_wait3A_20 = tpu.memref_slice %arg2[%arg0, %arg1, %dma_wait3A, %dma_wait3A_19] : memref<2x16x224x112xi32, #tpu.memory_space<hbm>> -> memref<1x1x224x112xi32, #tpu.memory_space<hbm>>
      %dma_wait3A_21 = tpu.memref_squeeze %dma_wait3A_20 : memref<1x1x224x112xi32, #tpu.memory_space<hbm>> -> memref<224x112xi32, #tpu.memory_space<hbm>>
      %dma_wait3A_22 = arith.constant 0 : i32
      %dma_wait3A_23 = arith.constant 0 : i32
      %dma_wait3A_24 = tpu.memref_slice %arg2[%arg0, %arg1, %dma_wait3A_22, %dma_wait3A_23] : memref<2x16x224x112xi32, #tpu.memory_space<hbm>> -> memref<1x1x224x112xi32, #tpu.memory_space<hbm>>
      %dma_wait3A_25 = tpu.memref_squeeze %dma_wait3A_24 : memref<1x1x224x112xi32, #tpu.memory_space<hbm>> -> memref<224x112xi32, #tpu.memory_space<hbm>>
      tpu.wait_dma2 semaphore(%run_scoped3A : memref<!tpu.dma_semaphore, #tpu.memory_space<semaphore_mem>>) src(%dma_wait3A_25 : memref<224x112xi32, #tpu.memory_space<hbm>>) dst(%arg7 : memref<224x112xi32, #tpu.memory_space<vmem>>)
      tpu.yield
    }) : () -> ()
    "tpu.region"() ({
      %run_scoped3A = tpu.sem_alloc : memref<!tpu.dma_semaphore, #tpu.memory_space<semaphore_mem>>
      %dma_start3A = arith.constant 0 : i32
      %dma_start3A_12 = arith.constant 0 : i32
      %dma_start3A_13 = tpu.memref_slice %arg3[%arg0, %arg1, %dma_start3A, %dma_start3A_12] : memref<2x16x10x128xi32, #tpu.memory_space<hbm>> -> memref<1x1x10x128xi32, #tpu.memory_space<hbm>>
      %dma_start3A_14 = tpu.memref_squeeze %dma_start3A_13 : memref<1x1x10x128xi32, #tpu.memory_space<hbm>> -> memref<10x128xi32, #tpu.memory_space<hbm>>
      %dma_start3A_15 = arith.constant 0 : i32
      %dma_start3A_16 = arith.constant 0 : i32
      %dma_start3A_17 = tpu.memref_slice %arg3[%arg0, %arg1, %dma_start3A_15, %dma_start3A_16] : memref<2x16x10x128xi32, #tpu.memory_space<hbm>> -> memref<1x1x10x128xi32, #tpu.memory_space<hbm>>
      %dma_start3A_18 = tpu.memref_squeeze %dma_start3A_17 : memref<1x1x10x128xi32, #tpu.memory_space<hbm>> -> memref<10x128xi32, #tpu.memory_space<hbm>>
      tpu.enqueue_dma source(%dma_start3A_18 : memref<10x128xi32, #tpu.memory_space<hbm>>) target(%arg8 : memref<10x128xi32, #tpu.memory_space<vmem>>) target_semaphore(%run_scoped3A : memref<!tpu.dma_semaphore, #tpu.memory_space<semaphore_mem>>)
      %dma_wait3A = arith.constant 0 : i32
      %dma_wait3A_19 = arith.constant 0 : i32
      %dma_wait3A_20 = tpu.memref_slice %arg3[%arg0, %arg1, %dma_wait3A, %dma_wait3A_19] : memref<2x16x10x128xi32, #tpu.memory_space<hbm>> -> memref<1x1x10x128xi32, #tpu.memory_space<hbm>>
      %dma_wait3A_21 = tpu.memref_squeeze %dma_wait3A_20 : memref<1x1x10x128xi32, #tpu.memory_space<hbm>> -> memref<10x128xi32, #tpu.memory_space<hbm>>
      %dma_wait3A_22 = arith.constant 0 : i32
      %dma_wait3A_23 = arith.constant 0 : i32
      %dma_wait3A_24 = tpu.memref_slice %arg3[%arg0, %arg1, %dma_wait3A_22, %dma_wait3A_23] : memref<2x16x10x128xi32, #tpu.memory_space<hbm>> -> memref<1x1x10x128xi32, #tpu.memory_space<hbm>>
      %dma_wait3A_25 = tpu.memref_squeeze %dma_wait3A_24 : memref<1x1x10x128xi32, #tpu.memory_space<hbm>> -> memref<10x128xi32, #tpu.memory_space<hbm>>
      tpu.wait_dma2 semaphore(%run_scoped3A : memref<!tpu.dma_semaphore, #tpu.memory_space<semaphore_mem>>) src(%dma_wait3A_25 : memref<10x128xi32, #tpu.memory_space<hbm>>) dst(%arg8 : memref<10x128xi32, #tpu.memory_space<vmem>>)
      tpu.yield
    }) : () -> ()
    "tpu.region"() ({
      %run_scoped3A = tpu.sem_alloc : memref<!tpu.dma_semaphore, #tpu.memory_space<semaphore_mem>>
      tpu.enqueue_dma source(%arg4 : memref<12544xf32, #tpu.memory_space<hbm>>) target(%arg9 : memref<12544xf32, #tpu.memory_space<vmem>>) target_semaphore(%run_scoped3A : memref<!tpu.dma_semaphore, #tpu.memory_space<semaphore_mem>>)
      tpu.wait_dma2 semaphore(%run_scoped3A : memref<!tpu.dma_semaphore, #tpu.memory_space<semaphore_mem>>) src(%arg4 : memref<12544xf32, #tpu.memory_space<hbm>>) dst(%arg9 : memref<12544xf32, #tpu.memory_space<vmem>>)
      tpu.yield
    }) : () -> ()
    "tpu.region"() ({
      %run_scoped3A = tpu.sem_alloc : memref<!tpu.dma_semaphore, #tpu.memory_space<semaphore_mem>>
      %dma_start3A = arith.constant 0 : i32
      %dma_start3A_12 = tpu.memref_slice %arg4[%dma_start3A] : memref<12544xf32, #tpu.memory_space<hbm>> -> memref<2560xf32, #tpu.memory_space<hbm>>
      %dma_start3A_13 = arith.constant 0 : i32
      %dma_start3A_14 = tpu.memref_slice %arg4[%dma_start3A_13] : memref<12544xf32, #tpu.memory_space<hbm>> -> memref<2560xf32, #tpu.memory_space<hbm>>
      tpu.enqueue_dma source(%dma_start3A_14 : memref<2560xf32, #tpu.memory_space<hbm>>) target(%arg10 : memref<2560xf32, #tpu.memory_space<vmem>>) target_semaphore(%run_scoped3A : memref<!tpu.dma_semaphore, #tpu.memory_space<semaphore_mem>>)
      %dma_wait3A = arith.constant 0 : i32
      %dma_wait3A_15 = tpu.memref_slice %arg4[%dma_wait3A] : memref<12544xf32, #tpu.memory_space<hbm>> -> memref<2560xf32, #tpu.memory_space<hbm>>
      %dma_wait3A_16 = arith.constant 0 : i32
      %dma_wait3A_17 = tpu.memref_slice %arg4[%dma_wait3A_16] : memref<12544xf32, #tpu.memory_space<hbm>> -> memref<2560xf32, #tpu.memory_space<hbm>>
      tpu.wait_dma2 semaphore(%run_scoped3A : memref<!tpu.dma_semaphore, #tpu.memory_space<semaphore_mem>>) src(%dma_wait3A_17 : memref<2560xf32, #tpu.memory_space<hbm>>) dst(%arg10 : memref<2560xf32, #tpu.memory_space<vmem>>)
      tpu.yield
    }) : () -> ()
    %broadcast_in_dim3A = arith.constant 1.000000e+00 : f32
    %broadcast_in_dim3A_0 = vector.broadcast %broadcast_in_dim3A : f32 to vector<16xf32>
    %scan3A = arith.constant 0 : i32
    %scan3A_1 = arith.constant 0 : i32
    %scan3A_2 = arith.constant 224 : i32
    %scan3A_3 = arith.addi %scan3A_1, %scan3A_2 : i32
    %scan3A_4 = arith.constant 1 : i32
    scf.for %scan3A_12 = %scan3A_1 to %scan3A_3 step %scan3A_4  : i32 {
      %scan3A_13 = arith.constant 0 : i32
      %scan3A_14 = arith.constant 7 : i32
      %scan3A_15 = arith.addi %scan3A_13, %scan3A_14 : i32
      %scan3A_16 = arith.constant 1 : i32
      scf.for %scan3A_18 = %scan3A_13 to %scan3A_15 step %scan3A_16  : i32 {
        %mul3A = arith.constant 16 : i32
        %mul3A_19 = arith.muli %scan3A_18, %mul3A : i32
        %get3A = arith.index_cast %scan3A_12 : i32 to index
        %get3A_20 = arith.index_cast %mul3A_19 : i32 to index
        %get3A_21 = tpu.vector_load %arg7[%get3A, %get3A_20] {strides = array<i32>} : memref<224x112xi32, #tpu.memory_space<vmem>>, vector<16xi32>,
        tpu.vector_store_idx %arg9[%get3A_21], %broadcast_in_dim3A_0 {add = true} : memref<12544xf32, #tpu.memory_space<vmem>>[vector<16xi32>], vector<16xf32>,
      }
      %scan3A_17 = arith.constant 7 : i32
    }
    %scan3A_5 = arith.constant 224 : i32
    %scan3A_6 = arith.constant 0 : i32
    %scan3A_7 = arith.constant 0 : i32
    %scan3A_8 = arith.constant 10 : i32
    %scan3A_9 = arith.addi %scan3A_7, %scan3A_8 : i32
    %scan3A_10 = arith.constant 1 : i32
    scf.for %scan3A_12 = %scan3A_7 to %scan3A_9 step %scan3A_10  : i32 {
      %scan3A_13 = arith.constant 0 : i32
      %scan3A_14 = arith.constant 8 : i32
      %scan3A_15 = arith.addi %scan3A_13, %scan3A_14 : i32
      %scan3A_16 = arith.constant 1 : i32
      scf.for %scan3A_18 = %scan3A_13 to %scan3A_15 step %scan3A_16  : i32 {
        %mul3A = arith.constant 16 : i32
        %mul3A_19 = arith.muli %scan3A_18, %mul3A : i32
        %get3A = arith.index_cast %scan3A_12 : i32 to index
        %get3A_20 = arith.index_cast %mul3A_19 : i32 to index
        %get3A_21 = tpu.vector_load %arg8[%get3A, %get3A_20] {strides = array<i32>} : memref<10x128xi32, #tpu.memory_space<vmem>>, vector<16xi32>,
        tpu.vector_store_idx %arg10[%get3A_21], %broadcast_in_dim3A_0 {add = true} : memref<2560xf32, #tpu.memory_space<vmem>>[vector<16xi32>], vector<16xf32>,
      }
      %scan3A_17 = arith.constant 8 : i32
    }
    %scan3A_11 = arith.constant 10 : i32
    "tpu.region"() ({
      %run_scoped3A = tpu.sem_alloc : memref<!tpu.dma_semaphore, #tpu.memory_space<semaphore_mem>>
      %dma_start3A = arith.constant 0 : i32
      %dma_start3A_12 = tpu.memref_slice %arg5[%arg0, %arg1, %dma_start3A] : memref<2x16x12544xf32, #tpu.memory_space<hbm>> -> memref<1x1x12544xf32, #tpu.memory_space<hbm>>
      %dma_start3A_13 = tpu.memref_squeeze %dma_start3A_12 : memref<1x1x12544xf32, #tpu.memory_space<hbm>> -> memref<12544xf32, #tpu.memory_space<hbm>>
      %dma_start3A_14 = arith.constant 0 : i32
      %dma_start3A_15 = tpu.memref_slice %arg5[%arg0, %arg1, %dma_start3A_14] : memref<2x16x12544xf32, #tpu.memory_space<hbm>> -> memref<1x1x12544xf32, #tpu.memory_space<hbm>>
      %dma_start3A_16 = tpu.memref_squeeze %dma_start3A_15 : memref<1x1x12544xf32, #tpu.memory_space<hbm>> -> memref<12544xf32, #tpu.memory_space<hbm>>
      tpu.enqueue_dma source(%arg9 : memref<12544xf32, #tpu.memory_space<vmem>>) target(%dma_start3A_16 : memref<12544xf32, #tpu.memory_space<hbm>>) target_semaphore(%run_scoped3A : memref<!tpu.dma_semaphore, #tpu.memory_space<semaphore_mem>>)
      %dma_wait3A = arith.constant 0 : i32
      %dma_wait3A_17 = tpu.memref_slice %arg5[%arg0, %arg1, %dma_wait3A] : memref<2x16x12544xf32, #tpu.memory_space<hbm>> -> memref<1x1x12544xf32, #tpu.memory_space<hbm>>
      %dma_wait3A_18 = tpu.memref_squeeze %dma_wait3A_17 : memref<1x1x12544xf32, #tpu.memory_space<hbm>> -> memref<12544xf32, #tpu.memory_space<hbm>>
      %dma_wait3A_19 = arith.constant 0 : i32
      %dma_wait3A_20 = tpu.memref_slice %arg5[%arg0, %arg1, %dma_wait3A_19] : memref<2x16x12544xf32, #tpu.memory_space<hbm>> -> memref<1x1x12544xf32, #tpu.memory_space<hbm>>
      %dma_wait3A_21 = tpu.memref_squeeze %dma_wait3A_20 : memref<1x1x12544xf32, #tpu.memory_space<hbm>> -> memref<12544xf32, #tpu.memory_space<hbm>>
      tpu.wait_dma2 semaphore(%run_scoped3A : memref<!tpu.dma_semaphore, #tpu.memory_space<semaphore_mem>>) src(%arg9 : memref<12544xf32, #tpu.memory_space<vmem>>) dst(%dma_wait3A_21 : memref<12544xf32, #tpu.memory_space<hbm>>)
      tpu.yield
    }) : () -> ()
    "tpu.region"() ({
      %run_scoped3A = tpu.sem_alloc : memref<!tpu.dma_semaphore, #tpu.memory_space<semaphore_mem>>
      %dma_start3A = arith.constant 0 : i32
      %dma_start3A_12 = tpu.memref_slice %arg6[%arg0, %arg1, %dma_start3A] : memref<2x16x2560xf32, #tpu.memory_space<hbm>> -> memref<1x1x2560xf32, #tpu.memory_space<hbm>>
      %dma_start3A_13 = tpu.memref_squeeze %dma_start3A_12 : memref<1x1x2560xf32, #tpu.memory_space<hbm>> -> memref<2560xf32, #tpu.memory_space<hbm>>
      %dma_start3A_14 = arith.constant 0 : i32
      %dma_start3A_15 = tpu.memref_slice %arg6[%arg0, %arg1, %dma_start3A_14] : memref<2x16x2560xf32, #tpu.memory_space<hbm>> -> memref<1x1x2560xf32, #tpu.memory_space<hbm>>
      %dma_start3A_16 = tpu.memref_squeeze %dma_start3A_15 : memref<1x1x2560xf32, #tpu.memory_space<hbm>> -> memref<2560xf32, #tpu.memory_space<hbm>>
      tpu.enqueue_dma source(%arg10 : memref<2560xf32, #tpu.memory_space<vmem>>) target(%dma_start3A_16 : memref<2560xf32, #tpu.memory_space<hbm>>) target_semaphore(%run_scoped3A : memref<!tpu.dma_semaphore, #tpu.memory_space<semaphore_mem>>)
      %dma_wait3A = arith.constant 0 : i32
      %dma_wait3A_17 = tpu.memref_slice %arg6[%arg0, %arg1, %dma_wait3A] : memref<2x16x2560xf32, #tpu.memory_space<hbm>> -> memref<1x1x2560xf32, #tpu.memory_space<hbm>>
      %dma_wait3A_18 = tpu.memref_squeeze %dma_wait3A_17 : memref<1x1x2560xf32, #tpu.memory_space<hbm>> -> memref<2560xf32, #tpu.memory_space<hbm>>
      %dma_wait3A_19 = arith.constant 0 : i32
      %dma_wait3A_20 = tpu.memref_slice %arg6[%arg0, %arg1, %dma_wait3A_19] : memref<2x16x2560xf32, #tpu.memory_space<hbm>> -> memref<1x1x2560xf32, #tpu.memory_space<hbm>>
      %dma_wait3A_21 = tpu.memref_squeeze %dma_wait3A_20 : memref<1x1x2560xf32, #tpu.memory_space<hbm>> -> memref<2560xf32, #tpu.memory_space<hbm>>
      tpu.wait_dma2 semaphore(%run_scoped3A : memref<!tpu.dma_semaphore, #tpu.memory_space<semaphore_mem>>) src(%arg10 : memref<2560xf32, #tpu.memory_space<vmem>>) dst(%dma_wait3A_21 : memref<2560xf32, #tpu.memory_space<hbm>>)
      tpu.yield
    }) : () -> ()
    return
  }
}

#map = affine_map<(d0, d1) -> (0, 0)>
#map1 = affine_map<(d0, d1) -> (0, 0, 0, 0)>
#map2 = affine_map<(d0, d1) -> (0, 0, 0)>
module attributes {stable_mosaic.version = 14 : i64} {
  func.func @_agg1(%arg0: i32, %arg1: i32, %arg2: memref<25000x128xf32, #tpu.memory_space<hbm>>, %arg3: memref<2x20480xi32, #tpu.memory_space<hbm>>, %arg4: memref<2x16x10x128xi32, #tpu.memory_space<hbm>>, %arg5: memref<784x128xf32, #tpu.memory_space<hbm>>, %arg6: memref<2x2512x128xf32, #tpu.memory_space<hbm>>, %arg7: memref<1280xi32, #tpu.memory_space<vmem>>, %arg8: memref<10x128xi32, #tpu.memory_space<vmem>>, %arg9: memref<2x128x128xf32, #tpu.memory_space<vmem>>, %arg10: memref<2512x128xf32, #tpu.memory_space<vmem_shared>>, %arg11: memref<!tpu.dma_semaphore, #tpu.memory_space<semaphore_mem>>, %arg12: memref<!tpu.dma_semaphore, #tpu.memory_space<semaphore_mem>>, %arg13: memref<!tpu.dma_semaphore, #tpu.memory_space<semaphore_mem>>, %arg14: memref<!tpu.dma_semaphore, #tpu.memory_space<semaphore_mem>>) attributes {dimension_semantics = [#tpu.dimension_semantics<core_parallel>, #tpu.dimension_semantics<subcore_parallel>], iteration_bounds = array<i64: 2, 16>, scalar_prefetch = 0 : i64, scratch_operands = 8 : i64, tpu.core_type = #tpu.core_type<sc_vector_subcore>, window_params = [{transform_indices = #map}, {transform_indices = #map}, {transform_indices = #map1}, {transform_indices = #map}, {transform_indices = #map2}]} {
    %eq3A = arith.constant 15 : i32
    %eq3A_0 = arith.cmpi eq, %arg1, %eq3A : i32
    %mul3A = arith.constant 160 : i32
    %mul3A_1 = arith.muli %arg1, %mul3A : i32
    %jit3A = arith.constant 2352 : i32
    %select_n3A = arith.select %eq3A_0, %jit3A, %mul3A_1 : i32
    "tpu.region"() ({
      %run_scoped3A = tpu.sem_alloc : memref<!tpu.dma_semaphore, #tpu.memory_space<semaphore_mem>>
      %dma_start3A_443 = arith.constant 0 : i32
      %dma_start3A_444 = tpu.memref_slice %arg10[%select_n3A, %dma_start3A_443] : memref<2512x128xf32, #tpu.memory_space<vmem_shared>> -> memref<160x128xf32, #tpu.memory_space<vmem_shared>>
      %dma_start3A_445 = arith.constant 0 : i32
      %dma_start3A_446 = arith.constant 0 : i32
      %dma_start3A_447 = tpu.memref_slice %arg5[%dma_start3A_445, %dma_start3A_446] : memref<784x128xf32, #tpu.memory_space<hbm>> -> memref<160x128xf32, #tpu.memory_space<hbm>>
      tpu.enqueue_dma source(%dma_start3A_447 : memref<160x128xf32, #tpu.memory_space<hbm>>) target(%dma_start3A_444 : memref<160x128xf32, #tpu.memory_space<vmem_shared>>) target_semaphore(%run_scoped3A : memref<!tpu.dma_semaphore, #tpu.memory_space<semaphore_mem>>)
      %dma_wait3A_448 = arith.constant 0 : i32
      %dma_wait3A_449 = tpu.memref_slice %arg10[%select_n3A, %dma_wait3A_448] : memref<2512x128xf32, #tpu.memory_space<vmem_shared>> -> memref<160x128xf32, #tpu.memory_space<vmem_shared>>
      %dma_wait3A_450 = arith.constant 0 : i32
      %dma_wait3A_451 = arith.constant 0 : i32
      %dma_wait3A_452 = tpu.memref_slice %arg5[%dma_wait3A_450, %dma_wait3A_451] : memref<784x128xf32, #tpu.memory_space<hbm>> -> memref<160x128xf32, #tpu.memory_space<hbm>>
      tpu.wait_dma2 semaphore(%run_scoped3A : memref<!tpu.dma_semaphore, #tpu.memory_space<semaphore_mem>>) src(%dma_wait3A_452 : memref<160x128xf32, #tpu.memory_space<hbm>>) dst(%dma_wait3A_449 : memref<160x128xf32, #tpu.memory_space<vmem_shared>>)
      tpu.yield
    }) : () -> ()
    %mul3A_2 = arith.constant 1280 : i32
    %mul3A_3 = arith.muli %arg1, %mul3A_2 : i32
    "tpu.region"() ({
      %run_scoped3A = tpu.sem_alloc : memref<!tpu.dma_semaphore, #tpu.memory_space<semaphore_mem>>
      %dma_start3A_443 = tpu.memref_slice %arg3[%arg0, %mul3A_3] : memref<2x20480xi32, #tpu.memory_space<hbm>> -> memref<1x1280xi32, #tpu.memory_space<hbm>>
      %dma_start3A_444 = tpu.memref_squeeze %dma_start3A_443 : memref<1x1280xi32, #tpu.memory_space<hbm>> -> memref<1280xi32, #tpu.memory_space<hbm>>
      %dma_start3A_445 = tpu.memref_slice %arg3[%arg0, %mul3A_3] : memref<2x20480xi32, #tpu.memory_space<hbm>> -> memref<1x1280xi32, #tpu.memory_space<hbm>>
      %dma_start3A_446 = tpu.memref_squeeze %dma_start3A_445 : memref<1x1280xi32, #tpu.memory_space<hbm>> -> memref<1280xi32, #tpu.memory_space<hbm>>
      tpu.enqueue_dma source(%dma_start3A_446 : memref<1280xi32, #tpu.memory_space<hbm>>) target(%arg7 : memref<1280xi32, #tpu.memory_space<vmem>>) target_semaphore(%run_scoped3A : memref<!tpu.dma_semaphore, #tpu.memory_space<semaphore_mem>>)
      %dma_wait3A_447 = tpu.memref_slice %arg3[%arg0, %mul3A_3] : memref<2x20480xi32, #tpu.memory_space<hbm>> -> memref<1x1280xi32, #tpu.memory_space<hbm>>
      %dma_wait3A_448 = tpu.memref_squeeze %dma_wait3A_447 : memref<1x1280xi32, #tpu.memory_space<hbm>> -> memref<1280xi32, #tpu.memory_space<hbm>>
      %dma_wait3A_449 = tpu.memref_slice %arg3[%arg0, %mul3A_3] : memref<2x20480xi32, #tpu.memory_space<hbm>> -> memref<1x1280xi32, #tpu.memory_space<hbm>>
      %dma_wait3A_450 = tpu.memref_squeeze %dma_wait3A_449 : memref<1x1280xi32, #tpu.memory_space<hbm>> -> memref<1280xi32, #tpu.memory_space<hbm>>
      tpu.wait_dma2 semaphore(%run_scoped3A : memref<!tpu.dma_semaphore, #tpu.memory_space<semaphore_mem>>) src(%dma_wait3A_450 : memref<1280xi32, #tpu.memory_space<hbm>>) dst(%arg7 : memref<1280xi32, #tpu.memory_space<vmem>>)
      tpu.yield
    }) : () -> ()
    "tpu.region"() ({
      %run_scoped3A = tpu.sem_alloc : memref<!tpu.dma_semaphore, #tpu.memory_space<semaphore_mem>>
      %dma_start3A_443 = arith.constant 0 : i32
      %dma_start3A_444 = arith.constant 0 : i32
      %dma_start3A_445 = tpu.memref_slice %arg4[%arg0, %arg1, %dma_start3A_443, %dma_start3A_444] : memref<2x16x10x128xi32, #tpu.memory_space<hbm>> -> memref<1x1x10x128xi32, #tpu.memory_space<hbm>>
      %dma_start3A_446 = tpu.memref_squeeze %dma_start3A_445 : memref<1x1x10x128xi32, #tpu.memory_space<hbm>> -> memref<10x128xi32, #tpu.memory_space<hbm>>
      %dma_start3A_447 = arith.constant 0 : i32
      %dma_start3A_448 = arith.constant 0 : i32
      %dma_start3A_449 = tpu.memref_slice %arg4[%arg0, %arg1, %dma_start3A_447, %dma_start3A_448] : memref<2x16x10x128xi32, #tpu.memory_space<hbm>> -> memref<1x1x10x128xi32, #tpu.memory_space<hbm>>
      %dma_start3A_450 = tpu.memref_squeeze %dma_start3A_449 : memref<1x1x10x128xi32, #tpu.memory_space<hbm>> -> memref<10x128xi32, #tpu.memory_space<hbm>>
      tpu.enqueue_dma source(%dma_start3A_450 : memref<10x128xi32, #tpu.memory_space<hbm>>) target(%arg8 : memref<10x128xi32, #tpu.memory_space<vmem>>) target_semaphore(%run_scoped3A : memref<!tpu.dma_semaphore, #tpu.memory_space<semaphore_mem>>)
      %dma_wait3A_451 = arith.constant 0 : i32
      %dma_wait3A_452 = arith.constant 0 : i32
      %dma_wait3A_453 = tpu.memref_slice %arg4[%arg0, %arg1, %dma_wait3A_451, %dma_wait3A_452] : memref<2x16x10x128xi32, #tpu.memory_space<hbm>> -> memref<1x1x10x128xi32, #tpu.memory_space<hbm>>
      %dma_wait3A_454 = tpu.memref_squeeze %dma_wait3A_453 : memref<1x1x10x128xi32, #tpu.memory_space<hbm>> -> memref<10x128xi32, #tpu.memory_space<hbm>>
      %dma_wait3A_455 = arith.constant 0 : i32
      %dma_wait3A_456 = arith.constant 0 : i32
      %dma_wait3A_457 = tpu.memref_slice %arg4[%arg0, %arg1, %dma_wait3A_455, %dma_wait3A_456] : memref<2x16x10x128xi32, #tpu.memory_space<hbm>> -> memref<1x1x10x128xi32, #tpu.memory_space<hbm>>
      %dma_wait3A_458 = tpu.memref_squeeze %dma_wait3A_457 : memref<1x1x10x128xi32, #tpu.memory_space<hbm>> -> memref<10x128xi32, #tpu.memory_space<hbm>>
      tpu.wait_dma2 semaphore(%run_scoped3A : memref<!tpu.dma_semaphore, #tpu.memory_space<semaphore_mem>>) src(%dma_wait3A_458 : memref<10x128xi32, #tpu.memory_space<hbm>>) dst(%arg8 : memref<10x128xi32, #tpu.memory_space<vmem>>)
      tpu.yield
    }) : () -> ()
    %barrier3A = arith.constant 0 : index
    tpu.barrier barrier_id(%barrier3A)
    %dma_start3A = arith.constant 0 : i32
    %dma_start3A_4 = arith.constant 0 : i32
    %dma_start3A_5 = arith.constant 0 : i32
    %dma_start3A_6 = tpu.memref_slice %arg9[%dma_start3A, %dma_start3A_4, %dma_start3A_5] : memref<2x128x128xf32, #tpu.memory_space<vmem>> -> memref<1x128x128xf32, #tpu.memory_space<vmem>>
    %dma_start3A_7 = tpu.memref_squeeze %dma_start3A_6 : memref<1x128x128xf32, #tpu.memory_space<vmem>> -> memref<128x128xf32, #tpu.memory_space<vmem>>
    %dma_start3A_8 = arith.constant 0 : i32
    %dma_start3A_9 = tpu.memref_slice %arg7[%dma_start3A_8] : memref<1280xi32, #tpu.memory_space<vmem>> -> memref<128xi32, #tpu.memory_space<vmem>>
    %dma_start3A_10 = arith.constant 0 : i32
    %dma_start3A_11 = arith.constant 0 : i32
    %dma_start3A_12 = tpu.memref_slice %arg2[%dma_start3A_10, %dma_start3A_11] : memref<25000x128xf32, #tpu.memory_space<hbm>> -> memref<25000x128xf32, #tpu.memory_space<hbm>>
    tpu.enqueue_indirect_dma source(%dma_start3A_12 : memref<25000x128xf32, #tpu.memory_space<hbm>>) target(%dma_start3A_7 : memref<128x128xf32, #tpu.memory_space<vmem>>) offsets(%dma_start3A_9 : memref<128xi32, #tpu.memory_space<vmem>>) semaphore(%arg11 : memref<!tpu.dma_semaphore, #tpu.memory_space<semaphore_mem>>)
    %dma_wait3A = arith.constant 0 : i32
    %dma_wait3A_13 = arith.constant 0 : i32
    %dma_wait3A_14 = arith.constant 0 : i32
    %dma_wait3A_15 = tpu.memref_slice %arg9[%dma_wait3A, %dma_wait3A_13, %dma_wait3A_14] : memref<2x128x128xf32, #tpu.memory_space<vmem>> -> memref<1x128x128xf32, #tpu.memory_space<vmem>>
    %dma_wait3A_16 = tpu.memref_squeeze %dma_wait3A_15 : memref<1x128x128xf32, #tpu.memory_space<vmem>> -> memref<128x128xf32, #tpu.memory_space<vmem>>
    %dma_wait3A_17 = arith.constant 0 : i32
    %dma_wait3A_18 = tpu.memref_slice %arg7[%dma_wait3A_17] : memref<1280xi32, #tpu.memory_space<vmem>> -> memref<128xi32, #tpu.memory_space<vmem>>
    %dma_wait3A_19 = arith.constant 0 : i32
    %dma_wait3A_20 = arith.constant 0 : i32
    %dma_wait3A_21 = tpu.memref_slice %arg2[%dma_wait3A_19, %dma_wait3A_20] : memref<25000x128xf32, #tpu.memory_space<hbm>> -> memref<25000x128xf32, #tpu.memory_space<hbm>>
    tpu.wait_indirect_dma semaphore(%arg11 : memref<!tpu.dma_semaphore, #tpu.memory_space<semaphore_mem>>) src(%dma_wait3A_21 : memref<25000x128xf32, #tpu.memory_space<hbm>>) dst(%dma_wait3A_16 : memref<128x128xf32, #tpu.memory_space<vmem>>)
    %dma_start3A_22 = arith.constant 0 : i32
    %dma_start3A_23 = arith.constant 0 : i32
    %dma_start3A_24 = arith.constant 0 : i32
    %dma_start3A_25 = arith.constant 0 : i32
    %dma_start3A_26 = tpu.memref_slice %arg9[%dma_start3A_22, %dma_start3A_24, %dma_start3A_25] : memref<2x128x128xf32, #tpu.memory_space<vmem>> -> memref<1x128x128xf32, #tpu.memory_space<vmem>>
    %dma_start3A_27 = tpu.memref_squeeze %dma_start3A_26 : memref<1x128x128xf32, #tpu.memory_space<vmem>> -> memref<128x128xf32, #tpu.memory_space<vmem>>
    %dma_start3A_28 = arith.constant 0 : i32
    %dma_start3A_29 = tpu.memref_slice %arg8[%dma_start3A_23, %dma_start3A_28] : memref<10x128xi32, #tpu.memory_space<vmem>> -> memref<1x128xi32, #tpu.memory_space<vmem>>
    %dma_start3A_30 = tpu.memref_squeeze %dma_start3A_29 : memref<1x128xi32, #tpu.memory_space<vmem>> -> memref<128xi32, #tpu.memory_space<vmem>>
    %dma_start3A_31 = arith.constant 0 : i32
    %dma_start3A_32 = arith.constant 0 : i32
    %dma_start3A_33 = tpu.memref_slice %arg10[%dma_start3A_31, %dma_start3A_32] : memref<2512x128xf32, #tpu.memory_space<vmem_shared>> -> memref<2512x128xf32, #tpu.memory_space<vmem_shared>>
    tpu.enqueue_indirect_dma source(%dma_start3A_27 : memref<128x128xf32, #tpu.memory_space<vmem>>) target(%dma_start3A_33 : memref<2512x128xf32, #tpu.memory_space<vmem_shared>>) offsets(%dma_start3A_30 : memref<128xi32, #tpu.memory_space<vmem>>) semaphore(%arg13 : memref<!tpu.dma_semaphore, #tpu.memory_space<semaphore_mem>>) {add = true}
    %dma_start3A_34 = arith.constant 1 : i32
    %dma_start3A_35 = arith.constant 0 : i32
    %dma_start3A_36 = arith.constant 0 : i32
    %dma_start3A_37 = tpu.memref_slice %arg9[%dma_start3A_34, %dma_start3A_35, %dma_start3A_36] : memref<2x128x128xf32, #tpu.memory_space<vmem>> -> memref<1x128x128xf32, #tpu.memory_space<vmem>>
    %dma_start3A_38 = tpu.memref_squeeze %dma_start3A_37 : memref<1x128x128xf32, #tpu.memory_space<vmem>> -> memref<128x128xf32, #tpu.memory_space<vmem>>
    %dma_start3A_39 = arith.constant 128 : i32
    %dma_start3A_40 = tpu.memref_slice %arg7[%dma_start3A_39] : memref<1280xi32, #tpu.memory_space<vmem>> -> memref<128xi32, #tpu.memory_space<vmem>>
    %dma_start3A_41 = arith.constant 0 : i32
    %dma_start3A_42 = arith.constant 0 : i32
    %dma_start3A_43 = tpu.memref_slice %arg2[%dma_start3A_41, %dma_start3A_42] : memref<25000x128xf32, #tpu.memory_space<hbm>> -> memref<25000x128xf32, #tpu.memory_space<hbm>>
    tpu.enqueue_indirect_dma source(%dma_start3A_43 : memref<25000x128xf32, #tpu.memory_space<hbm>>) target(%dma_start3A_38 : memref<128x128xf32, #tpu.memory_space<vmem>>) offsets(%dma_start3A_40 : memref<128xi32, #tpu.memory_space<vmem>>) semaphore(%arg12 : memref<!tpu.dma_semaphore, #tpu.memory_space<semaphore_mem>>)
    %dma_wait3A_44 = arith.constant 1 : i32
    %dma_wait3A_45 = arith.constant 0 : i32
    %dma_wait3A_46 = arith.constant 0 : i32
    %dma_wait3A_47 = tpu.memref_slice %arg9[%dma_wait3A_44, %dma_wait3A_45, %dma_wait3A_46] : memref<2x128x128xf32, #tpu.memory_space<vmem>> -> memref<1x128x128xf32, #tpu.memory_space<vmem>>
    %dma_wait3A_48 = tpu.memref_squeeze %dma_wait3A_47 : memref<1x128x128xf32, #tpu.memory_space<vmem>> -> memref<128x128xf32, #tpu.memory_space<vmem>>
    %dma_wait3A_49 = arith.constant 128 : i32
    %dma_wait3A_50 = tpu.memref_slice %arg7[%dma_wait3A_49] : memref<1280xi32, #tpu.memory_space<vmem>> -> memref<128xi32, #tpu.memory_space<vmem>>
    %dma_wait3A_51 = arith.constant 0 : i32
    %dma_wait3A_52 = arith.constant 0 : i32
    %dma_wait3A_53 = tpu.memref_slice %arg2[%dma_wait3A_51, %dma_wait3A_52] : memref<25000x128xf32, #tpu.memory_space<hbm>> -> memref<25000x128xf32, #tpu.memory_space<hbm>>
    tpu.wait_indirect_dma semaphore(%arg12 : memref<!tpu.dma_semaphore, #tpu.memory_space<semaphore_mem>>) src(%dma_wait3A_53 : memref<25000x128xf32, #tpu.memory_space<hbm>>) dst(%dma_wait3A_48 : memref<128x128xf32, #tpu.memory_space<vmem>>)
    %dma_start3A_54 = arith.constant 1 : i32
    %dma_start3A_55 = arith.constant 1 : i32
    %dma_start3A_56 = arith.constant 0 : i32
    %dma_start3A_57 = arith.constant 0 : i32
    %dma_start3A_58 = tpu.memref_slice %arg9[%dma_start3A_54, %dma_start3A_56, %dma_start3A_57] : memref<2x128x128xf32, #tpu.memory_space<vmem>> -> memref<1x128x128xf32, #tpu.memory_space<vmem>>
    %dma_start3A_59 = tpu.memref_squeeze %dma_start3A_58 : memref<1x128x128xf32, #tpu.memory_space<vmem>> -> memref<128x128xf32, #tpu.memory_space<vmem>>
    %dma_start3A_60 = arith.constant 0 : i32
    %dma_start3A_61 = tpu.memref_slice %arg8[%dma_start3A_55, %dma_start3A_60] : memref<10x128xi32, #tpu.memory_space<vmem>> -> memref<1x128xi32, #tpu.memory_space<vmem>>
    %dma_start3A_62 = tpu.memref_squeeze %dma_start3A_61 : memref<1x128xi32, #tpu.memory_space<vmem>> -> memref<128xi32, #tpu.memory_space<vmem>>
    %dma_start3A_63 = arith.constant 0 : i32
    %dma_start3A_64 = arith.constant 0 : i32
    %dma_start3A_65 = tpu.memref_slice %arg10[%dma_start3A_63, %dma_start3A_64] : memref<2512x128xf32, #tpu.memory_space<vmem_shared>> -> memref<2512x128xf32, #tpu.memory_space<vmem_shared>>
    tpu.enqueue_indirect_dma source(%dma_start3A_59 : memref<128x128xf32, #tpu.memory_space<vmem>>) target(%dma_start3A_65 : memref<2512x128xf32, #tpu.memory_space<vmem_shared>>) offsets(%dma_start3A_62 : memref<128xi32, #tpu.memory_space<vmem>>) semaphore(%arg14 : memref<!tpu.dma_semaphore, #tpu.memory_space<semaphore_mem>>) {add = true}
    %dma_wait3A_66 = arith.constant 0 : i32
    %dma_wait3A_67 = arith.constant 0 : i32
    %dma_wait3A_68 = arith.constant 0 : i32
    %dma_wait3A_69 = arith.constant 0 : i32
    %dma_wait3A_70 = tpu.memref_slice %arg9[%dma_wait3A_66, %dma_wait3A_68, %dma_wait3A_69] : memref<2x128x128xf32, #tpu.memory_space<vmem>> -> memref<1x128x128xf32, #tpu.memory_space<vmem>>
    %dma_wait3A_71 = tpu.memref_squeeze %dma_wait3A_70 : memref<1x128x128xf32, #tpu.memory_space<vmem>> -> memref<128x128xf32, #tpu.memory_space<vmem>>
    %dma_wait3A_72 = arith.constant 0 : i32
    %dma_wait3A_73 = tpu.memref_slice %arg8[%dma_wait3A_67, %dma_wait3A_72] : memref<10x128xi32, #tpu.memory_space<vmem>> -> memref<1x128xi32, #tpu.memory_space<vmem>>
    %dma_wait3A_74 = tpu.memref_squeeze %dma_wait3A_73 : memref<1x128xi32, #tpu.memory_space<vmem>> -> memref<128xi32, #tpu.memory_space<vmem>>
    %dma_wait3A_75 = arith.constant 0 : i32
    %dma_wait3A_76 = arith.constant 0 : i32
    %dma_wait3A_77 = tpu.memref_slice %arg10[%dma_wait3A_75, %dma_wait3A_76] : memref<2512x128xf32, #tpu.memory_space<vmem_shared>> -> memref<2512x128xf32, #tpu.memory_space<vmem_shared>>
    tpu.wait_indirect_dma semaphore(%arg13 : memref<!tpu.dma_semaphore, #tpu.memory_space<semaphore_mem>>) src(%dma_wait3A_71 : memref<128x128xf32, #tpu.memory_space<vmem>>) dst(%dma_wait3A_77 : memref<2512x128xf32, #tpu.memory_space<vmem_shared>>)
    %dma_start3A_78 = arith.constant 0 : i32
    %dma_start3A_79 = arith.constant 0 : i32
    %dma_start3A_80 = arith.constant 0 : i32
    %dma_start3A_81 = tpu.memref_slice %arg9[%dma_start3A_78, %dma_start3A_79, %dma_start3A_80] : memref<2x128x128xf32, #tpu.memory_space<vmem>> -> memref<1x128x128xf32, #tpu.memory_space<vmem>>
    %dma_start3A_82 = tpu.memref_squeeze %dma_start3A_81 : memref<1x128x128xf32, #tpu.memory_space<vmem>> -> memref<128x128xf32, #tpu.memory_space<vmem>>
    %dma_start3A_83 = arith.constant 256 : i32
    %dma_start3A_84 = tpu.memref_slice %arg7[%dma_start3A_83] : memref<1280xi32, #tpu.memory_space<vmem>> -> memref<128xi32, #tpu.memory_space<vmem>>
    %dma_start3A_85 = arith.constant 0 : i32
    %dma_start3A_86 = arith.constant 0 : i32
    %dma_start3A_87 = tpu.memref_slice %arg2[%dma_start3A_85, %dma_start3A_86] : memref<25000x128xf32, #tpu.memory_space<hbm>> -> memref<25000x128xf32, #tpu.memory_space<hbm>>
    tpu.enqueue_indirect_dma source(%dma_start3A_87 : memref<25000x128xf32, #tpu.memory_space<hbm>>) target(%dma_start3A_82 : memref<128x128xf32, #tpu.memory_space<vmem>>) offsets(%dma_start3A_84 : memref<128xi32, #tpu.memory_space<vmem>>) semaphore(%arg11 : memref<!tpu.dma_semaphore, #tpu.memory_space<semaphore_mem>>)
    %dma_wait3A_88 = arith.constant 0 : i32
    %dma_wait3A_89 = arith.constant 0 : i32
    %dma_wait3A_90 = arith.constant 0 : i32
    %dma_wait3A_91 = tpu.memref_slice %arg9[%dma_wait3A_88, %dma_wait3A_89, %dma_wait3A_90] : memref<2x128x128xf32, #tpu.memory_space<vmem>> -> memref<1x128x128xf32, #tpu.memory_space<vmem>>
    %dma_wait3A_92 = tpu.memref_squeeze %dma_wait3A_91 : memref<1x128x128xf32, #tpu.memory_space<vmem>> -> memref<128x128xf32, #tpu.memory_space<vmem>>
    %dma_wait3A_93 = arith.constant 256 : i32
    %dma_wait3A_94 = tpu.memref_slice %arg7[%dma_wait3A_93] : memref<1280xi32, #tpu.memory_space<vmem>> -> memref<128xi32, #tpu.memory_space<vmem>>
    %dma_wait3A_95 = arith.constant 0 : i32
    %dma_wait3A_96 = arith.constant 0 : i32
    %dma_wait3A_97 = tpu.memref_slice %arg2[%dma_wait3A_95, %dma_wait3A_96] : memref<25000x128xf32, #tpu.memory_space<hbm>> -> memref<25000x128xf32, #tpu.memory_space<hbm>>
    tpu.wait_indirect_dma semaphore(%arg11 : memref<!tpu.dma_semaphore, #tpu.memory_space<semaphore_mem>>) src(%dma_wait3A_97 : memref<25000x128xf32, #tpu.memory_space<hbm>>) dst(%dma_wait3A_92 : memref<128x128xf32, #tpu.memory_space<vmem>>)
    %dma_start3A_98 = arith.constant 0 : i32
    %dma_start3A_99 = arith.constant 2 : i32
    %dma_start3A_100 = arith.constant 0 : i32
    %dma_start3A_101 = arith.constant 0 : i32
    %dma_start3A_102 = tpu.memref_slice %arg9[%dma_start3A_98, %dma_start3A_100, %dma_start3A_101] : memref<2x128x128xf32, #tpu.memory_space<vmem>> -> memref<1x128x128xf32, #tpu.memory_space<vmem>>
    %dma_start3A_103 = tpu.memref_squeeze %dma_start3A_102 : memref<1x128x128xf32, #tpu.memory_space<vmem>> -> memref<128x128xf32, #tpu.memory_space<vmem>>
    %dma_start3A_104 = arith.constant 0 : i32
    %dma_start3A_105 = tpu.memref_slice %arg8[%dma_start3A_99, %dma_start3A_104] : memref<10x128xi32, #tpu.memory_space<vmem>> -> memref<1x128xi32, #tpu.memory_space<vmem>>
    %dma_start3A_106 = tpu.memref_squeeze %dma_start3A_105 : memref<1x128xi32, #tpu.memory_space<vmem>> -> memref<128xi32, #tpu.memory_space<vmem>>
    %dma_start3A_107 = arith.constant 0 : i32
    %dma_start3A_108 = arith.constant 0 : i32
    %dma_start3A_109 = tpu.memref_slice %arg10[%dma_start3A_107, %dma_start3A_108] : memref<2512x128xf32, #tpu.memory_space<vmem_shared>> -> memref<2512x128xf32, #tpu.memory_space<vmem_shared>>
    tpu.enqueue_indirect_dma source(%dma_start3A_103 : memref<128x128xf32, #tpu.memory_space<vmem>>) target(%dma_start3A_109 : memref<2512x128xf32, #tpu.memory_space<vmem_shared>>) offsets(%dma_start3A_106 : memref<128xi32, #tpu.memory_space<vmem>>) semaphore(%arg13 : memref<!tpu.dma_semaphore, #tpu.memory_space<semaphore_mem>>) {add = true}
    %dma_wait3A_110 = arith.constant 1 : i32
    %dma_wait3A_111 = arith.constant 1 : i32
    %dma_wait3A_112 = arith.constant 0 : i32
    %dma_wait3A_113 = arith.constant 0 : i32
    %dma_wait3A_114 = tpu.memref_slice %arg9[%dma_wait3A_110, %dma_wait3A_112, %dma_wait3A_113] : memref<2x128x128xf32, #tpu.memory_space<vmem>> -> memref<1x128x128xf32, #tpu.memory_space<vmem>>
    %dma_wait3A_115 = tpu.memref_squeeze %dma_wait3A_114 : memref<1x128x128xf32, #tpu.memory_space<vmem>> -> memref<128x128xf32, #tpu.memory_space<vmem>>
    %dma_wait3A_116 = arith.constant 0 : i32
    %dma_wait3A_117 = tpu.memref_slice %arg8[%dma_wait3A_111, %dma_wait3A_116] : memref<10x128xi32, #tpu.memory_space<vmem>> -> memref<1x128xi32, #tpu.memory_space<vmem>>
    %dma_wait3A_118 = tpu.memref_squeeze %dma_wait3A_117 : memref<1x128xi32, #tpu.memory_space<vmem>> -> memref<128xi32, #tpu.memory_space<vmem>>
    %dma_wait3A_119 = arith.constant 0 : i32
    %dma_wait3A_120 = arith.constant 0 : i32
    %dma_wait3A_121 = tpu.memref_slice %arg10[%dma_wait3A_119, %dma_wait3A_120] : memref<2512x128xf32, #tpu.memory_space<vmem_shared>> -> memref<2512x128xf32, #tpu.memory_space<vmem_shared>>
    tpu.wait_indirect_dma semaphore(%arg14 : memref<!tpu.dma_semaphore, #tpu.memory_space<semaphore_mem>>) src(%dma_wait3A_115 : memref<128x128xf32, #tpu.memory_space<vmem>>) dst(%dma_wait3A_121 : memref<2512x128xf32, #tpu.memory_space<vmem_shared>>)
    %dma_start3A_122 = arith.constant 1 : i32
    %dma_start3A_123 = arith.constant 0 : i32
    %dma_start3A_124 = arith.constant 0 : i32
    %dma_start3A_125 = tpu.memref_slice %arg9[%dma_start3A_122, %dma_start3A_123, %dma_start3A_124] : memref<2x128x128xf32, #tpu.memory_space<vmem>> -> memref<1x128x128xf32, #tpu.memory_space<vmem>>
    %dma_start3A_126 = tpu.memref_squeeze %dma_start3A_125 : memref<1x128x128xf32, #tpu.memory_space<vmem>> -> memref<128x128xf32, #tpu.memory_space<vmem>>
    %dma_start3A_127 = arith.constant 384 : i32
    %dma_start3A_128 = tpu.memref_slice %arg7[%dma_start3A_127] : memref<1280xi32, #tpu.memory_space<vmem>> -> memref<128xi32, #tpu.memory_space<vmem>>
    %dma_start3A_129 = arith.constant 0 : i32
    %dma_start3A_130 = arith.constant 0 : i32
    %dma_start3A_131 = tpu.memref_slice %arg2[%dma_start3A_129, %dma_start3A_130] : memref<25000x128xf32, #tpu.memory_space<hbm>> -> memref<25000x128xf32, #tpu.memory_space<hbm>>
    tpu.enqueue_indirect_dma source(%dma_start3A_131 : memref<25000x128xf32, #tpu.memory_space<hbm>>) target(%dma_start3A_126 : memref<128x128xf32, #tpu.memory_space<vmem>>) offsets(%dma_start3A_128 : memref<128xi32, #tpu.memory_space<vmem>>) semaphore(%arg12 : memref<!tpu.dma_semaphore, #tpu.memory_space<semaphore_mem>>)
    %dma_wait3A_132 = arith.constant 1 : i32
    %dma_wait3A_133 = arith.constant 0 : i32
    %dma_wait3A_134 = arith.constant 0 : i32
    %dma_wait3A_135 = tpu.memref_slice %arg9[%dma_wait3A_132, %dma_wait3A_133, %dma_wait3A_134] : memref<2x128x128xf32, #tpu.memory_space<vmem>> -> memref<1x128x128xf32, #tpu.memory_space<vmem>>
    %dma_wait3A_136 = tpu.memref_squeeze %dma_wait3A_135 : memref<1x128x128xf32, #tpu.memory_space<vmem>> -> memref<128x128xf32, #tpu.memory_space<vmem>>
    %dma_wait3A_137 = arith.constant 384 : i32
    %dma_wait3A_138 = tpu.memref_slice %arg7[%dma_wait3A_137] : memref<1280xi32, #tpu.memory_space<vmem>> -> memref<128xi32, #tpu.memory_space<vmem>>
    %dma_wait3A_139 = arith.constant 0 : i32
    %dma_wait3A_140 = arith.constant 0 : i32
    %dma_wait3A_141 = tpu.memref_slice %arg2[%dma_wait3A_139, %dma_wait3A_140] : memref<25000x128xf32, #tpu.memory_space<hbm>> -> memref<25000x128xf32, #tpu.memory_space<hbm>>
    tpu.wait_indirect_dma semaphore(%arg12 : memref<!tpu.dma_semaphore, #tpu.memory_space<semaphore_mem>>) src(%dma_wait3A_141 : memref<25000x128xf32, #tpu.memory_space<hbm>>) dst(%dma_wait3A_136 : memref<128x128xf32, #tpu.memory_space<vmem>>)
    %dma_start3A_142 = arith.constant 1 : i32
    %dma_start3A_143 = arith.constant 3 : i32
    %dma_start3A_144 = arith.constant 0 : i32
    %dma_start3A_145 = arith.constant 0 : i32
    %dma_start3A_146 = tpu.memref_slice %arg9[%dma_start3A_142, %dma_start3A_144, %dma_start3A_145] : memref<2x128x128xf32, #tpu.memory_space<vmem>> -> memref<1x128x128xf32, #tpu.memory_space<vmem>>
    %dma_start3A_147 = tpu.memref_squeeze %dma_start3A_146 : memref<1x128x128xf32, #tpu.memory_space<vmem>> -> memref<128x128xf32, #tpu.memory_space<vmem>>
    %dma_start3A_148 = arith.constant 0 : i32
    %dma_start3A_149 = tpu.memref_slice %arg8[%dma_start3A_143, %dma_start3A_148] : memref<10x128xi32, #tpu.memory_space<vmem>> -> memref<1x128xi32, #tpu.memory_space<vmem>>
    %dma_start3A_150 = tpu.memref_squeeze %dma_start3A_149 : memref<1x128xi32, #tpu.memory_space<vmem>> -> memref<128xi32, #tpu.memory_space<vmem>>
    %dma_start3A_151 = arith.constant 0 : i32
    %dma_start3A_152 = arith.constant 0 : i32
    %dma_start3A_153 = tpu.memref_slice %arg10[%dma_start3A_151, %dma_start3A_152] : memref<2512x128xf32, #tpu.memory_space<vmem_shared>> -> memref<2512x128xf32, #tpu.memory_space<vmem_shared>>
    tpu.enqueue_indirect_dma source(%dma_start3A_147 : memref<128x128xf32, #tpu.memory_space<vmem>>) target(%dma_start3A_153 : memref<2512x128xf32, #tpu.memory_space<vmem_shared>>) offsets(%dma_start3A_150 : memref<128xi32, #tpu.memory_space<vmem>>) semaphore(%arg14 : memref<!tpu.dma_semaphore, #tpu.memory_space<semaphore_mem>>) {add = true}
    %dma_wait3A_154 = arith.constant 0 : i32
    %dma_wait3A_155 = arith.constant 2 : i32
    %dma_wait3A_156 = arith.constant 0 : i32
    %dma_wait3A_157 = arith.constant 0 : i32
    %dma_wait3A_158 = tpu.memref_slice %arg9[%dma_wait3A_154, %dma_wait3A_156, %dma_wait3A_157] : memref<2x128x128xf32, #tpu.memory_space<vmem>> -> memref<1x128x128xf32, #tpu.memory_space<vmem>>
    %dma_wait3A_159 = tpu.memref_squeeze %dma_wait3A_158 : memref<1x128x128xf32, #tpu.memory_space<vmem>> -> memref<128x128xf32, #tpu.memory_space<vmem>>
    %dma_wait3A_160 = arith.constant 0 : i32
    %dma_wait3A_161 = tpu.memref_slice %arg8[%dma_wait3A_155, %dma_wait3A_160] : memref<10x128xi32, #tpu.memory_space<vmem>> -> memref<1x128xi32, #tpu.memory_space<vmem>>
    %dma_wait3A_162 = tpu.memref_squeeze %dma_wait3A_161 : memref<1x128xi32, #tpu.memory_space<vmem>> -> memref<128xi32, #tpu.memory_space<vmem>>
    %dma_wait3A_163 = arith.constant 0 : i32
    %dma_wait3A_164 = arith.constant 0 : i32
    %dma_wait3A_165 = tpu.memref_slice %arg10[%dma_wait3A_163, %dma_wait3A_164] : memref<2512x128xf32, #tpu.memory_space<vmem_shared>> -> memref<2512x128xf32, #tpu.memory_space<vmem_shared>>
    tpu.wait_indirect_dma semaphore(%arg13 : memref<!tpu.dma_semaphore, #tpu.memory_space<semaphore_mem>>) src(%dma_wait3A_159 : memref<128x128xf32, #tpu.memory_space<vmem>>) dst(%dma_wait3A_165 : memref<2512x128xf32, #tpu.memory_space<vmem_shared>>)
    %dma_start3A_166 = arith.constant 0 : i32
    %dma_start3A_167 = arith.constant 0 : i32
    %dma_start3A_168 = arith.constant 0 : i32
    %dma_start3A_169 = tpu.memref_slice %arg9[%dma_start3A_166, %dma_start3A_167, %dma_start3A_168] : memref<2x128x128xf32, #tpu.memory_space<vmem>> -> memref<1x128x128xf32, #tpu.memory_space<vmem>>
    %dma_start3A_170 = tpu.memref_squeeze %dma_start3A_169 : memref<1x128x128xf32, #tpu.memory_space<vmem>> -> memref<128x128xf32, #tpu.memory_space<vmem>>
    %dma_start3A_171 = arith.constant 512 : i32
    %dma_start3A_172 = tpu.memref_slice %arg7[%dma_start3A_171] : memref<1280xi32, #tpu.memory_space<vmem>> -> memref<128xi32, #tpu.memory_space<vmem>>
    %dma_start3A_173 = arith.constant 0 : i32
    %dma_start3A_174 = arith.constant 0 : i32
    %dma_start3A_175 = tpu.memref_slice %arg2[%dma_start3A_173, %dma_start3A_174] : memref<25000x128xf32, #tpu.memory_space<hbm>> -> memref<25000x128xf32, #tpu.memory_space<hbm>>
    tpu.enqueue_indirect_dma source(%dma_start3A_175 : memref<25000x128xf32, #tpu.memory_space<hbm>>) target(%dma_start3A_170 : memref<128x128xf32, #tpu.memory_space<vmem>>) offsets(%dma_start3A_172 : memref<128xi32, #tpu.memory_space<vmem>>) semaphore(%arg11 : memref<!tpu.dma_semaphore, #tpu.memory_space<semaphore_mem>>)
    %dma_wait3A_176 = arith.constant 0 : i32
    %dma_wait3A_177 = arith.constant 0 : i32
    %dma_wait3A_178 = arith.constant 0 : i32
    %dma_wait3A_179 = tpu.memref_slice %arg9[%dma_wait3A_176, %dma_wait3A_177, %dma_wait3A_178] : memref<2x128x128xf32, #tpu.memory_space<vmem>> -> memref<1x128x128xf32, #tpu.memory_space<vmem>>
    %dma_wait3A_180 = tpu.memref_squeeze %dma_wait3A_179 : memref<1x128x128xf32, #tpu.memory_space<vmem>> -> memref<128x128xf32, #tpu.memory_space<vmem>>
    %dma_wait3A_181 = arith.constant 512 : i32
    %dma_wait3A_182 = tpu.memref_slice %arg7[%dma_wait3A_181] : memref<1280xi32, #tpu.memory_space<vmem>> -> memref<128xi32, #tpu.memory_space<vmem>>
    %dma_wait3A_183 = arith.constant 0 : i32
    %dma_wait3A_184 = arith.constant 0 : i32
    %dma_wait3A_185 = tpu.memref_slice %arg2[%dma_wait3A_183, %dma_wait3A_184] : memref<25000x128xf32, #tpu.memory_space<hbm>> -> memref<25000x128xf32, #tpu.memory_space<hbm>>
    tpu.wait_indirect_dma semaphore(%arg11 : memref<!tpu.dma_semaphore, #tpu.memory_space<semaphore_mem>>) src(%dma_wait3A_185 : memref<25000x128xf32, #tpu.memory_space<hbm>>) dst(%dma_wait3A_180 : memref<128x128xf32, #tpu.memory_space<vmem>>)
    %dma_start3A_186 = arith.constant 0 : i32
    %dma_start3A_187 = arith.constant 4 : i32
    %dma_start3A_188 = arith.constant 0 : i32
    %dma_start3A_189 = arith.constant 0 : i32
    %dma_start3A_190 = tpu.memref_slice %arg9[%dma_start3A_186, %dma_start3A_188, %dma_start3A_189] : memref<2x128x128xf32, #tpu.memory_space<vmem>> -> memref<1x128x128xf32, #tpu.memory_space<vmem>>
    %dma_start3A_191 = tpu.memref_squeeze %dma_start3A_190 : memref<1x128x128xf32, #tpu.memory_space<vmem>> -> memref<128x128xf32, #tpu.memory_space<vmem>>
    %dma_start3A_192 = arith.constant 0 : i32
    %dma_start3A_193 = tpu.memref_slice %arg8[%dma_start3A_187, %dma_start3A_192] : memref<10x128xi32, #tpu.memory_space<vmem>> -> memref<1x128xi32, #tpu.memory_space<vmem>>
    %dma_start3A_194 = tpu.memref_squeeze %dma_start3A_193 : memref<1x128xi32, #tpu.memory_space<vmem>> -> memref<128xi32, #tpu.memory_space<vmem>>
    %dma_start3A_195 = arith.constant 0 : i32
    %dma_start3A_196 = arith.constant 0 : i32
    %dma_start3A_197 = tpu.memref_slice %arg10[%dma_start3A_195, %dma_start3A_196] : memref<2512x128xf32, #tpu.memory_space<vmem_shared>> -> memref<2512x128xf32, #tpu.memory_space<vmem_shared>>
    tpu.enqueue_indirect_dma source(%dma_start3A_191 : memref<128x128xf32, #tpu.memory_space<vmem>>) target(%dma_start3A_197 : memref<2512x128xf32, #tpu.memory_space<vmem_shared>>) offsets(%dma_start3A_194 : memref<128xi32, #tpu.memory_space<vmem>>) semaphore(%arg13 : memref<!tpu.dma_semaphore, #tpu.memory_space<semaphore_mem>>) {add = true}
    %dma_wait3A_198 = arith.constant 1 : i32
    %dma_wait3A_199 = arith.constant 3 : i32
    %dma_wait3A_200 = arith.constant 0 : i32
    %dma_wait3A_201 = arith.constant 0 : i32
    %dma_wait3A_202 = tpu.memref_slice %arg9[%dma_wait3A_198, %dma_wait3A_200, %dma_wait3A_201] : memref<2x128x128xf32, #tpu.memory_space<vmem>> -> memref<1x128x128xf32, #tpu.memory_space<vmem>>
    %dma_wait3A_203 = tpu.memref_squeeze %dma_wait3A_202 : memref<1x128x128xf32, #tpu.memory_space<vmem>> -> memref<128x128xf32, #tpu.memory_space<vmem>>
    %dma_wait3A_204 = arith.constant 0 : i32
    %dma_wait3A_205 = tpu.memref_slice %arg8[%dma_wait3A_199, %dma_wait3A_204] : memref<10x128xi32, #tpu.memory_space<vmem>> -> memref<1x128xi32, #tpu.memory_space<vmem>>
    %dma_wait3A_206 = tpu.memref_squeeze %dma_wait3A_205 : memref<1x128xi32, #tpu.memory_space<vmem>> -> memref<128xi32, #tpu.memory_space<vmem>>
    %dma_wait3A_207 = arith.constant 0 : i32
    %dma_wait3A_208 = arith.constant 0 : i32
    %dma_wait3A_209 = tpu.memref_slice %arg10[%dma_wait3A_207, %dma_wait3A_208] : memref<2512x128xf32, #tpu.memory_space<vmem_shared>> -> memref<2512x128xf32, #tpu.memory_space<vmem_shared>>
    tpu.wait_indirect_dma semaphore(%arg14 : memref<!tpu.dma_semaphore, #tpu.memory_space<semaphore_mem>>) src(%dma_wait3A_203 : memref<128x128xf32, #tpu.memory_space<vmem>>) dst(%dma_wait3A_209 : memref<2512x128xf32, #tpu.memory_space<vmem_shared>>)
    %dma_start3A_210 = arith.constant 1 : i32
    %dma_start3A_211 = arith.constant 0 : i32
    %dma_start3A_212 = arith.constant 0 : i32
    %dma_start3A_213 = tpu.memref_slice %arg9[%dma_start3A_210, %dma_start3A_211, %dma_start3A_212] : memref<2x128x128xf32, #tpu.memory_space<vmem>> -> memref<1x128x128xf32, #tpu.memory_space<vmem>>
    %dma_start3A_214 = tpu.memref_squeeze %dma_start3A_213 : memref<1x128x128xf32, #tpu.memory_space<vmem>> -> memref<128x128xf32, #tpu.memory_space<vmem>>
    %dma_start3A_215 = arith.constant 640 : i32
    %dma_start3A_216 = tpu.memref_slice %arg7[%dma_start3A_215] : memref<1280xi32, #tpu.memory_space<vmem>> -> memref<128xi32, #tpu.memory_space<vmem>>
    %dma_start3A_217 = arith.constant 0 : i32
    %dma_start3A_218 = arith.constant 0 : i32
    %dma_start3A_219 = tpu.memref_slice %arg2[%dma_start3A_217, %dma_start3A_218] : memref<25000x128xf32, #tpu.memory_space<hbm>> -> memref<25000x128xf32, #tpu.memory_space<hbm>>
    tpu.enqueue_indirect_dma source(%dma_start3A_219 : memref<25000x128xf32, #tpu.memory_space<hbm>>) target(%dma_start3A_214 : memref<128x128xf32, #tpu.memory_space<vmem>>) offsets(%dma_start3A_216 : memref<128xi32, #tpu.memory_space<vmem>>) semaphore(%arg12 : memref<!tpu.dma_semaphore, #tpu.memory_space<semaphore_mem>>)
    %dma_wait3A_220 = arith.constant 1 : i32
    %dma_wait3A_221 = arith.constant 0 : i32
    %dma_wait3A_222 = arith.constant 0 : i32
    %dma_wait3A_223 = tpu.memref_slice %arg9[%dma_wait3A_220, %dma_wait3A_221, %dma_wait3A_222] : memref<2x128x128xf32, #tpu.memory_space<vmem>> -> memref<1x128x128xf32, #tpu.memory_space<vmem>>
    %dma_wait3A_224 = tpu.memref_squeeze %dma_wait3A_223 : memref<1x128x128xf32, #tpu.memory_space<vmem>> -> memref<128x128xf32, #tpu.memory_space<vmem>>
    %dma_wait3A_225 = arith.constant 640 : i32
    %dma_wait3A_226 = tpu.memref_slice %arg7[%dma_wait3A_225] : memref<1280xi32, #tpu.memory_space<vmem>> -> memref<128xi32, #tpu.memory_space<vmem>>
    %dma_wait3A_227 = arith.constant 0 : i32
    %dma_wait3A_228 = arith.constant 0 : i32
    %dma_wait3A_229 = tpu.memref_slice %arg2[%dma_wait3A_227, %dma_wait3A_228] : memref<25000x128xf32, #tpu.memory_space<hbm>> -> memref<25000x128xf32, #tpu.memory_space<hbm>>
    tpu.wait_indirect_dma semaphore(%arg12 : memref<!tpu.dma_semaphore, #tpu.memory_space<semaphore_mem>>) src(%dma_wait3A_229 : memref<25000x128xf32, #tpu.memory_space<hbm>>) dst(%dma_wait3A_224 : memref<128x128xf32, #tpu.memory_space<vmem>>)
    %dma_start3A_230 = arith.constant 1 : i32
    %dma_start3A_231 = arith.constant 5 : i32
    %dma_start3A_232 = arith.constant 0 : i32
    %dma_start3A_233 = arith.constant 0 : i32
    %dma_start3A_234 = tpu.memref_slice %arg9[%dma_start3A_230, %dma_start3A_232, %dma_start3A_233] : memref<2x128x128xf32, #tpu.memory_space<vmem>> -> memref<1x128x128xf32, #tpu.memory_space<vmem>>
    %dma_start3A_235 = tpu.memref_squeeze %dma_start3A_234 : memref<1x128x128xf32, #tpu.memory_space<vmem>> -> memref<128x128xf32, #tpu.memory_space<vmem>>
    %dma_start3A_236 = arith.constant 0 : i32
    %dma_start3A_237 = tpu.memref_slice %arg8[%dma_start3A_231, %dma_start3A_236] : memref<10x128xi32, #tpu.memory_space<vmem>> -> memref<1x128xi32, #tpu.memory_space<vmem>>
    %dma_start3A_238 = tpu.memref_squeeze %dma_start3A_237 : memref<1x128xi32, #tpu.memory_space<vmem>> -> memref<128xi32, #tpu.memory_space<vmem>>
    %dma_start3A_239 = arith.constant 0 : i32
    %dma_start3A_240 = arith.constant 0 : i32
    %dma_start3A_241 = tpu.memref_slice %arg10[%dma_start3A_239, %dma_start3A_240] : memref<2512x128xf32, #tpu.memory_space<vmem_shared>> -> memref<2512x128xf32, #tpu.memory_space<vmem_shared>>
    tpu.enqueue_indirect_dma source(%dma_start3A_235 : memref<128x128xf32, #tpu.memory_space<vmem>>) target(%dma_start3A_241 : memref<2512x128xf32, #tpu.memory_space<vmem_shared>>) offsets(%dma_start3A_238 : memref<128xi32, #tpu.memory_space<vmem>>) semaphore(%arg14 : memref<!tpu.dma_semaphore, #tpu.memory_space<semaphore_mem>>) {add = true}
    %dma_wait3A_242 = arith.constant 0 : i32
    %dma_wait3A_243 = arith.constant 4 : i32
    %dma_wait3A_244 = arith.constant 0 : i32
    %dma_wait3A_245 = arith.constant 0 : i32
    %dma_wait3A_246 = tpu.memref_slice %arg9[%dma_wait3A_242, %dma_wait3A_244, %dma_wait3A_245] : memref<2x128x128xf32, #tpu.memory_space<vmem>> -> memref<1x128x128xf32, #tpu.memory_space<vmem>>
    %dma_wait3A_247 = tpu.memref_squeeze %dma_wait3A_246 : memref<1x128x128xf32, #tpu.memory_space<vmem>> -> memref<128x128xf32, #tpu.memory_space<vmem>>
    %dma_wait3A_248 = arith.constant 0 : i32
    %dma_wait3A_249 = tpu.memref_slice %arg8[%dma_wait3A_243, %dma_wait3A_248] : memref<10x128xi32, #tpu.memory_space<vmem>> -> memref<1x128xi32, #tpu.memory_space<vmem>>
    %dma_wait3A_250 = tpu.memref_squeeze %dma_wait3A_249 : memref<1x128xi32, #tpu.memory_space<vmem>> -> memref<128xi32, #tpu.memory_space<vmem>>
    %dma_wait3A_251 = arith.constant 0 : i32
    %dma_wait3A_252 = arith.constant 0 : i32
    %dma_wait3A_253 = tpu.memref_slice %arg10[%dma_wait3A_251, %dma_wait3A_252] : memref<2512x128xf32, #tpu.memory_space<vmem_shared>> -> memref<2512x128xf32, #tpu.memory_space<vmem_shared>>
    tpu.wait_indirect_dma semaphore(%arg13 : memref<!tpu.dma_semaphore, #tpu.memory_space<semaphore_mem>>) src(%dma_wait3A_247 : memref<128x128xf32, #tpu.memory_space<vmem>>) dst(%dma_wait3A_253 : memref<2512x128xf32, #tpu.memory_space<vmem_shared>>)
    %dma_start3A_254 = arith.constant 0 : i32
    %dma_start3A_255 = arith.constant 0 : i32
    %dma_start3A_256 = arith.constant 0 : i32
    %dma_start3A_257 = tpu.memref_slice %arg9[%dma_start3A_254, %dma_start3A_255, %dma_start3A_256] : memref<2x128x128xf32, #tpu.memory_space<vmem>> -> memref<1x128x128xf32, #tpu.memory_space<vmem>>
    %dma_start3A_258 = tpu.memref_squeeze %dma_start3A_257 : memref<1x128x128xf32, #tpu.memory_space<vmem>> -> memref<128x128xf32, #tpu.memory_space<vmem>>
    %dma_start3A_259 = arith.constant 768 : i32
    %dma_start3A_260 = tpu.memref_slice %arg7[%dma_start3A_259] : memref<1280xi32, #tpu.memory_space<vmem>> -> memref<128xi32, #tpu.memory_space<vmem>>
    %dma_start3A_261 = arith.constant 0 : i32
    %dma_start3A_262 = arith.constant 0 : i32
    %dma_start3A_263 = tpu.memref_slice %arg2[%dma_start3A_261, %dma_start3A_262] : memref<25000x128xf32, #tpu.memory_space<hbm>> -> memref<25000x128xf32, #tpu.memory_space<hbm>>
    tpu.enqueue_indirect_dma source(%dma_start3A_263 : memref<25000x128xf32, #tpu.memory_space<hbm>>) target(%dma_start3A_258 : memref<128x128xf32, #tpu.memory_space<vmem>>) offsets(%dma_start3A_260 : memref<128xi32, #tpu.memory_space<vmem>>) semaphore(%arg11 : memref<!tpu.dma_semaphore, #tpu.memory_space<semaphore_mem>>)
    %dma_wait3A_264 = arith.constant 0 : i32
    %dma_wait3A_265 = arith.constant 0 : i32
    %dma_wait3A_266 = arith.constant 0 : i32
    %dma_wait3A_267 = tpu.memref_slice %arg9[%dma_wait3A_264, %dma_wait3A_265, %dma_wait3A_266] : memref<2x128x128xf32, #tpu.memory_space<vmem>> -> memref<1x128x128xf32, #tpu.memory_space<vmem>>
    %dma_wait3A_268 = tpu.memref_squeeze %dma_wait3A_267 : memref<1x128x128xf32, #tpu.memory_space<vmem>> -> memref<128x128xf32, #tpu.memory_space<vmem>>
    %dma_wait3A_269 = arith.constant 768 : i32
    %dma_wait3A_270 = tpu.memref_slice %arg7[%dma_wait3A_269] : memref<1280xi32, #tpu.memory_space<vmem>> -> memref<128xi32, #tpu.memory_space<vmem>>
    %dma_wait3A_271 = arith.constant 0 : i32
    %dma_wait3A_272 = arith.constant 0 : i32
    %dma_wait3A_273 = tpu.memref_slice %arg2[%dma_wait3A_271, %dma_wait3A_272] : memref<25000x128xf32, #tpu.memory_space<hbm>> -> memref<25000x128xf32, #tpu.memory_space<hbm>>
    tpu.wait_indirect_dma semaphore(%arg11 : memref<!tpu.dma_semaphore, #tpu.memory_space<semaphore_mem>>) src(%dma_wait3A_273 : memref<25000x128xf32, #tpu.memory_space<hbm>>) dst(%dma_wait3A_268 : memref<128x128xf32, #tpu.memory_space<vmem>>)
    %dma_start3A_274 = arith.constant 0 : i32
    %dma_start3A_275 = arith.constant 6 : i32
    %dma_start3A_276 = arith.constant 0 : i32
    %dma_start3A_277 = arith.constant 0 : i32
    %dma_start3A_278 = tpu.memref_slice %arg9[%dma_start3A_274, %dma_start3A_276, %dma_start3A_277] : memref<2x128x128xf32, #tpu.memory_space<vmem>> -> memref<1x128x128xf32, #tpu.memory_space<vmem>>
    %dma_start3A_279 = tpu.memref_squeeze %dma_start3A_278 : memref<1x128x128xf32, #tpu.memory_space<vmem>> -> memref<128x128xf32, #tpu.memory_space<vmem>>
    %dma_start3A_280 = arith.constant 0 : i32
    %dma_start3A_281 = tpu.memref_slice %arg8[%dma_start3A_275, %dma_start3A_280] : memref<10x128xi32, #tpu.memory_space<vmem>> -> memref<1x128xi32, #tpu.memory_space<vmem>>
    %dma_start3A_282 = tpu.memref_squeeze %dma_start3A_281 : memref<1x128xi32, #tpu.memory_space<vmem>> -> memref<128xi32, #tpu.memory_space<vmem>>
    %dma_start3A_283 = arith.constant 0 : i32
    %dma_start3A_284 = arith.constant 0 : i32
    %dma_start3A_285 = tpu.memref_slice %arg10[%dma_start3A_283, %dma_start3A_284] : memref<2512x128xf32, #tpu.memory_space<vmem_shared>> -> memref<2512x128xf32, #tpu.memory_space<vmem_shared>>
    tpu.enqueue_indirect_dma source(%dma_start3A_279 : memref<128x128xf32, #tpu.memory_space<vmem>>) target(%dma_start3A_285 : memref<2512x128xf32, #tpu.memory_space<vmem_shared>>) offsets(%dma_start3A_282 : memref<128xi32, #tpu.memory_space<vmem>>) semaphore(%arg13 : memref<!tpu.dma_semaphore, #tpu.memory_space<semaphore_mem>>) {add = true}
    %dma_wait3A_286 = arith.constant 1 : i32
    %dma_wait3A_287 = arith.constant 5 : i32
    %dma_wait3A_288 = arith.constant 0 : i32
    %dma_wait3A_289 = arith.constant 0 : i32
    %dma_wait3A_290 = tpu.memref_slice %arg9[%dma_wait3A_286, %dma_wait3A_288, %dma_wait3A_289] : memref<2x128x128xf32, #tpu.memory_space<vmem>> -> memref<1x128x128xf32, #tpu.memory_space<vmem>>
    %dma_wait3A_291 = tpu.memref_squeeze %dma_wait3A_290 : memref<1x128x128xf32, #tpu.memory_space<vmem>> -> memref<128x128xf32, #tpu.memory_space<vmem>>
    %dma_wait3A_292 = arith.constant 0 : i32
    %dma_wait3A_293 = tpu.memref_slice %arg8[%dma_wait3A_287, %dma_wait3A_292] : memref<10x128xi32, #tpu.memory_space<vmem>> -> memref<1x128xi32, #tpu.memory_space<vmem>>
    %dma_wait3A_294 = tpu.memref_squeeze %dma_wait3A_293 : memref<1x128xi32, #tpu.memory_space<vmem>> -> memref<128xi32, #tpu.memory_space<vmem>>
    %dma_wait3A_295 = arith.constant 0 : i32
    %dma_wait3A_296 = arith.constant 0 : i32
    %dma_wait3A_297 = tpu.memref_slice %arg10[%dma_wait3A_295, %dma_wait3A_296] : memref<2512x128xf32, #tpu.memory_space<vmem_shared>> -> memref<2512x128xf32, #tpu.memory_space<vmem_shared>>
    tpu.wait_indirect_dma semaphore(%arg14 : memref<!tpu.dma_semaphore, #tpu.memory_space<semaphore_mem>>) src(%dma_wait3A_291 : memref<128x128xf32, #tpu.memory_space<vmem>>) dst(%dma_wait3A_297 : memref<2512x128xf32, #tpu.memory_space<vmem_shared>>)
    %dma_start3A_298 = arith.constant 1 : i32
    %dma_start3A_299 = arith.constant 0 : i32
    %dma_start3A_300 = arith.constant 0 : i32
    %dma_start3A_301 = tpu.memref_slice %arg9[%dma_start3A_298, %dma_start3A_299, %dma_start3A_300] : memref<2x128x128xf32, #tpu.memory_space<vmem>> -> memref<1x128x128xf32, #tpu.memory_space<vmem>>
    %dma_start3A_302 = tpu.memref_squeeze %dma_start3A_301 : memref<1x128x128xf32, #tpu.memory_space<vmem>> -> memref<128x128xf32, #tpu.memory_space<vmem>>
    %dma_start3A_303 = arith.constant 896 : i32
    %dma_start3A_304 = tpu.memref_slice %arg7[%dma_start3A_303] : memref<1280xi32, #tpu.memory_space<vmem>> -> memref<128xi32, #tpu.memory_space<vmem>>
    %dma_start3A_305 = arith.constant 0 : i32
    %dma_start3A_306 = arith.constant 0 : i32
    %dma_start3A_307 = tpu.memref_slice %arg2[%dma_start3A_305, %dma_start3A_306] : memref<25000x128xf32, #tpu.memory_space<hbm>> -> memref<25000x128xf32, #tpu.memory_space<hbm>>
    tpu.enqueue_indirect_dma source(%dma_start3A_307 : memref<25000x128xf32, #tpu.memory_space<hbm>>) target(%dma_start3A_302 : memref<128x128xf32, #tpu.memory_space<vmem>>) offsets(%dma_start3A_304 : memref<128xi32, #tpu.memory_space<vmem>>) semaphore(%arg12 : memref<!tpu.dma_semaphore, #tpu.memory_space<semaphore_mem>>)
    %dma_wait3A_308 = arith.constant 1 : i32
    %dma_wait3A_309 = arith.constant 0 : i32
    %dma_wait3A_310 = arith.constant 0 : i32
    %dma_wait3A_311 = tpu.memref_slice %arg9[%dma_wait3A_308, %dma_wait3A_309, %dma_wait3A_310] : memref<2x128x128xf32, #tpu.memory_space<vmem>> -> memref<1x128x128xf32, #tpu.memory_space<vmem>>
    %dma_wait3A_312 = tpu.memref_squeeze %dma_wait3A_311 : memref<1x128x128xf32, #tpu.memory_space<vmem>> -> memref<128x128xf32, #tpu.memory_space<vmem>>
    %dma_wait3A_313 = arith.constant 896 : i32
    %dma_wait3A_314 = tpu.memref_slice %arg7[%dma_wait3A_313] : memref<1280xi32, #tpu.memory_space<vmem>> -> memref<128xi32, #tpu.memory_space<vmem>>
    %dma_wait3A_315 = arith.constant 0 : i32
    %dma_wait3A_316 = arith.constant 0 : i32
    %dma_wait3A_317 = tpu.memref_slice %arg2[%dma_wait3A_315, %dma_wait3A_316] : memref<25000x128xf32, #tpu.memory_space<hbm>> -> memref<25000x128xf32, #tpu.memory_space<hbm>>
    tpu.wait_indirect_dma semaphore(%arg12 : memref<!tpu.dma_semaphore, #tpu.memory_space<semaphore_mem>>) src(%dma_wait3A_317 : memref<25000x128xf32, #tpu.memory_space<hbm>>) dst(%dma_wait3A_312 : memref<128x128xf32, #tpu.memory_space<vmem>>)
    %dma_start3A_318 = arith.constant 1 : i32
    %dma_start3A_319 = arith.constant 7 : i32
    %dma_start3A_320 = arith.constant 0 : i32
    %dma_start3A_321 = arith.constant 0 : i32
    %dma_start3A_322 = tpu.memref_slice %arg9[%dma_start3A_318, %dma_start3A_320, %dma_start3A_321] : memref<2x128x128xf32, #tpu.memory_space<vmem>> -> memref<1x128x128xf32, #tpu.memory_space<vmem>>
    %dma_start3A_323 = tpu.memref_squeeze %dma_start3A_322 : memref<1x128x128xf32, #tpu.memory_space<vmem>> -> memref<128x128xf32, #tpu.memory_space<vmem>>
    %dma_start3A_324 = arith.constant 0 : i32
    %dma_start3A_325 = tpu.memref_slice %arg8[%dma_start3A_319, %dma_start3A_324] : memref<10x128xi32, #tpu.memory_space<vmem>> -> memref<1x128xi32, #tpu.memory_space<vmem>>
    %dma_start3A_326 = tpu.memref_squeeze %dma_start3A_325 : memref<1x128xi32, #tpu.memory_space<vmem>> -> memref<128xi32, #tpu.memory_space<vmem>>
    %dma_start3A_327 = arith.constant 0 : i32
    %dma_start3A_328 = arith.constant 0 : i32
    %dma_start3A_329 = tpu.memref_slice %arg10[%dma_start3A_327, %dma_start3A_328] : memref<2512x128xf32, #tpu.memory_space<vmem_shared>> -> memref<2512x128xf32, #tpu.memory_space<vmem_shared>>
    tpu.enqueue_indirect_dma source(%dma_start3A_323 : memref<128x128xf32, #tpu.memory_space<vmem>>) target(%dma_start3A_329 : memref<2512x128xf32, #tpu.memory_space<vmem_shared>>) offsets(%dma_start3A_326 : memref<128xi32, #tpu.memory_space<vmem>>) semaphore(%arg14 : memref<!tpu.dma_semaphore, #tpu.memory_space<semaphore_mem>>) {add = true}
    %dma_wait3A_330 = arith.constant 0 : i32
    %dma_wait3A_331 = arith.constant 6 : i32
    %dma_wait3A_332 = arith.constant 0 : i32
    %dma_wait3A_333 = arith.constant 0 : i32
    %dma_wait3A_334 = tpu.memref_slice %arg9[%dma_wait3A_330, %dma_wait3A_332, %dma_wait3A_333] : memref<2x128x128xf32, #tpu.memory_space<vmem>> -> memref<1x128x128xf32, #tpu.memory_space<vmem>>
    %dma_wait3A_335 = tpu.memref_squeeze %dma_wait3A_334 : memref<1x128x128xf32, #tpu.memory_space<vmem>> -> memref<128x128xf32, #tpu.memory_space<vmem>>
    %dma_wait3A_336 = arith.constant 0 : i32
    %dma_wait3A_337 = tpu.memref_slice %arg8[%dma_wait3A_331, %dma_wait3A_336] : memref<10x128xi32, #tpu.memory_space<vmem>> -> memref<1x128xi32, #tpu.memory_space<vmem>>
    %dma_wait3A_338 = tpu.memref_squeeze %dma_wait3A_337 : memref<1x128xi32, #tpu.memory_space<vmem>> -> memref<128xi32, #tpu.memory_space<vmem>>
    %dma_wait3A_339 = arith.constant 0 : i32
    %dma_wait3A_340 = arith.constant 0 : i32
    %dma_wait3A_341 = tpu.memref_slice %arg10[%dma_wait3A_339, %dma_wait3A_340] : memref<2512x128xf32, #tpu.memory_space<vmem_shared>> -> memref<2512x128xf32, #tpu.memory_space<vmem_shared>>
    tpu.wait_indirect_dma semaphore(%arg13 : memref<!tpu.dma_semaphore, #tpu.memory_space<semaphore_mem>>) src(%dma_wait3A_335 : memref<128x128xf32, #tpu.memory_space<vmem>>) dst(%dma_wait3A_341 : memref<2512x128xf32, #tpu.memory_space<vmem_shared>>)
    %dma_start3A_342 = arith.constant 0 : i32
    %dma_start3A_343 = arith.constant 0 : i32
    %dma_start3A_344 = arith.constant 0 : i32
    %dma_start3A_345 = tpu.memref_slice %arg9[%dma_start3A_342, %dma_start3A_343, %dma_start3A_344] : memref<2x128x128xf32, #tpu.memory_space<vmem>> -> memref<1x128x128xf32, #tpu.memory_space<vmem>>
    %dma_start3A_346 = tpu.memref_squeeze %dma_start3A_345 : memref<1x128x128xf32, #tpu.memory_space<vmem>> -> memref<128x128xf32, #tpu.memory_space<vmem>>
    %dma_start3A_347 = arith.constant 1024 : i32
    %dma_start3A_348 = tpu.memref_slice %arg7[%dma_start3A_347] : memref<1280xi32, #tpu.memory_space<vmem>> -> memref<128xi32, #tpu.memory_space<vmem>>
    %dma_start3A_349 = arith.constant 0 : i32
    %dma_start3A_350 = arith.constant 0 : i32
    %dma_start3A_351 = tpu.memref_slice %arg2[%dma_start3A_349, %dma_start3A_350] : memref<25000x128xf32, #tpu.memory_space<hbm>> -> memref<25000x128xf32, #tpu.memory_space<hbm>>
    tpu.enqueue_indirect_dma source(%dma_start3A_351 : memref<25000x128xf32, #tpu.memory_space<hbm>>) target(%dma_start3A_346 : memref<128x128xf32, #tpu.memory_space<vmem>>) offsets(%dma_start3A_348 : memref<128xi32, #tpu.memory_space<vmem>>) semaphore(%arg11 : memref<!tpu.dma_semaphore, #tpu.memory_space<semaphore_mem>>)
    %dma_wait3A_352 = arith.constant 0 : i32
    %dma_wait3A_353 = arith.constant 0 : i32
    %dma_wait3A_354 = arith.constant 0 : i32
    %dma_wait3A_355 = tpu.memref_slice %arg9[%dma_wait3A_352, %dma_wait3A_353, %dma_wait3A_354] : memref<2x128x128xf32, #tpu.memory_space<vmem>> -> memref<1x128x128xf32, #tpu.memory_space<vmem>>
    %dma_wait3A_356 = tpu.memref_squeeze %dma_wait3A_355 : memref<1x128x128xf32, #tpu.memory_space<vmem>> -> memref<128x128xf32, #tpu.memory_space<vmem>>
    %dma_wait3A_357 = arith.constant 1024 : i32
    %dma_wait3A_358 = tpu.memref_slice %arg7[%dma_wait3A_357] : memref<1280xi32, #tpu.memory_space<vmem>> -> memref<128xi32, #tpu.memory_space<vmem>>
    %dma_wait3A_359 = arith.constant 0 : i32
    %dma_wait3A_360 = arith.constant 0 : i32
    %dma_wait3A_361 = tpu.memref_slice %arg2[%dma_wait3A_359, %dma_wait3A_360] : memref<25000x128xf32, #tpu.memory_space<hbm>> -> memref<25000x128xf32, #tpu.memory_space<hbm>>
    tpu.wait_indirect_dma semaphore(%arg11 : memref<!tpu.dma_semaphore, #tpu.memory_space<semaphore_mem>>) src(%dma_wait3A_361 : memref<25000x128xf32, #tpu.memory_space<hbm>>) dst(%dma_wait3A_356 : memref<128x128xf32, #tpu.memory_space<vmem>>)
    %dma_start3A_362 = arith.constant 0 : i32
    %dma_start3A_363 = arith.constant 8 : i32
    %dma_start3A_364 = arith.constant 0 : i32
    %dma_start3A_365 = arith.constant 0 : i32
    %dma_start3A_366 = tpu.memref_slice %arg9[%dma_start3A_362, %dma_start3A_364, %dma_start3A_365] : memref<2x128x128xf32, #tpu.memory_space<vmem>> -> memref<1x128x128xf32, #tpu.memory_space<vmem>>
    %dma_start3A_367 = tpu.memref_squeeze %dma_start3A_366 : memref<1x128x128xf32, #tpu.memory_space<vmem>> -> memref<128x128xf32, #tpu.memory_space<vmem>>
    %dma_start3A_368 = arith.constant 0 : i32
    %dma_start3A_369 = tpu.memref_slice %arg8[%dma_start3A_363, %dma_start3A_368] : memref<10x128xi32, #tpu.memory_space<vmem>> -> memref<1x128xi32, #tpu.memory_space<vmem>>
    %dma_start3A_370 = tpu.memref_squeeze %dma_start3A_369 : memref<1x128xi32, #tpu.memory_space<vmem>> -> memref<128xi32, #tpu.memory_space<vmem>>
    %dma_start3A_371 = arith.constant 0 : i32
    %dma_start3A_372 = arith.constant 0 : i32
    %dma_start3A_373 = tpu.memref_slice %arg10[%dma_start3A_371, %dma_start3A_372] : memref<2512x128xf32, #tpu.memory_space<vmem_shared>> -> memref<2512x128xf32, #tpu.memory_space<vmem_shared>>
    tpu.enqueue_indirect_dma source(%dma_start3A_367 : memref<128x128xf32, #tpu.memory_space<vmem>>) target(%dma_start3A_373 : memref<2512x128xf32, #tpu.memory_space<vmem_shared>>) offsets(%dma_start3A_370 : memref<128xi32, #tpu.memory_space<vmem>>) semaphore(%arg13 : memref<!tpu.dma_semaphore, #tpu.memory_space<semaphore_mem>>) {add = true}
    %dma_wait3A_374 = arith.constant 1 : i32
    %dma_wait3A_375 = arith.constant 7 : i32
    %dma_wait3A_376 = arith.constant 0 : i32
    %dma_wait3A_377 = arith.constant 0 : i32
    %dma_wait3A_378 = tpu.memref_slice %arg9[%dma_wait3A_374, %dma_wait3A_376, %dma_wait3A_377] : memref<2x128x128xf32, #tpu.memory_space<vmem>> -> memref<1x128x128xf32, #tpu.memory_space<vmem>>
    %dma_wait3A_379 = tpu.memref_squeeze %dma_wait3A_378 : memref<1x128x128xf32, #tpu.memory_space<vmem>> -> memref<128x128xf32, #tpu.memory_space<vmem>>
    %dma_wait3A_380 = arith.constant 0 : i32
    %dma_wait3A_381 = tpu.memref_slice %arg8[%dma_wait3A_375, %dma_wait3A_380] : memref<10x128xi32, #tpu.memory_space<vmem>> -> memref<1x128xi32, #tpu.memory_space<vmem>>
    %dma_wait3A_382 = tpu.memref_squeeze %dma_wait3A_381 : memref<1x128xi32, #tpu.memory_space<vmem>> -> memref<128xi32, #tpu.memory_space<vmem>>
    %dma_wait3A_383 = arith.constant 0 : i32
    %dma_wait3A_384 = arith.constant 0 : i32
    %dma_wait3A_385 = tpu.memref_slice %arg10[%dma_wait3A_383, %dma_wait3A_384] : memref<2512x128xf32, #tpu.memory_space<vmem_shared>> -> memref<2512x128xf32, #tpu.memory_space<vmem_shared>>
    tpu.wait_indirect_dma semaphore(%arg14 : memref<!tpu.dma_semaphore, #tpu.memory_space<semaphore_mem>>) src(%dma_wait3A_379 : memref<128x128xf32, #tpu.memory_space<vmem>>) dst(%dma_wait3A_385 : memref<2512x128xf32, #tpu.memory_space<vmem_shared>>)
    %dma_start3A_386 = arith.constant 1 : i32
    %dma_start3A_387 = arith.constant 0 : i32
    %dma_start3A_388 = arith.constant 0 : i32
    %dma_start3A_389 = tpu.memref_slice %arg9[%dma_start3A_386, %dma_start3A_387, %dma_start3A_388] : memref<2x128x128xf32, #tpu.memory_space<vmem>> -> memref<1x128x128xf32, #tpu.memory_space<vmem>>
    %dma_start3A_390 = tpu.memref_squeeze %dma_start3A_389 : memref<1x128x128xf32, #tpu.memory_space<vmem>> -> memref<128x128xf32, #tpu.memory_space<vmem>>
    %dma_start3A_391 = arith.constant 1152 : i32
    %dma_start3A_392 = tpu.memref_slice %arg7[%dma_start3A_391] : memref<1280xi32, #tpu.memory_space<vmem>> -> memref<128xi32, #tpu.memory_space<vmem>>
    %dma_start3A_393 = arith.constant 0 : i32
    %dma_start3A_394 = arith.constant 0 : i32
    %dma_start3A_395 = tpu.memref_slice %arg2[%dma_start3A_393, %dma_start3A_394] : memref<25000x128xf32, #tpu.memory_space<hbm>> -> memref<25000x128xf32, #tpu.memory_space<hbm>>
    tpu.enqueue_indirect_dma source(%dma_start3A_395 : memref<25000x128xf32, #tpu.memory_space<hbm>>) target(%dma_start3A_390 : memref<128x128xf32, #tpu.memory_space<vmem>>) offsets(%dma_start3A_392 : memref<128xi32, #tpu.memory_space<vmem>>) semaphore(%arg12 : memref<!tpu.dma_semaphore, #tpu.memory_space<semaphore_mem>>)
    %dma_wait3A_396 = arith.constant 1 : i32
    %dma_wait3A_397 = arith.constant 0 : i32
    %dma_wait3A_398 = arith.constant 0 : i32
    %dma_wait3A_399 = tpu.memref_slice %arg9[%dma_wait3A_396, %dma_wait3A_397, %dma_wait3A_398] : memref<2x128x128xf32, #tpu.memory_space<vmem>> -> memref<1x128x128xf32, #tpu.memory_space<vmem>>
    %dma_wait3A_400 = tpu.memref_squeeze %dma_wait3A_399 : memref<1x128x128xf32, #tpu.memory_space<vmem>> -> memref<128x128xf32, #tpu.memory_space<vmem>>
    %dma_wait3A_401 = arith.constant 1152 : i32
    %dma_wait3A_402 = tpu.memref_slice %arg7[%dma_wait3A_401] : memref<1280xi32, #tpu.memory_space<vmem>> -> memref<128xi32, #tpu.memory_space<vmem>>
    %dma_wait3A_403 = arith.constant 0 : i32
    %dma_wait3A_404 = arith.constant 0 : i32
    %dma_wait3A_405 = tpu.memref_slice %arg2[%dma_wait3A_403, %dma_wait3A_404] : memref<25000x128xf32, #tpu.memory_space<hbm>> -> memref<25000x128xf32, #tpu.memory_space<hbm>>
    tpu.wait_indirect_dma semaphore(%arg12 : memref<!tpu.dma_semaphore, #tpu.memory_space<semaphore_mem>>) src(%dma_wait3A_405 : memref<25000x128xf32, #tpu.memory_space<hbm>>) dst(%dma_wait3A_400 : memref<128x128xf32, #tpu.memory_space<vmem>>)
    %dma_start3A_406 = arith.constant 1 : i32
    %dma_start3A_407 = arith.constant 9 : i32
    %dma_start3A_408 = arith.constant 0 : i32
    %dma_start3A_409 = arith.constant 0 : i32
    %dma_start3A_410 = tpu.memref_slice %arg9[%dma_start3A_406, %dma_start3A_408, %dma_start3A_409] : memref<2x128x128xf32, #tpu.memory_space<vmem>> -> memref<1x128x128xf32, #tpu.memory_space<vmem>>
    %dma_start3A_411 = tpu.memref_squeeze %dma_start3A_410 : memref<1x128x128xf32, #tpu.memory_space<vmem>> -> memref<128x128xf32, #tpu.memory_space<vmem>>
    %dma_start3A_412 = arith.constant 0 : i32
    %dma_start3A_413 = tpu.memref_slice %arg8[%dma_start3A_407, %dma_start3A_412] : memref<10x128xi32, #tpu.memory_space<vmem>> -> memref<1x128xi32, #tpu.memory_space<vmem>>
    %dma_start3A_414 = tpu.memref_squeeze %dma_start3A_413 : memref<1x128xi32, #tpu.memory_space<vmem>> -> memref<128xi32, #tpu.memory_space<vmem>>
    %dma_start3A_415 = arith.constant 0 : i32
    %dma_start3A_416 = arith.constant 0 : i32
    %dma_start3A_417 = tpu.memref_slice %arg10[%dma_start3A_415, %dma_start3A_416] : memref<2512x128xf32, #tpu.memory_space<vmem_shared>> -> memref<2512x128xf32, #tpu.memory_space<vmem_shared>>
    tpu.enqueue_indirect_dma source(%dma_start3A_411 : memref<128x128xf32, #tpu.memory_space<vmem>>) target(%dma_start3A_417 : memref<2512x128xf32, #tpu.memory_space<vmem_shared>>) offsets(%dma_start3A_414 : memref<128xi32, #tpu.memory_space<vmem>>) semaphore(%arg14 : memref<!tpu.dma_semaphore, #tpu.memory_space<semaphore_mem>>) {add = true}
    %dma_wait3A_418 = arith.constant 0 : i32
    %dma_wait3A_419 = arith.constant 8 : i32
    %dma_wait3A_420 = arith.constant 0 : i32
    %dma_wait3A_421 = arith.constant 0 : i32
    %dma_wait3A_422 = tpu.memref_slice %arg9[%dma_wait3A_418, %dma_wait3A_420, %dma_wait3A_421] : memref<2x128x128xf32, #tpu.memory_space<vmem>> -> memref<1x128x128xf32, #tpu.memory_space<vmem>>
    %dma_wait3A_423 = tpu.memref_squeeze %dma_wait3A_422 : memref<1x128x128xf32, #tpu.memory_space<vmem>> -> memref<128x128xf32, #tpu.memory_space<vmem>>
    %dma_wait3A_424 = arith.constant 0 : i32
    %dma_wait3A_425 = tpu.memref_slice %arg8[%dma_wait3A_419, %dma_wait3A_424] : memref<10x128xi32, #tpu.memory_space<vmem>> -> memref<1x128xi32, #tpu.memory_space<vmem>>
    %dma_wait3A_426 = tpu.memref_squeeze %dma_wait3A_425 : memref<1x128xi32, #tpu.memory_space<vmem>> -> memref<128xi32, #tpu.memory_space<vmem>>
    %dma_wait3A_427 = arith.constant 0 : i32
    %dma_wait3A_428 = arith.constant 0 : i32
    %dma_wait3A_429 = tpu.memref_slice %arg10[%dma_wait3A_427, %dma_wait3A_428] : memref<2512x128xf32, #tpu.memory_space<vmem_shared>> -> memref<2512x128xf32, #tpu.memory_space<vmem_shared>>
    tpu.wait_indirect_dma semaphore(%arg13 : memref<!tpu.dma_semaphore, #tpu.memory_space<semaphore_mem>>) src(%dma_wait3A_423 : memref<128x128xf32, #tpu.memory_space<vmem>>) dst(%dma_wait3A_429 : memref<2512x128xf32, #tpu.memory_space<vmem_shared>>)
    %dma_wait3A_430 = arith.constant 1 : i32
    %dma_wait3A_431 = arith.constant 9 : i32
    %dma_wait3A_432 = arith.constant 0 : i32
    %dma_wait3A_433 = arith.constant 0 : i32
    %dma_wait3A_434 = tpu.memref_slice %arg9[%dma_wait3A_430, %dma_wait3A_432, %dma_wait3A_433] : memref<2x128x128xf32, #tpu.memory_space<vmem>> -> memref<1x128x128xf32, #tpu.memory_space<vmem>>
    %dma_wait3A_435 = tpu.memref_squeeze %dma_wait3A_434 : memref<1x128x128xf32, #tpu.memory_space<vmem>> -> memref<128x128xf32, #tpu.memory_space<vmem>>
    %dma_wait3A_436 = arith.constant 0 : i32
    %dma_wait3A_437 = tpu.memref_slice %arg8[%dma_wait3A_431, %dma_wait3A_436] : memref<10x128xi32, #tpu.memory_space<vmem>> -> memref<1x128xi32, #tpu.memory_space<vmem>>
    %dma_wait3A_438 = tpu.memref_squeeze %dma_wait3A_437 : memref<1x128xi32, #tpu.memory_space<vmem>> -> memref<128xi32, #tpu.memory_space<vmem>>
    %dma_wait3A_439 = arith.constant 0 : i32
    %dma_wait3A_440 = arith.constant 0 : i32
    %dma_wait3A_441 = tpu.memref_slice %arg10[%dma_wait3A_439, %dma_wait3A_440] : memref<2512x128xf32, #tpu.memory_space<vmem_shared>> -> memref<2512x128xf32, #tpu.memory_space<vmem_shared>>
    tpu.wait_indirect_dma semaphore(%arg14 : memref<!tpu.dma_semaphore, #tpu.memory_space<semaphore_mem>>) src(%dma_wait3A_435 : memref<128x128xf32, #tpu.memory_space<vmem>>) dst(%dma_wait3A_441 : memref<2512x128xf32, #tpu.memory_space<vmem_shared>>)
    %barrier3A_442 = arith.constant 0 : index
    tpu.barrier barrier_id(%barrier3A_442)
    "tpu.region"() ({
      %run_scoped3A = tpu.sem_alloc : memref<!tpu.dma_semaphore, #tpu.memory_space<semaphore_mem>>
      %dma_start3A_443 = arith.constant 0 : i32
      %dma_start3A_444 = tpu.memref_slice %arg6[%arg0, %select_n3A, %dma_start3A_443] : memref<2x2512x128xf32, #tpu.memory_space<hbm>> -> memref<1x160x128xf32, #tpu.memory_space<hbm>>
      %dma_start3A_445 = tpu.memref_squeeze %dma_start3A_444 : memref<1x160x128xf32, #tpu.memory_space<hbm>> -> memref<160x128xf32, #tpu.memory_space<hbm>>
      %dma_start3A_446 = arith.constant 0 : i32
      %dma_start3A_447 = tpu.memref_slice %arg10[%select_n3A, %dma_start3A_446] : memref<2512x128xf32, #tpu.memory_space<vmem_shared>> -> memref<160x128xf32, #tpu.memory_space<vmem_shared>>
      tpu.enqueue_dma source(%dma_start3A_447 : memref<160x128xf32, #tpu.memory_space<vmem_shared>>) target(%dma_start3A_445 : memref<160x128xf32, #tpu.memory_space<hbm>>) target_semaphore(%run_scoped3A : memref<!tpu.dma_semaphore, #tpu.memory_space<semaphore_mem>>)
      %dma_wait3A_448 = arith.constant 0 : i32
      %dma_wait3A_449 = tpu.memref_slice %arg6[%arg0, %select_n3A, %dma_wait3A_448] : memref<2x2512x128xf32, #tpu.memory_space<hbm>> -> memref<1x160x128xf32, #tpu.memory_space<hbm>>
      %dma_wait3A_450 = tpu.memref_squeeze %dma_wait3A_449 : memref<1x160x128xf32, #tpu.memory_space<hbm>> -> memref<160x128xf32, #tpu.memory_space<hbm>>
      %dma_wait3A_451 = arith.constant 0 : i32
      %dma_wait3A_452 = tpu.memref_slice %arg10[%select_n3A, %dma_wait3A_451] : memref<2512x128xf32, #tpu.memory_space<vmem_shared>> -> memref<160x128xf32, #tpu.memory_space<vmem_shared>>
      tpu.wait_dma2 semaphore(%run_scoped3A : memref<!tpu.dma_semaphore, #tpu.memory_space<semaphore_mem>>) src(%dma_wait3A_452 : memref<160x128xf32, #tpu.memory_space<vmem_shared>>) dst(%dma_wait3A_450 : memref<160x128xf32, #tpu.memory_space<hbm>>)
      tpu.yield
    }) : () -> ()
    return
  }
}

module attributes {stable_mosaic.version = 14 : i64} {
  func.func @body(%arg0: i32, %arg1: memref<1000x128xf32, #tpu.memory_space<vmem>>, %arg2: memref<1000x128xf32, #tpu.memory_space<vmem>>, %arg3: memref<128x128xf32, #tpu.memory_space<vmem>>, %arg4: memref<1x128xf32, #tpu.memory_space<vmem>>, %arg5: memref<1000x128xf32, #tpu.memory_space<vmem>>) attributes {dimension_semantics = [#tpu.dimension_semantics<arbitrary>], iteration_bounds = array<i64: 100>, scalar_prefetch = 0 : i64, scratch_operands = 0 : i64, tpu.core_type = #tpu.core_type<tc>, window_params = [{transform_indices = @transform_0, window_bounds = array<i64: 1000, 128>}, {transform_indices = @transform_1, window_bounds = array<i64: 1000, 128>}, {pipeline_mode = #tpu.pipeline_mode<synchronous>, transform_indices = @transform_2, window_bounds = array<i64: 128, 128>}, {pipeline_mode = #tpu.pipeline_mode<synchronous>, transform_indices = @transform_3, window_bounds = array<i64: 1, 128>}, {transform_indices = @transform_4, window_bounds = array<i64: 1000, 128>}]} {
    %get3A = arith.constant 0 : index
    %get3A_0 = arith.constant 0 : index
    %get3A_1 = vector.load %arg1[%get3A, %get3A_0] : memref<1000x128xf32, #tpu.memory_space<vmem>>, vector<1000x128xf32>
    %get3A_2 = arith.constant 0 : index
    %get3A_3 = arith.constant 0 : index
    %get3A_4 = vector.load %arg3[%get3A_2, %get3A_3] : memref<128x128xf32, #tpu.memory_space<vmem>>, vector<128x128xf32>
    %dot_general3A = arith.constant dense<0.000000e+00> : vector<1000x128xf32>
    %dot_general3A_5 = tpu.matmul %get3A_1, %get3A_4, %dot_general3A {dimension_numbers = #tpu.dot_dimension_numbers<[1], [0], [0], [1], [0, 0, 1, 1], [], []>, transpose_lhs_hint = false} : vector<1000x128xf32>, vector<128x128xf32>, vector<1000x128xf32> -> vector<1000x128xf32>
    %get3A_6 = arith.constant 0 : index
    %get3A_7 = arith.constant 0 : index
    %get3A_8 = vector.load %arg4[%get3A_6, %get3A_7] : memref<1x128xf32, #tpu.memory_space<vmem>>, vector<1x128xf32>
    %add3A = vector.broadcast %get3A_8 : vector<1x128xf32> to vector<1000x128xf32>
    %add3A_9 = arith.addf %dot_general3A_5, %add3A : vector<1000x128xf32>
    %max3A = arith.constant 0.000000e+00 : f32
    %max3A_10 = vector.broadcast %max3A : f32 to vector<1000x128xf32>
    %max3A_11 = arith.maximumf %add3A_9, %max3A_10 : vector<1000x128xf32>
    %get3A_12 = arith.constant 0 : index
    %get3A_13 = arith.constant 0 : index
    %get3A_14 = vector.load %arg2[%get3A_12, %get3A_13] : memref<1000x128xf32, #tpu.memory_space<vmem>>, vector<1000x128xf32>
    %sub3A = arith.subf %max3A_11, %get3A_14 : vector<1000x128xf32>
    %swap3A = arith.constant 0 : index
    %swap3A_15 = arith.constant 0 : index
    %swap3A_16 = vector.load %arg5[%swap3A, %swap3A_15] : memref<1000x128xf32, #tpu.memory_space<vmem>>, vector<1000x128xf32>
    tpu.vector_store %arg5[%swap3A, %swap3A_15], %sub3A {strides = array<i32>} : memref<1000x128xf32, #tpu.memory_space<vmem>>, vector<1000x128xf32>,
    return
  }
  func.func @transform_0(%arg0: i32) -> (i32, i32) {
    %c0_i32 = arith.constant 0 : i32
    %c0_i32_0 = arith.constant 0 : i32
    return %arg0, %c0_i32 : i32, i32
  }
  func.func @transform_1(%arg0: i32) -> (i32, i32) {
    %c0_i32 = arith.constant 0 : i32
    %c0_i32_0 = arith.constant 0 : i32
    return %arg0, %c0_i32 : i32, i32
  }
  func.func @transform_2(%arg0: i32) -> (i32, i32) {
    %c0_i32 = arith.constant 0 : i32
    %c0_i32_0 = arith.constant 0 : i32
    %c0_i32_1 = arith.constant 0 : i32
    return %c0_i32, %c0_i32_0 : i32, i32
  }
  func.func @transform_3(%arg0: i32) -> (i32, i32) {
    %c0_i32 = arith.constant 0 : i32
    %c0_i32_0 = arith.constant 0 : i32
    %c0_i32_1 = arith.constant 0 : i32
    return %c0_i32, %c0_i32_0 : i32, i32
  }
  func.func @transform_4(%arg0: i32) -> (i32, i32) {
    %c0_i32 = arith.constant 0 : i32
    %c0_i32_0 = arith.constant 0 : i32
    return %arg0, %c0_i32 : i32, i32
  }
}

module attributes {stable_mosaic.version = 14 : i64} {
  func.func @body(%arg0: i32, %arg1: memref<1000x128xf32, #tpu.memory_space<vmem>>, %arg2: memref<1000x16xf32, #tpu.memory_space<vmem>>, %arg3: memref<1000x128xf32, #tpu.memory_space<vmem>>, %arg4: memref<1000x256xf32, #tpu.memory_space<vmem>>, %arg5: memref<128x128xf32, #tpu.memory_space<vmem>>, %arg6: memref<1x128xf32, #tpu.memory_space<vmem>>, %arg7: memref<256x64xf32, #tpu.memory_space<vmem>>, %arg8: memref<1000x128xf32, #tpu.memory_space<vmem>>) attributes {dimension_semantics = [#tpu.dimension_semantics<arbitrary>], iteration_bounds = array<i64: 25>, scalar_prefetch = 0 : i64, scratch_operands = 0 : i64, tpu.core_type = #tpu.core_type<tc>, window_params = [{transform_indices = @transform_0, window_bounds = array<i64: 1000, 128>}, {transform_indices = @transform_1, window_bounds = array<i64: 1000, 16>}, {transform_indices = @transform_2, window_bounds = array<i64: 1000, 128>}, {transform_indices = @transform_3, window_bounds = array<i64: 1000, 256>}, {pipeline_mode = #tpu.pipeline_mode<synchronous>, transform_indices = @transform_4, window_bounds = array<i64: 128, 128>}, {pipeline_mode = #tpu.pipeline_mode<synchronous>, transform_indices = @transform_5, window_bounds = array<i64: 1, 128>}, {pipeline_mode = #tpu.pipeline_mode<synchronous>, transform_indices = @transform_6, window_bounds = array<i64: 256, 64>}, {transform_indices = @transform_7, window_bounds = array<i64: 1000, 128>}]} {
    %get3A = arith.constant 0 : index
    %get3A_0 = arith.constant 0 : index
    %get3A_1 = vector.load %arg2[%get3A, %get3A_0] : memref<1000x16xf32, #tpu.memory_space<vmem>>, vector<1000x16xf32>
    %reduce_sum3A = arith.constant dense<0.000000e+00> : vector<1000xf32>
    %reduce_sum3A_2 = vector.multi_reduction <add>, %get3A_1, %reduce_sum3A [1] : vector<1000x16xf32> to vector<1000xf32>
    %broadcast_in_dim3A = vector.shape_cast %reduce_sum3A_2 : vector<1000xf32> to vector<1000x1xf32>
    %max3A = arith.constant 1.000000e+00 : f32
    %max3A_3 = vector.broadcast %max3A : f32 to vector<1000x1xf32>
    %max3A_4 = arith.maximumf %broadcast_in_dim3A, %max3A_3 : vector<1000x1xf32>
    %get3A_5 = arith.constant 0 : index
    %get3A_6 = arith.constant 0 : index
    %get3A_7 = vector.load %arg1[%get3A_5, %get3A_6] : memref<1000x128xf32, #tpu.memory_space<vmem>>, vector<1000x128xf32>
    %div3A = vector.broadcast %max3A_4 : vector<1000x1xf32> to vector<1000x128xf32>
    %div3A_8 = arith.divf %get3A_7, %div3A : vector<1000x128xf32>
    %get3A_9 = arith.constant 0 : index
    %get3A_10 = arith.constant 0 : index
    %get3A_11 = vector.load %arg3[%get3A_9, %get3A_10] : memref<1000x128xf32, #tpu.memory_space<vmem>>, vector<1000x128xf32>
    %add3A = arith.addf %div3A_8, %get3A_11 : vector<1000x128xf32>
    %get3A_12 = arith.constant 0 : index
    %get3A_13 = arith.constant 0 : index
    %get3A_14 = vector.load %arg5[%get3A_12, %get3A_13] : memref<128x128xf32, #tpu.memory_space<vmem>>, vector<128x128xf32>
    %dot_general3A = arith.constant dense<0.000000e+00> : vector<1000x128xf32>
    %dot_general3A_15 = tpu.matmul %add3A, %get3A_14, %dot_general3A {dimension_numbers = #tpu.dot_dimension_numbers<[1], [0], [0], [1], [0, 0, 1, 1], [], []>, transpose_lhs_hint = false} : vector<1000x128xf32>, vector<128x128xf32>, vector<1000x128xf32> -> vector<1000x128xf32>
    %get3A_16 = arith.constant 0 : index
    %get3A_17 = arith.constant 0 : index
    %get3A_18 = vector.load %arg6[%get3A_16, %get3A_17] : memref<1x128xf32, #tpu.memory_space<vmem>>, vector<1x128xf32>
    %add3A_19 = vector.broadcast %get3A_18 : vector<1x128xf32> to vector<1000x128xf32>
    %add3A_20 = arith.addf %dot_general3A_15, %add3A_19 : vector<1000x128xf32>
    %max3A_21 = arith.constant 0.000000e+00 : f32
    %max3A_22 = vector.broadcast %max3A_21 : f32 to vector<1000x128xf32>
    %max3A_23 = arith.maximumf %add3A_20, %max3A_22 : vector<1000x128xf32>
    %concatenate3A = tpu.concatenate %add3A_20, %max3A_23 in 1 : vector<1000x128xf32>, vector<1000x128xf32> -> vector<1000x256xf32>
    %get3A_24 = arith.constant 0 : index
    %get3A_25 = arith.constant 0 : index
    %get3A_26 = vector.load %arg4[%get3A_24, %get3A_25] : memref<1000x256xf32, #tpu.memory_space<vmem>>, vector<1000x256xf32>
    %sub3A = arith.subf %concatenate3A, %get3A_26 : vector<1000x256xf32>
    %get3A_27 = arith.constant 0 : index
    %get3A_28 = arith.constant 0 : index
    %get3A_29 = vector.load %arg7[%get3A_27, %get3A_28] : memref<256x64xf32, #tpu.memory_space<vmem>>, vector<256x64xf32>
    %dot_general3A_30 = arith.constant dense<0.000000e+00> : vector<1000x64xf32>
    %dot_general3A_31 = tpu.matmul %sub3A, %get3A_29, %dot_general3A_30 {dimension_numbers = #tpu.dot_dimension_numbers<[1], [0], [0], [1], [0, 0, 1, 1], [], []>, transpose_lhs_hint = false} : vector<1000x256xf32>, vector<256x64xf32>, vector<1000x64xf32> -> vector<1000x64xf32>
    %broadcast_in_dim3A_32 = arith.constant 0.000000e+00 : f32
    %broadcast_in_dim3A_33 = vector.broadcast %broadcast_in_dim3A_32 : f32 to vector<1000x64xf32>
    %concatenate3A_34 = tpu.concatenate %dot_general3A_31, %broadcast_in_dim3A_33 in 1 : vector<1000x64xf32>, vector<1000x64xf32> -> vector<1000x128xf32>
    %swap3A = arith.constant 0 : index
    %swap3A_35 = arith.constant 0 : index
    %swap3A_36 = vector.load %arg8[%swap3A, %swap3A_35] : memref<1000x128xf32, #tpu.memory_space<vmem>>, vector<1000x128xf32>
    tpu.vector_store %arg8[%swap3A, %swap3A_35], %concatenate3A_34 {strides = array<i32>} : memref<1000x128xf32, #tpu.memory_space<vmem>>, vector<1000x128xf32>,
    return
  }
  func.func @transform_0(%arg0: i32) -> (i32, i32) {
    %c0_i32 = arith.constant 0 : i32
    %c0_i32_0 = arith.constant 0 : i32
    return %arg0, %c0_i32 : i32, i32
  }
  func.func @transform_1(%arg0: i32) -> (i32, i32) {
    %c0_i32 = arith.constant 0 : i32
    %c0_i32_0 = arith.constant 0 : i32
    return %arg0, %c0_i32 : i32, i32
  }
  func.func @transform_2(%arg0: i32) -> (i32, i32) {
    %c0_i32 = arith.constant 0 : i32
    %c0_i32_0 = arith.constant 0 : i32
    return %arg0, %c0_i32 : i32, i32
  }
  func.func @transform_3(%arg0: i32) -> (i32, i32) {
    %c0_i32 = arith.constant 0 : i32
    %c0_i32_0 = arith.constant 0 : i32
    return %arg0, %c0_i32 : i32, i32
  }
  func.func @transform_4(%arg0: i32) -> (i32, i32) {
    %c0_i32 = arith.constant 0 : i32
    %c0_i32_0 = arith.constant 0 : i32
    %c0_i32_1 = arith.constant 0 : i32
    return %c0_i32, %c0_i32_0 : i32, i32
  }
  func.func @transform_5(%arg0: i32) -> (i32, i32) {
    %c0_i32 = arith.constant 0 : i32
    %c0_i32_0 = arith.constant 0 : i32
    %c0_i32_1 = arith.constant 0 : i32
    return %c0_i32, %c0_i32_0 : i32, i32
  }
  func.func @transform_6(%arg0: i32) -> (i32, i32) {
    %c0_i32 = arith.constant 0 : i32
    %c0_i32_0 = arith.constant 0 : i32
    %c0_i32_1 = arith.constant 0 : i32
    return %c0_i32, %c0_i32_0 : i32, i32
  }
  func.func @transform_7(%arg0: i32) -> (i32, i32) {
    %c0_i32 = arith.constant 0 : i32
    %c0_i32_0 = arith.constant 0 : i32
    return %arg0, %c0_i32 : i32, i32
  }
}

module attributes {stable_mosaic.version = 14 : i64} {
  func.func @body(%arg0: i32, %arg1: memref<2x2512x128xf32, #tpu.memory_space<vmem>>, %arg2: memref<2500x32xf32, #tpu.memory_space<vmem>>, %arg3: memref<2500x256xf32, #tpu.memory_space<vmem>>, %arg4: memref<256x64xf32, #tpu.memory_space<vmem>>, %arg5: memref<1x64xf32, #tpu.memory_space<vmem>>, %arg6: memref<2500x64xf32, #tpu.memory_space<vmem>>) attributes {dimension_semantics = [#tpu.dimension_semantics<arbitrary>], iteration_bounds = array<i64: 1>, scalar_prefetch = 0 : i64, scratch_operands = 0 : i64, tpu.core_type = #tpu.core_type<tc>, window_params = [{pipeline_mode = #tpu.pipeline_mode<synchronous>, transform_indices = @transform_0, window_bounds = array<i64: 2, 2512, 128>}, {pipeline_mode = #tpu.pipeline_mode<synchronous>, transform_indices = @transform_1, window_bounds = array<i64: 2500, 32>}, {pipeline_mode = #tpu.pipeline_mode<synchronous>, transform_indices = @transform_2, window_bounds = array<i64: 2500, 256>}, {pipeline_mode = #tpu.pipeline_mode<synchronous>, transform_indices = @transform_3, window_bounds = array<i64: 256, 64>}, {pipeline_mode = #tpu.pipeline_mode<synchronous>, transform_indices = @transform_4, window_bounds = array<i64: 1, 64>}, {pipeline_mode = #tpu.pipeline_mode<synchronous>, transform_indices = @transform_5, window_bounds = array<i64: 2500, 64>}]} {
    %get3A = arith.constant 0 : index
    %get3A_0 = arith.constant 0 : index
    %get3A_1 = arith.constant 0 : index
    %get3A_2 = vector.load %arg1[%get3A, %get3A_0, %get3A_1] : memref<2x2512x128xf32, #tpu.memory_space<vmem>>, vector<1x2512x128xf32>
    %get3A_3 = vector.shape_cast %get3A_2 : vector<1x2512x128xf32> to vector<2512x128xf32>
    %get3A_4 = arith.constant 1 : index
    %get3A_5 = arith.constant 0 : index
    %get3A_6 = arith.constant 0 : index
    %get3A_7 = vector.load %arg1[%get3A_4, %get3A_5, %get3A_6] : memref<2x2512x128xf32, #tpu.memory_space<vmem>>, vector<1x2512x128xf32>
    %get3A_8 = vector.shape_cast %get3A_7 : vector<1x2512x128xf32> to vector<2512x128xf32>
    %add3A = arith.addf %get3A_3, %get3A_8 : vector<2512x128xf32>
    %slice3A = vector.extract_strided_slice %add3A {offsets = [0, 0], sizes = [2500, 64], strides = [1, 1]} : vector<2512x128xf32> to vector<2500x64xf32>
    %get3A_9 = arith.constant 0 : index
    %get3A_10 = arith.constant 0 : index
    %get3A_11 = vector.load %arg2[%get3A_9, %get3A_10] : memref<2500x32xf32, #tpu.memory_space<vmem>>, vector<2500x32xf32>
    %reduce_sum3A = arith.constant dense<0.000000e+00> : vector<2500xf32>
    %reduce_sum3A_12 = vector.multi_reduction <add>, %get3A_11, %reduce_sum3A [1] : vector<2500x32xf32> to vector<2500xf32>
    %broadcast_in_dim3A = vector.shape_cast %reduce_sum3A_12 : vector<2500xf32> to vector<2500x1xf32>
    %max3A = arith.constant 1.000000e+00 : f32
    %max3A_13 = vector.broadcast %max3A : f32 to vector<2500x1xf32>
    %max3A_14 = arith.maximumf %broadcast_in_dim3A, %max3A_13 : vector<2500x1xf32>
    %get3A_15 = arith.constant 0 : index
    %get3A_16 = arith.constant 0 : index
    %get3A_17 = vector.load %arg3[%get3A_15, %get3A_16] : memref<2500x256xf32, #tpu.memory_space<vmem>>, vector<2500x256xf32>
    %get3A_18 = arith.constant 0 : index
    %get3A_19 = arith.constant 0 : index
    %get3A_20 = vector.load %arg4[%get3A_18, %get3A_19] : memref<256x64xf32, #tpu.memory_space<vmem>>, vector<256x64xf32>
    %dot_general3A = arith.constant dense<0.000000e+00> : vector<2500x64xf32>
    %dot_general3A_21 = tpu.matmul %get3A_17, %get3A_20, %dot_general3A {dimension_numbers = #tpu.dot_dimension_numbers<[1], [0], [0], [1], [0, 0, 1, 1], [], []>, transpose_lhs_hint = false} : vector<2500x256xf32>, vector<256x64xf32>, vector<2500x64xf32> -> vector<2500x64xf32>
    %div3A = vector.broadcast %max3A_14 : vector<2500x1xf32> to vector<2500x64xf32>
    %div3A_22 = arith.divf %slice3A, %div3A : vector<2500x64xf32>
    %add3A_23 = arith.addf %div3A_22, %dot_general3A_21 : vector<2500x64xf32>
    %get3A_24 = arith.constant 0 : index
    %get3A_25 = arith.constant 0 : index
    %get3A_26 = vector.load %arg5[%get3A_24, %get3A_25] : memref<1x64xf32, #tpu.memory_space<vmem>>, vector<1x64xf32>
    %add3A_27 = vector.broadcast %get3A_26 : vector<1x64xf32> to vector<2500x64xf32>
    %add3A_28 = arith.addf %add3A_23, %add3A_27 : vector<2500x64xf32>
    %swap3A = arith.constant 0 : index
    %swap3A_29 = arith.constant 0 : index
    %swap3A_30 = vector.load %arg6[%swap3A, %swap3A_29] : memref<2500x64xf32, #tpu.memory_space<vmem>>, vector<2500x64xf32>
    tpu.vector_store %arg6[%swap3A, %swap3A_29], %add3A_28 {strides = array<i32>} : memref<2500x64xf32, #tpu.memory_space<vmem>>, vector<2500x64xf32>,
    return
  }
  func.func @transform_0(%arg0: i32) -> (i32, i32, i32) {
    %c0_i32 = arith.constant 0 : i32
    %c0_i32_0 = arith.constant 0 : i32
    %c0_i32_1 = arith.constant 0 : i32
    %c0_i32_2 = arith.constant 0 : i32
    return %c0_i32, %c0_i32_0, %c0_i32_1 : i32, i32, i32
  }
  func.func @transform_1(%arg0: i32) -> (i32, i32) {
    %c0_i32 = arith.constant 0 : i32
    %c0_i32_0 = arith.constant 0 : i32
    %c0_i32_1 = arith.constant 0 : i32
    return %c0_i32, %c0_i32_0 : i32, i32
  }
  func.func @transform_2(%arg0: i32) -> (i32, i32) {
    %c0_i32 = arith.constant 0 : i32
    %c0_i32_0 = arith.constant 0 : i32
    %c0_i32_1 = arith.constant 0 : i32
    return %c0_i32, %c0_i32_0 : i32, i32
  }
  func.func @transform_3(%arg0: i32) -> (i32, i32) {
    %c0_i32 = arith.constant 0 : i32
    %c0_i32_0 = arith.constant 0 : i32
    %c0_i32_1 = arith.constant 0 : i32
    return %c0_i32, %c0_i32_0 : i32, i32
  }
  func.func @transform_4(%arg0: i32) -> (i32, i32) {
    %c0_i32 = arith.constant 0 : i32
    %c0_i32_0 = arith.constant 0 : i32
    %c0_i32_1 = arith.constant 0 : i32
    return %c0_i32, %c0_i32_0 : i32, i32
  }
  func.func @transform_5(%arg0: i32) -> (i32, i32) {
    %c0_i32 = arith.constant 0 : i32
    %c0_i32_0 = arith.constant 0 : i32
    %c0_i32_1 = arith.constant 0 : i32
    return %c0_i32, %c0_i32_0 : i32, i32
  }
}

</mosaic_0001>

<sc_bundles>
// kernel: kernel.11.cloned.1.call-start
scs
__scs_entry_jumppad:
0x0: {  	(pc) =	sbr.rel $0x88, $3  }
0x1: {  	(tag) =	ssettag $0x0;
	lr =	simm.s32 $0x1  }
0x2: {  	[smem:$0x3F94] =	sst lr;
	_ =	strace $0xD0000000  }
0x3: {  	_ = 	snop  }
0x4: {  	_ = 	snop  }
0x5: {  	_ = 	snop  }
0x6: {  	_ = 	snop  }
0x7: {  	_ = 	snop  }
__scs_overlays_trampoline_lowered:
0x8: {  	[smem:$0x3FA3] =	sst s0  }
0x9: {  	[smem:$0x3FA4] =	sst s1  }
0xa: {  	[smem:$0x3FA5] =	sst s2  }
0xb: {  	[smem:$0x3FA6] =	sst s3  }
0xc: {  	[smem:$0x3FA7] =	sst s4  }
0xd: {  	[smem:$0x3FA8] =	sst s5  }
0xe: {  	[smem:$0x3FA9] =	sst s6  }
0xf: {  	[smem:$0x3FAA] =	sst s7  }
0x10: {  	[smem:$0x3FAB] =	sst s8  }
0x11: {  	[smem:$0x3FAC] =	sst s9;
	s0 =	simm.s32 @!p0 $0x0  }
0x12: {  	s1 =	sld [smem:$0x3F92];
	s0 =	simm.s32 @p0 $0x1  }
0x13: {  	[smem:$0x3FAD] =	sst s0;
	s0 =	simm.s32 @!p1 $0x0  }
0x14: {  	s2 =	sld [smem:$0x3F91];
	s0 =	simm.s32 @p1 $0x1  }
0x15: {  	[smem:$0x3FAE] =	sst s0;
	s0 =	simm.s32 @!p2 $0x0  }
0x16: {  	s3 =	sld [smem:$0x3FDB];
	s0 =	simm.s32 @p2 $0x1  }
0x17: {  	s4 =	simm.s32 $0x1BF5;
	[smem:$0x3FB0] =	sst s0  }
0x18: {  	s0 =	sld [smem:$0x3F93];
	_ =	swait.ge [sflag:s4], $0x0  }
0x19: {  	s7 =	sld [smem:$0x3F94]  }
0x1a: {  	s8 =	sadd.s32 $0xFFFFE003, lr  }
0x1b: {  	s9 =	sadd.s32 $0xFFFFFEF7, lr;
	s5 =	simm.s32 $0xFFFFFFFF;
	p2 =	slt.u32 s8, $0xFFFFF086  }
0x1c: {  	p1 =	slt.u32 s9, $0xF7A;
	s5 =	simm.s32 @!p2 $0x0  }
0x1d: {  	s5 =	simm.s32 @p1 $0x1;
	p0 =	seq.s32 s7, s2  }
0x1e: {  	s7 =	smul.u32 @!p0 $0xF7A, s2;
	p2 =	seq.s32 @!p0 s5, $0x0  }
0x1f: {  	s9 =	smul.u32 $0xF7A, s1;
	s8 =	simm.s32 @!p0 $0x1BF5;
	p2 =	por !p2, p0  }
0x20: {  	[sflag:s8] =	ssyncset.s32 @!p0 $0xFFFFF086;
	s6 =	sadd.s32 @!p0 s3, s7;
	s7 =	simm.s32 @!p0 $0x108  }
0x21: {  	s3 =	sadd.s32 s3, s9;
	s6 =	sadd.s32 @!p0 $0x88, s6;
	s7 =	simm.s32 @p2 $0x1082  }
0x22: {  	[simem:s7], [sflag:s8] =	dma.local @!p0 [hbm:s6], $0xF7A  }
0x23: {  	s9 =	sor.u32 $0xD0000000, s2;
	s6 =	simm.s32 $0x108;
	_ =	swait.ge @!p0 [sflag:s8], $0x0  }
0x24: {  	s3 =	sadd.s32 $0x88, s3;
	s6 =	simm.s32 @!p1 $0x1082;
	[sflag:s4] =	ssyncset.s32 $0xFFFFF086  }
0x25: {  	[simem:s6], [sflag:s4] =	dma.local [hbm:s3], $0xF7A  }
0x26: {  	[smem:$0x3F94] =	sst s1;
	(tag) =	ssettag s2;
	_ =	strace s9  }
0x27: {  	s1 =	sld [smem:$0x3FA4]  }
0x28: {  	s2 =	sld [smem:$0x3FA5]  }
0x29: {  	s4 =	sld [smem:$0x3FA7]  }
0x2a: {  	p0 =	seq.s32 s5, $0x0;
	s5 =	sld [smem:$0x3FA8]  }
0x2b: {  	s6 =	sld [smem:$0x3FA9]  }
0x2c: {  	s7 =	sld [smem:$0x3FAA]  }
0x2d: {  	s3 =	simm.s32 $0x108;
	s8 =	sld [smem:$0x3FAB]  }
0x2e: {  	s3 =	simm.s32 @!p0 $0x1082;
	s9 =	sld [smem:$0x3FAC]  }
0x2f: {  	lr =	sadd.s32 s0, s3;
	s0 =	sld [smem:$0x3FA3]  }
0x30: {  	s3 =	sld [smem:$0x3FA6]  }
0x31: {  	[smem:$0x3FAF] =	sst s10  }
0x32: {  	s10 =	sld [smem:$0x3FAD];
	_ =	sdelay $0x3  }
0x33: {  	p0 =	seq.s32 s10, $0x1;
	s10 =	sld [smem:$0x3FAF];
	_ =	sdelay $0x3  }
0x34: {  	[smem:$0x3FAF] =	sst s10  }
0x35: {  	s10 =	sld [smem:$0x3FAE];
	_ =	sdelay $0x3  }
0x36: {  	p1 =	seq.s32 s10, $0x1;
	s10 =	sld [smem:$0x3FAF];
	_ =	sdelay $0x3  }
0x37: {  	[smem:$0x3FAF] =	sst s10  }
0x38: {  	s10 =	sld [smem:$0x3FB0]  }
0x39: {  	_ = 	snop;
	(pc) =	sbr.ind lr, $3  }
0x3a: {  	_ = 	snop  }
0x3b: {  	_ = 	snop  }
0x3c: {  	p2 =	seq.s32 s10, $0x1;
	s10 =	sld [smem:$0x3FAF]  }
0x3d: {  	_ =	shalt  }
0x3e: {  	_ =	shalt  }
0x3f: {  	_ =	shalt  }
0x40: {  	_ =	shalt  }
0x41: {  	_ =	shalt  }
0x42: {  	_ =	shalt  }
0x43: {  	_ =	shalt  }
0x44: {  	_ =	shalt  }
0x45: {  	_ =	shalt  }
0x46: {  	_ =	shalt  }
0x47: {  	_ =	shalt  }
0x48: {  	_ =	shalt  }
0x49: {  	_ =	shalt  }
0x4a: {  	_ =	shalt  }
0x4b: {  	_ =	shalt  }
0x4c: {  	_ =	shalt  }
0x4d: {  	_ =	shalt  }
0x4e: {  	_ =	shalt  }
0x4f: {  	_ =	shalt  }
0x50: {  	_ =	shalt  }
0x51: {  	_ =	shalt  }
0x52: {  	_ =	shalt  }
0x53: {  	_ =	shalt  }
0x54: {  	_ =	shalt  }
0x55: {  	_ =	shalt  }
0x56: {  	_ =	shalt  }
0x57: {  	_ =	shalt  }
0x58: {  	_ =	shalt  }
0x59: {  	_ =	shalt  }
0x5a: {  	_ =	shalt  }
0x5b: {  	_ =	shalt  }
0x5c: {  	_ =	shalt  }
0x5d: {  	_ =	shalt  }
0x5e: {  	_ =	shalt  }
0x5f: {  	_ =	shalt  }
0x60: {  	_ =	shalt  }
0x61: {  	_ =	shalt  }
0x62: {  	_ =	shalt  }
0x63: {  	_ =	shalt  }
0x64: {  	_ =	shalt  }
0x65: {  	_ =	shalt  }
0x66: {  	_ =	shalt  }
0x67: {  	_ =	shalt  }
0x68: {  	_ =	shalt  }
0x69: {  	_ =	shalt  }
0x6a: {  	_ =	shalt  }
0x6b: {  	_ =	shalt  }
0x6c: {  	_ =	shalt  }
0x6d: {  	_ =	shalt  }
0x6e: {  	_ =	shalt  }
0x6f: {  	_ =	shalt  }
0x70: {  	_ =	shalt  }
0x71: {  	_ =	shalt  }
0x72: {  	_ =	shalt  }
0x73: {  	_ =	shalt  }
0x74: {  	_ =	shalt  }
0x75: {  	_ =	shalt  }
0x76: {  	_ =	shalt  }
0x77: {  	_ =	shalt  }
0x78: {  	_ =	shalt  }
0x79: {  	_ =	shalt  }
0x7a: {  	_ =	shalt  }
0x7b: {  	_ =	shalt  }
0x7c: {  	_ =	shalt  }
0x7d: {  	_ =	shalt  }
0x7e: {  	_ =	shalt  }
0x7f: {  	_ =	shalt  }
0x80: {  	_ =	shalt  }
0x81: {  	_ =	shalt  }
0x82: {  	_ =	shalt  }
0x83: {  	_ =	shalt  }
0x84: {  	_ =	shalt  }
0x85: {  	_ =	shalt  }
0x86: {  	_ =	shalt  }
0x87: {  	_ =	shalt  }
.Lfunc_end0:
.L_simem_size_0:
called_computation.1_lowered:
.L_overlay_start_0:
0x88: {  	s2 =	sld [smem:$0x3FD9]  }
0x89: {  	s3 =	sld [smem:$0x3FFE];
	_ =	sdelay $0x1  }
0x8a: {  	s1 =	srdreg.scid  }
0x8b: {  	s0 =	sand.u32 $0x1, s1  }
0x8c: {  	s17 =	sshll.u32 s0, $0xA;
	s2 =	sadd.s32 s3, s2  }
0x8d: {  	s2 =	sadd.s32 s2, s17  }
0x8e: {  	[smem:$0x3FBB] =	sst s2  }
0x8f: {  	_ = 	snop  }
0x90: {  	s18 =	sld [smem:$0x3FD0];
	(tm) =	ssettm $0x1  }
0x91: {  	s19 =	sld [smem:$0x3FFB];
	_ =	sdelay $0x3  }
0x92: {  	_ =	strace s19  }
0x93: {  	s2 =	sld [smem:$0x3FFC];
	_ =	sdelay $0x3  }
0x94: {  	_ =	strace s2  }
0x95: {  	s2 =	sld [smem:$0x3FFD];
	_ =	sdelay $0x3  }
0x96: {  	_ =	strace s2  }
0x97: {  	_ =	strace $0x8FFFFFFF  }
0x98: {  	s20 =	sld [smem:$0x3FDB];
	_ =	sdelay $0x1  }
0x99: {  	s4 =	simm.s32 $_scs_section_size  }
0x9a: {  	s5 =	simm.s32 $_size__tile_overlayer_lowered;
	s6 =	simm.s32 $_tile_overlayer_lowered  }
0x9b: {  	s7 =	simm.s32 $0x1BFF;
	s21 =	sshll.u32 s6, $0x1;
	s4 =	sadd.s32 s4, s20  }
0x9c: {  	s22 =	simm.s32 $0x0;
	s5 =	sshll.u32 s5, $0x1;
	s6 =	sadd.s32 s21, s4  }
0x9d: {  	[timem:s22], [sflag:s7] =	dma.local [hbm:s6], s5  }
0x9e: {  	_ =	swait.ge [sflag:s7], s5  }
0x9f: {  	s5 =	ssub.s32 $0x0, s5;
	[sflag:s7] =	ssyncset.done $0x0  }
0xa0: {  	[sflag:s7] =	ssyncadd.s32 s5;
	_ =	sdelay $0x1  }
0xa1: {  	s23 =	simm.s32 $0x1B8B  }
0xa2: {  	_ =	swait.ge [sflag:s23], $0x1  }
0xa3: {  	[sflag:s23] =	ssyncset.done $0x0  }
0xa4: {  	[sflag:s23] =	ssyncadd.s32 $0xFFFFFFFF  }
0xa5: {  	s5 =	sld [smem:$0x0]  }
0xa6: {  	s6 =	sand.u32 $0xFFFFFFFE, s1  }
0xa7: {  	p0 =	sne.s32 s1, s6  }
0xa8: {  	s6 =	sshll.u32 @p0 s6, $0xE  }
0xa9: {  	s6 =	sadd.s32 @p0 $0x11B8D, s6;
	s7 =	sshll.u32 @p0 s5, $0x11  }
0xaa: {  	s6 =	sor.u32 @p0 s7, s6  }
0xab: {  	[sflag:s6] =	ssyncadd.remote.s32 @p0 $0x1;
	_ =	sdelay $0x1  }
0xac: {  	s6 =	simm.s32 @p0 $0x1B8D  }
0xad: {  	_ =	swait.eq @p0 [sflag:s6], $0x1  }
0xae: {  	[sflag:s6] =	ssyncadd.s32 @p0 $0xFFFFFFFF  }
0xaf: {  	s7 =	sshll.u32 @!p0 s1, $0xE  }
0xb0: {  	s7 =	sor.u32 @!p0 $0x4000, s7;
	s6 =	simm.s32 @!p0 $0x1B8D  }
0xb1: {  	s5 =	sshll.u32 @!p0 s5, $0x11;
	s7 =	sadd.s32 @!p0 $0x11B8D, s7;
	_ =	swait.eq @!p0 [sflag:s6], $0x1  }
0xb2: {  	s5 =	sor.u32 @!p0 s5, s7;
	[sflag:s6] =	ssyncadd.s32 @!p0 $0xFFFFFFFF  }
0xb3: {  	s25 =	simm.s32 $0x1B8E;
	s24 =	sld [smem:$0x3FFE];
	[sflag:s5] =	ssyncadd.remote.s32 @!p0 $0x1  }
0xb4: {  	s26 =	simm.s32 $execute0_lowered;
	[smem:$0x3FD2] =	sst s25  }
0xb5: {  	s6 =	sshll.u32 s26, $0x1;
	_ =	strace $0x80000049;
	[dreg:$0x1] =	wrdreg $0xFFFFFFFF  }
0xb6: {  	s28 =	simm.s32 $_size_execute0_lowered;
	s4 =	sadd.s32 s4, s6;
	[dreg:$0x0] =	wrdreg $0x0  }
0xb7: {  	s6 =	sshll.u32 s28, $0x1;
	[dreg:$0x2] =	wrdreg s4  }
0xb8: {  	[dreg:$0x3] =	wrdreg s6  }
0xb9: {  	[dreg:$0x4] =	wrdreg $0xC0  }
0xba: {  	_ =	task [dreg:s22], $0x5FFFF  }
0xbb: {  	[dreg:$0x1] =	wrdreg $0xFFFFFFFF  }
0xbc: {  	[dreg:$0x0] =	wrdreg $0x60  }
0xbd: {  	[dreg:$0x2] =	wrdreg s24  }
0xbe: {  	[dreg:$0x3] =	wrdreg s18  }
0xbf: {  	[dreg:$0x4] =	wrdreg $0x77800  }
0xc0: {  	[dreg:$0x5] =	wrdreg $0xA  }
0xc1: {  	_ =	task.clear_ibuf [dreg:s22], $0x6FFFF;
	_ =	strace $0x90000049  }
0xc2: {  	s29 =	simm.s32 $0xA;
	_ =	strace $0x8000004B  }
0xc3: {  	_ =	swait.ge [sflag:s29], $0x1  }
0xc4: {  	[sflag:s29] =	ssyncadd.s32 $0xFFFFFFFF  }
0xc5: {  	_ =	strace $0x9000004B  }
0xc6: {  	_ =	sfence  }
0xc7: {  	s30 =	sld [smem:$0x0];
	_ =	sdelay $0x2  }
0xc8: {  	s31 =	sshll.u32 s1, $0xD;
	s1 =	sshrl.u32 s1, $0x2  }
0xc9: {  	s4 =	sand.u32 $0x4000, s31;
	s1 =	sadd.s32 s1, s30  }
0xca: {  	s0 =	sor.u32 s4, s0;
	s1 =	sshll.u32 s1, $0x11  }
0xcb: {  	s0 =	sor.u32 s1, s0  }
0xcc: {  	s0 =	sadd.s32 $0x8F2B, s0  }
0xcd: {  	[sflag:s0] =	ssyncadd.remote.s32 $0x1  }
0xce: {  	_ =	sfence.sel $0xFFFF  }
0xcf: {  	[dreg:$0x0] =	wrdreg $0xFFFFFFFF;
	(pc) =	sbr.abs _section_cstart, $3  }
0xd0: {  	[dreg:$0x1] =	wrdreg $0xFFFFFFFF  }
0xd1: {  	_ =	task.clear_ibuf [dreg:s22], $0x2FFFF;
	_ =	strace $0x9FFFFFFF  }
0xd2: {  	(tm) =	ssettm $0x7FFFFFFF  }
0xd3: {  	_ =	shalt  }
tec
execute0_lowered:
.L_overlay_start_1:
0x0: {  	(tag) =	ssettag $0x1  }
0x1: {  	s0 =	rddreg [dreg:$0x0]  }
0x2: {  	s3 =	rddreg [dreg:$0x2]  }
0x3: {  	s12 =	stileid.u32;
	s1 =	srdreg.scid;
	s4 =	simm.s32 $0x0  }
0x4: {  	s9 =	simm.s32 $0x2DC8;
	s13 =	simm.s32 $0x70;
	s14 =	simm.s32 $0x780  }
0x5: {  	s15 =	simm.s32 $0x3F80;
	s16 =	simm.s32 $0x1;
	s28 =	simm.s32 $0x230  }
0x6: {  	s29 =	simm.s32 $0x580;
	s30 =	simm.s32 $0x2A0;
	s2 =	smul.u32 $0xC40, s12  }
0x7: {  	s31 =	simm.s32 $0x600;
	s1 =	sand.u32 $0x1, s1;
	s7 =	smul.u32 $0x7000, s12  }
0x8: {  	[smem:$0x7FF] =	sst s4;
	s5 =	sadd.s32 $0x3AA00, s0;
	s8 =	smul.u32 $0x310, s12  }
0x9: {  	p0 =	seq.s32 s12, $0xF;
	s19 =	sshll.u32 s12, $0x6;
	s6 =	smul.u32 $0x70000, s1  }
0xa: {  	_ =	strace $0x8000004A;
	p1 =	seq.s32 s1, $0x0;
	s10 =	smul.u32 $0x30D8, s1  }
0xb: {  	s1 =	ssub.s32 $0x2, s1;
	s9 =	simm.s32 @!p1 $0x2DC0;
	s2 =	sadd.s32 s2, s0  }
0xc: {  	s18 =	sshrl.u32 s1, $0x1;
	s6 =	sadd.s32 s7, s6;
	s8 =	smov.u32 @p0 s9  }
0xd: {  	s1 =	ssub.s32 s1, s18;
	s9 =	sor.u32 $0x1C05, s19;
	s23 =	sadd.s32 $0x2E600, s2  }
0xe: {  	s18 =	simm.s32 $0xE0;
	s19 =	simm.s32 $0x2;
	s2 =	simm.s32 $0x700  }
0xf: {  	s6 =	sshrl.u32 s6, $0x3;
	s17 =	sadd.s32 s10, s8;
	s10 =	smul.u32 $0x18800, s12  }
0x10: {  	s20 =	sshll.u32 s8, $0x7;
	s22 =	smax.u32 s1, $0x1;
	[dreg:$0x4] =	wrdreg s23  }
0x11: {  	s12 =	simm.s32 $0x380;
	s23 =	simm.s32 $0x480;
	s1 =	simm.s32 $0x680  }
0x12: {  	s7 =	sshll.u32 s17, $0x4;
	s11 =	sadd.s32 s6, s0;
	[dreg:$0x6] =	wrdreg s22  }
0x13: {  	s17 =	simm.s32 $0x3;
	s22 =	simm.s32 $0x150;
	s0 =	sadd.s32 s7, s0  }
0x14: {  	s10 =	simm.s32 @p0 $0x16E800;
	s7 =	sadd.s32 s20, s3;
	s24 =	sadd.s32 $0x1200, s11  }
0x15: {  	s11 =	simm.s32 $0x5;
	s20 =	simm.s32 $0x400;
	s21 =	sadd.s32 s10, s3  }
0x16: {  	s0 =	sadd.s32 $0x1C1400, s0;
	[dreg:$0x7] =	wrdreg s24;
	s24 =	simm.s32 $0x1C0  }
0x17: {  	s26 =	sshrl.u32 s7, $0x3;
	s7 =	simm.s32 $0x0;
	[dreg:$0x5] =	wrdreg s0  }
0x18: {  	s25 =	sshrl.u32 s21, $0x3;
	s21 =	simm.s32 $0x4;
	[dreg:$0x9] =	wrdreg s26  }
0x19: {  	s26 =	simm.s32 $0x500;
	s0 =	simm.s32 $0x310;
	[dreg:$0x8] =	wrdreg s25  }
.LBB2_1:
0x1a: {  	s6 =	rddreg [dreg:$0x1]  }
0x1b: {  	s8 =	rddreg [dreg:$0x8]  }
0x1c: {  	[spmem:s8], [sflag:s9] =	dma.local [hbm:s6], $0x3100  }
0x1d: {  	_ =	swait.ge [sflag:s11], $0x3100  }
0x1e: {  	[sflag:s11] =	ssyncset.done $0x0  }
0x1f: {  	[sflag:s11] =	ssyncadd.s32 $0xFFFFCF00  }
0x20: {  	[bflag:$0x0] =	sbarrier.arrive $0xFFFF  }
0x21: {  	s25 =	rddreg [dreg:$0x4]  }
0x22: {  	s8 =	sadd.s32 $0x0, s25  }
0x23: {  	[tilespmem:s4], [sflag:$0x5] =	stream.linear.gather [hbm4b:s8+s4], $0x380, $0x38;
	[tilespmem:$0x1FE80] =	vst v63  }
0x24: {  	_ =	swait.ge [sflag:s11], $0x380  }
0x25: {  	[sflag:s11] =	ssyncset.done $0x0  }
0x26: {  	s10 =	smov.u32 s9;
	s9 =	rddreg [dreg:$0x7];
	[sflag:s11] =	ssyncadd.s32 $0xFFFFFC80  }
0x27: {  	[tilespmem:s12], [sflag:$0x5] =	stream.linear.gather [hbm4b:s9+s4], $0x400, $0x38;
	[tilespmem:$0x1FE80] =	vst v63  }
0x28: {  	_ =	swait.ge [sflag:s11], $0x400  }
0x29: {  	[sflag:s11] =	ssyncset.done $0x0  }
0x2a: {  	[sflag:s11] =	ssyncadd.s32 $0xFFFFFC00  }
0x2b: {  	[tilespmem:s14], [sflag:$0x1] =	stream.indirect.gather [hbm4b:s5+s13], $0x80, s4, s13, $0xb8;
	[tilespmem:$0x1FE80] =	vst v63  }
0x2c: {  	_ = 	snop  }
0x2d: {  	[tilespmem:s15], [sflag:$0x2] =	stream.indirect.gather [hbm4b:s5+s13], $0x80, s13, s13, $0xb8;
	[tilespmem:$0x1FE80] =	vst v63  }
0x2e: {  	_ =	swait.ge [sflag:s16], $0x3800  }
0x2f: {  	[sflag:s16] =	ssyncset.done $0x0  }
0x30: {  	[sflag:s16] =	ssyncadd.s32 $0xFFFFC800  }
0x31: {  	[spmem:s3] =	stream.indirect.scatter.add.f32 [tilespmem:s14], [sflag:$0x3], $0x80, s12, s13, $0xb8;
	[tilespmem:$0x1FE80] =	vst v63  }
0x32: {  	_ =	swait.ge [sflag:s17], $0x3800  }
0x33: {  	[sflag:s17] =	ssyncset.done $0x0  }
0x34: {  	[sflag:s17] =	ssyncadd.s32 $0xFFFFC800  }
0x35: {  	[tilespmem:s14], [sflag:$0x1] =	stream.indirect.gather [hbm4b:s5+s13], $0x80, s18, s13, $0xb8;
	[tilespmem:$0x1FE80] =	vst v63  }
0x36: {  	_ =	swait.ge [sflag:s19], $0x3800  }
0x37: {  	[sflag:s19] =	ssyncset.done $0x0  }
0x38: {  	[sflag:s19] =	ssyncadd.s32 $0xFFFFC800  }
0x39: {  	[spmem:s3] =	stream.indirect.scatter.add.f32 [tilespmem:s15], [sflag:$0x4], $0x80, s20, s13, $0xb8;
	[tilespmem:$0x1FE80] =	vst v63  }
0x3a: {  	_ =	swait.ge [sflag:s21], $0x3800  }
0x3b: {  	[sflag:s21] =	ssyncset.done $0x0  }
0x3c: {  	[sflag:s21] =	ssyncadd.s32 $0xFFFFC800  }
0x3d: {  	[tilespmem:s15], [sflag:$0x2] =	stream.indirect.gather [hbm4b:s5+s13], $0x80, s22, s13, $0xb8;
	[tilespmem:$0x1FE80] =	vst v63  }
0x3e: {  	_ =	swait.ge [sflag:s16], $0x3800  }
0x3f: {  	[sflag:s16] =	ssyncset.done $0x0  }
0x40: {  	[sflag:s16] =	ssyncadd.s32 $0xFFFFC800  }
0x41: {  	[spmem:s3] =	stream.indirect.scatter.add.f32 [tilespmem:s14], [sflag:$0x3], $0x80, s23, s13, $0xb8;
	[tilespmem:$0x1FE80] =	vst v63  }
0x42: {  	_ =	swait.ge [sflag:s17], $0x3800  }
0x43: {  	[sflag:s17] =	ssyncset.done $0x0  }
0x44: {  	[sflag:s17] =	ssyncadd.s32 $0xFFFFC800  }
0x45: {  	[tilespmem:s14], [sflag:$0x1] =	stream.indirect.gather [hbm4b:s5+s13], $0x80, s24, s13, $0xb8;
	[tilespmem:$0x1FE80] =	vst v63  }
0x46: {  	_ =	swait.ge [sflag:s19], $0x3800  }
0x47: {  	[sflag:s19] =	ssyncset.done $0x0  }
0x48: {  	[sflag:s19] =	ssyncadd.s32 $0xFFFFC800  }
0x49: {  	[spmem:s3] =	stream.indirect.scatter.add.f32 [tilespmem:s15], [sflag:$0x4], $0x80, s26, s13, $0xb8;
	[tilespmem:$0x1FE80] =	vst v63  }
0x4a: {  	_ =	swait.ge [sflag:s21], $0x3800  }
0x4b: {  	[sflag:s21] =	ssyncset.done $0x0  }
0x4c: {  	[sflag:s21] =	ssyncadd.s32 $0xFFFFC800  }
0x4d: {  	[tilespmem:s15], [sflag:$0x2] =	stream.indirect.gather [hbm4b:s5+s13], $0x80, s28, s13, $0xb8;
	[tilespmem:$0x1FE80] =	vst v63  }
0x4e: {  	_ =	swait.ge [sflag:s16], $0x3800  }
0x4f: {  	[sflag:s16] =	ssyncset.done $0x0  }
0x50: {  	[sflag:s16] =	ssyncadd.s32 $0xFFFFC800  }
0x51: {  	[spmem:s3] =	stream.indirect.scatter.add.f32 [tilespmem:s14], [sflag:$0x3], $0x80, s29, s13, $0xb8;
	[tilespmem:$0x1FE80] =	vst v63  }
0x52: {  	_ =	swait.ge [sflag:s17], $0x3800  }
0x53: {  	[sflag:s17] =	ssyncset.done $0x0  }
0x54: {  	[sflag:s17] =	ssyncadd.s32 $0xFFFFC800  }
0x55: {  	[tilespmem:s14], [sflag:$0x1] =	stream.indirect.gather [hbm4b:s5+s13], $0x80, s30, s13, $0xb8;
	[tilespmem:$0x1FE80] =	vst v63  }
0x56: {  	_ =	swait.ge [sflag:s19], $0x3800  }
0x57: {  	[sflag:s19] =	ssyncset.done $0x0  }
0x58: {  	[sflag:s19] =	ssyncadd.s32 $0xFFFFC800  }
0x59: {  	[spmem:s3] =	stream.indirect.scatter.add.f32 [tilespmem:s15], [sflag:$0x4], $0x80, s31, s13, $0xb8;
	[tilespmem:$0x1FE80] =	vst v63  }
0x5a: {  	_ =	swait.ge [sflag:s21], $0x3800  }
0x5b: {  	[sflag:s21] =	ssyncset.done $0x0  }
0x5c: {  	[sflag:s21] =	ssyncadd.s32 $0xFFFFC800  }
0x5d: {  	[tilespmem:s15], [sflag:$0x2] =	stream.indirect.gather [hbm4b:s5+s13], $0x80, s0, s13, $0xb8;
	[tilespmem:$0x1FE80] =	vst v63  }
0x5e: {  	_ =	swait.ge [sflag:s16], $0x3800  }
0x5f: {  	[sflag:s16] =	ssyncset.done $0x0  }
0x60: {  	[sflag:s16] =	ssyncadd.s32 $0xFFFFC800  }
0x61: {  	[spmem:s3] =	stream.indirect.scatter.add.f32 [tilespmem:s14], [sflag:$0x3], $0x80, s1, s13, $0xb8;
	[tilespmem:$0x1FE80] =	vst v63  }
0x62: {  	_ =	swait.ge [sflag:s17], $0x3800  }
0x63: {  	[sflag:s17] =	ssyncset.done $0x0  }
0x64: {  	[sflag:s17] =	ssyncadd.s32 $0xFFFFC800  }
0x65: {  	_ =	swait.ge [sflag:s19], $0x3800  }
0x66: {  	[sflag:s19] =	ssyncset.done $0x0  }
0x67: {  	[sflag:s19] =	ssyncadd.s32 $0xFFFFC800  }
0x68: {  	[spmem:s3] =	stream.indirect.scatter.add.f32 [tilespmem:s15], [sflag:$0x4], $0x80, s2, s13, $0xb8;
	[tilespmem:$0x1FE80] =	vst v63  }
0x69: {  	s8 =	simm.s32 $0x70;
	_ =	swait.ge [sflag:s21], $0x3800  }
.LBB2_2:
0x6a: {  	s25 =	rddreg [dreg:$0x4];
	s6 =	smov.u32 s8;
	[sflag:s21] =	ssyncset.done $0x0  }
0x6b: {  	s6 =	sadd.s32 s6, s25;
	[sflag:s21] =	ssyncadd.s32 $0xFFFFC800  }
0x6c: {  	[tilespmem:s4], [sflag:$0x5] =	stream.linear.gather [hbm4b:s6+s4], $0x380, $0x38;
	[tilespmem:$0x1FE80] =	vst v63  }
0x6d: {  	_ =	swait.ge [sflag:s11], $0x380  }
0x6e: {  	[sflag:s11] =	ssyncset.done $0x0  }
0x6f: {  	s9 =	sadd.s32 $0x80, s9;
	[sflag:s11] =	ssyncadd.s32 $0xFFFFFC80  }
0x70: {  	[tilespmem:s12], [sflag:$0x5] =	stream.linear.gather [hbm4b:s9+s4], $0x400, $0x38;
	[tilespmem:$0x1FE80] =	vst v63  }
0x71: {  	_ =	swait.ge [sflag:s11], $0x400  }
0x72: {  	[sflag:s11] =	ssyncset.done $0x0  }
0x73: {  	[sflag:s11] =	ssyncadd.s32 $0xFFFFFC00  }
0x74: {  	[tilespmem:s14], [sflag:$0x1] =	stream.indirect.gather [hbm4b:s5+s13], $0x80, s4, s13, $0xb8;
	[tilespmem:$0x1FE80] =	vst v63  }
0x75: {  	_ = 	snop  }
0x76: {  	[tilespmem:s15], [sflag:$0x2] =	stream.indirect.gather [hbm4b:s5+s13], $0x80, s13, s13, $0xb8;
	[tilespmem:$0x1FE80] =	vst v63  }
0x77: {  	_ =	swait.ge [sflag:s16], $0x3800  }
0x78: {  	[sflag:s16] =	ssyncset.done $0x0  }
0x79: {  	[sflag:s16] =	ssyncadd.s32 $0xFFFFC800  }
0x7a: {  	[spmem:s3] =	stream.indirect.scatter.add.f32 [tilespmem:s14], [sflag:$0x3], $0x80, s12, s13, $0xb8;
	[tilespmem:$0x1FE80] =	vst v63  }
0x7b: {  	_ =	swait.ge [sflag:s17], $0x3800  }
0x7c: {  	[sflag:s17] =	ssyncset.done $0x0  }
0x7d: {  	[sflag:s17] =	ssyncadd.s32 $0xFFFFC800  }
0x7e: {  	[tilespmem:s14], [sflag:$0x1] =	stream.indirect.gather [hbm4b:s5+s13], $0x80, s18, s13, $0xb8;
	[tilespmem:$0x1FE80] =	vst v63  }
0x7f: {  	_ =	swait.ge [sflag:s19], $0x3800  }
0x80: {  	[sflag:s19] =	ssyncset.done $0x0  }
0x81: {  	[sflag:s19] =	ssyncadd.s32 $0xFFFFC800  }
0x82: {  	[spmem:s3] =	stream.indirect.scatter.add.f32 [tilespmem:s15], [sflag:$0x4], $0x80, s20, s13, $0xb8;
	[tilespmem:$0x1FE80] =	vst v63  }
0x83: {  	_ =	swait.ge [sflag:s21], $0x3800  }
0x84: {  	[sflag:s21] =	ssyncset.done $0x0  }
0x85: {  	[sflag:s21] =	ssyncadd.s32 $0xFFFFC800  }
0x86: {  	[tilespmem:s15], [sflag:$0x2] =	stream.indirect.gather [hbm4b:s5+s13], $0x80, s22, s13, $0xb8;
	[tilespmem:$0x1FE80] =	vst v63  }
0x87: {  	_ =	swait.ge [sflag:s16], $0x3800  }
0x88: {  	[sflag:s16] =	ssyncset.done $0x0  }
0x89: {  	[sflag:s16] =	ssyncadd.s32 $0xFFFFC800  }
0x8a: {  	[spmem:s3] =	stream.indirect.scatter.add.f32 [tilespmem:s14], [sflag:$0x3], $0x80, s23, s13, $0xb8;
	[tilespmem:$0x1FE80] =	vst v63  }
0x8b: {  	_ =	swait.ge [sflag:s17], $0x3800  }
0x8c: {  	[sflag:s17] =	ssyncset.done $0x0  }
0x8d: {  	[sflag:s17] =	ssyncadd.s32 $0xFFFFC800  }
0x8e: {  	[tilespmem:s14], [sflag:$0x1] =	stream.indirect.gather [hbm4b:s5+s13], $0x80, s24, s13, $0xb8;
	[tilespmem:$0x1FE80] =	vst v63  }
0x8f: {  	_ =	swait.ge [sflag:s19], $0x3800  }
0x90: {  	[sflag:s19] =	ssyncset.done $0x0  }
0x91: {  	[sflag:s19] =	ssyncadd.s32 $0xFFFFC800  }
0x92: {  	[spmem:s3] =	stream.indirect.scatter.add.f32 [tilespmem:s15], [sflag:$0x4], $0x80, s26, s13, $0xb8;
	[tilespmem:$0x1FE80] =	vst v63  }
0x93: {  	_ =	swait.ge [sflag:s21], $0x3800  }
0x94: {  	[sflag:s21] =	ssyncset.done $0x0  }
0x95: {  	[sflag:s21] =	ssyncadd.s32 $0xFFFFC800  }
0x96: {  	[tilespmem:s15], [sflag:$0x2] =	stream.indirect.gather [hbm4b:s5+s13], $0x80, s28, s13, $0xb8;
	[tilespmem:$0x1FE80] =	vst v63  }
0x97: {  	_ =	swait.ge [sflag:s16], $0x3800  }
0x98: {  	[sflag:s16] =	ssyncset.done $0x0  }
0x99: {  	[sflag:s16] =	ssyncadd.s32 $0xFFFFC800  }
0x9a: {  	[spmem:s3] =	stream.indirect.scatter.add.f32 [tilespmem:s14], [sflag:$0x3], $0x80, s29, s13, $0xb8;
	[tilespmem:$0x1FE80] =	vst v63  }
0x9b: {  	_ =	swait.ge [sflag:s17], $0x3800  }
0x9c: {  	[sflag:s17] =	ssyncset.done $0x0  }
0x9d: {  	[sflag:s17] =	ssyncadd.s32 $0xFFFFC800  }
0x9e: {  	[tilespmem:s14], [sflag:$0x1] =	stream.indirect.gather [hbm4b:s5+s13], $0x80, s30, s13, $0xb8;
	[tilespmem:$0x1FE80] =	vst v63  }
0x9f: {  	_ =	swait.ge [sflag:s19], $0x3800  }
0xa0: {  	[sflag:s19] =	ssyncset.done $0x0  }
0xa1: {  	[sflag:s19] =	ssyncadd.s32 $0xFFFFC800  }
0xa2: {  	[spmem:s3] =	stream.indirect.scatter.add.f32 [tilespmem:s15], [sflag:$0x4], $0x80, s31, s13, $0xb8;
	[tilespmem:$0x1FE80] =	vst v63  }
0xa3: {  	_ =	swait.ge [sflag:s21], $0x3800  }
0xa4: {  	[sflag:s21] =	ssyncset.done $0x0  }
0xa5: {  	[sflag:s21] =	ssyncadd.s32 $0xFFFFC800  }
0xa6: {  	[tilespmem:s15], [sflag:$0x2] =	stream.indirect.gather [hbm4b:s5+s13], $0x80, s0, s13, $0xb8;
	[tilespmem:$0x1FE80] =	vst v63  }
0xa7: {  	_ =	swait.ge [sflag:s16], $0x3800  }
0xa8: {  	[sflag:s16] =	ssyncset.done $0x0  }
0xa9: {  	[sflag:s16] =	ssyncadd.s32 $0xFFFFC800  }
0xaa: {  	[spmem:s3] =	stream.indirect.scatter.add.f32 [tilespmem:s14], [sflag:$0x3], $0x80, s1, s13, $0xb8;
	[tilespmem:$0x1FE80] =	vst v63  }
0xab: {  	_ =	swait.ge [sflag:s17], $0x3800  }
0xac: {  	[sflag:s17] =	ssyncset.done $0x0  }
0xad: {  	p0 =	sne.s32 s8, $0xBD0;
	[sflag:s17] =	ssyncadd.s32 $0xFFFFC800  }
.Ltmp0:
0xae: {  	_ =	swait.ge [sflag:s19], $0x3800;
	(pc) =	sbr.rel @p0 .LBB2_2-.Ltmp0, $4  }
0xaf: {  	[sflag:s19] =	ssyncset.done $0x0  }
0xb0: {  	[sflag:s19] =	ssyncadd.s32 $0xFFFFC800  }
0xb1: {  	[spmem:s3] =	stream.indirect.scatter.add.f32 [tilespmem:s15], [sflag:$0x4], $0x80, s2, s13, $0xb8;
	[tilespmem:$0x1FE80] =	vst v63  }
0xb2: {  	s8 =	sadd.s32 $0x70, s8;
	_ =	swait.ge [sflag:s21], $0x3800  }
0xb3: {  	[sflag:s21] =	ssyncset.done $0x0  }
0xb4: {  	[sflag:s21] =	ssyncadd.s32 $0xFFFFC800  }
0xb5: {  	[bflag:$0x0] =	sbarrier.arrive $0xFFFF  }
0xb6: {  	s6 =	rddreg [dreg:$0x5]  }
0xb7: {  	s8 =	rddreg [dreg:$0x9]  }
0xb8: {  	[hbm:s6], [sflag:s10] =	dma.local [spmem:s8], $0x3100  }
0xb9: {  	_ =	swait.ge [sflag:s11], $0x3100  }
0xba: {  	s7 =	sadd.s32 $0x1, s7;
	s25 =	rddreg [dreg:$0x6]  }
0xbb: {  	p0 =	sne.s32 s7, s25  }
.Ltmp1:
0xbc: {  	_ = 	snop;
	(pc) =	sbr.rel @p0 .LBB2_1-.Ltmp1, $3  }
0xbd: {  	_ =	sdelay $0x1  }
0xbe: {  	[sflag:s11] =	ssyncset.done $0x0  }
0xbf: {  	s9 =	smov.u32 s10;
	[sflag:s11] =	ssyncadd.s32 $0xFFFFCF00  }
0xc0: {  	_ =	sfence.sel $0x180000  }
0xc1: {  	[bflag:$0x0] =	sbarrier.arrive $0xFFFF  }
0xc2: {  	_ =	strace $0x9000004A  }
0xc3: {  	s0 =	stileid.u32;
	[bflag:$0x2] =	sbarrier.arrive $0xFFFF  }
0xc4: {  	p0 =	sne.s32 s0, $0x0;
	s0 =	rddreg [dreg:$0x3]  }
0xc5: {  	s0 =	sadd.s32 @!p0 $0x100000, s0  }
0xc6: {  	[sflag:s0] =	ssyncadd.tile.s32 @!p0 $0x1;
	_ =	shalt  }
.Lfunc_end2:
_tile_overlayer_lowered:
.L_overlay_start_2:
0xc7: {  	(tag) =	ssettag $0x2  }
0xc8: {  	s0 =	rddreg [dreg:$0x0];
	s2 =	stileid.u32  }
0xc9: {  	s1 =	rddreg [dreg:$0x1];
	p0 =	sne.s32 s2, $0x0  }
0xca: {  	s3 =	rddreg [dreg:$0x2];
	[bflag:$0x3] =	sbarrier.arrive $0xFFFF;
	s2 =	simm.s32 @!p0 $0x1C05  }
0xcb: {  	[timem:s3], [sflag:s2] =	dma.local @!p0 [hbm:s0], s1  }
0xcc: {  	s0 =	simm.s32 @!p0 $0x5  }
0xcd: {  	_ =	swait.ge @!p0 [sflag:s0], s1  }
0xce: {  	s1 =	ssub.s32 @!p0 $0x0, s1;
	[sflag:s0] =	ssyncset.done @!p0 $0x0  }
0xcf: {  	[sflag:s0] =	ssyncadd.s32 @!p0 s1  }
0xd0: {  	[bflag:$0x3] =	sbarrier.arrive $0xFFFF  }
0xd1: {  	_ =	shalt  }

// kernel: kernel.14.cloned.1.call-start
scs
__scs_entry_jumppad:
0x0: {  	(pc) =	sbr.rel $0x88, $3  }
0x1: {  	(tag) =	ssettag $0x0;
	lr =	simm.s32 $0x1  }
0x2: {  	[smem:$0x3F94] =	sst lr;
	_ =	strace $0xD0000000  }
0x3: {  	_ = 	snop  }
0x4: {  	_ = 	snop  }
0x5: {  	_ = 	snop  }
0x6: {  	_ = 	snop  }
0x7: {  	_ = 	snop  }
__scs_overlays_trampoline_lowered:
0x8: {  	[smem:$0x3FA3] =	sst s0  }
0x9: {  	[smem:$0x3FA4] =	sst s1  }
0xa: {  	[smem:$0x3FA5] =	sst s2  }
0xb: {  	[smem:$0x3FA6] =	sst s3  }
0xc: {  	[smem:$0x3FA7] =	sst s4  }
0xd: {  	[smem:$0x3FA8] =	sst s5  }
0xe: {  	[smem:$0x3FA9] =	sst s6  }
0xf: {  	[smem:$0x3FAA] =	sst s7  }
0x10: {  	[smem:$0x3FAB] =	sst s8  }
0x11: {  	[smem:$0x3FAC] =	sst s9;
	s0 =	simm.s32 @!p0 $0x0  }
0x12: {  	s1 =	sld [smem:$0x3F92];
	s0 =	simm.s32 @p0 $0x1  }
0x13: {  	[smem:$0x3FAD] =	sst s0;
	s0 =	simm.s32 @!p1 $0x0  }
0x14: {  	s2 =	sld [smem:$0x3F91];
	s0 =	simm.s32 @p1 $0x1  }
0x15: {  	[smem:$0x3FAE] =	sst s0;
	s0 =	simm.s32 @!p2 $0x0  }
0x16: {  	s3 =	sld [smem:$0x3FDB];
	s0 =	simm.s32 @p2 $0x1  }
0x17: {  	s4 =	simm.s32 $0x1BF5;
	[smem:$0x3FB0] =	sst s0  }
0x18: {  	s0 =	sld [smem:$0x3F93];
	_ =	swait.ge [sflag:s4], $0x0  }
0x19: {  	s7 =	sld [smem:$0x3F94]  }
0x1a: {  	s8 =	sadd.s32 $0xFFFFE003, lr  }
0x1b: {  	s9 =	sadd.s32 $0xFFFFFEF7, lr;
	s5 =	simm.s32 $0xFFFFFFFF;
	p2 =	slt.u32 s8, $0xFFFFF086  }
0x1c: {  	p1 =	slt.u32 s9, $0xF7A;
	s5 =	simm.s32 @!p2 $0x0  }
0x1d: {  	s5 =	simm.s32 @p1 $0x1;
	p0 =	seq.s32 s7, s2  }
0x1e: {  	s7 =	smul.u32 @!p0 $0xF7A, s2;
	p2 =	seq.s32 @!p0 s5, $0x0  }
0x1f: {  	s9 =	smul.u32 $0xF7A, s1;
	s8 =	simm.s32 @!p0 $0x1BF5;
	p2 =	por !p2, p0  }
0x20: {  	[sflag:s8] =	ssyncset.s32 @!p0 $0xFFFFF086;
	s6 =	sadd.s32 @!p0 s3, s7;
	s7 =	simm.s32 @!p0 $0x108  }
0x21: {  	s3 =	sadd.s32 s3, s9;
	s6 =	sadd.s32 @!p0 $0x88, s6;
	s7 =	simm.s32 @p2 $0x1082  }
0x22: {  	[simem:s7], [sflag:s8] =	dma.local @!p0 [hbm:s6], $0xF7A  }
0x23: {  	s9 =	sor.u32 $0xD0000000, s2;
	s6 =	simm.s32 $0x108;
	_ =	swait.ge @!p0 [sflag:s8], $0x0  }
0x24: {  	s3 =	sadd.s32 $0x88, s3;
	s6 =	simm.s32 @!p1 $0x1082;
	[sflag:s4] =	ssyncset.s32 $0xFFFFF086  }
0x25: {  	[simem:s6], [sflag:s4] =	dma.local [hbm:s3], $0xF7A  }
0x26: {  	[smem:$0x3F94] =	sst s1;
	(tag) =	ssettag s2;
	_ =	strace s9  }
0x27: {  	s1 =	sld [smem:$0x3FA4]  }
0x28: {  	s2 =	sld [smem:$0x3FA5]  }
0x29: {  	s4 =	sld [smem:$0x3FA7]  }
0x2a: {  	p0 =	seq.s32 s5, $0x0;
	s5 =	sld [smem:$0x3FA8]  }
0x2b: {  	s6 =	sld [smem:$0x3FA9]  }
0x2c: {  	s7 =	sld [smem:$0x3FAA]  }
0x2d: {  	s3 =	simm.s32 $0x108;
	s8 =	sld [smem:$0x3FAB]  }
0x2e: {  	s3 =	simm.s32 @!p0 $0x1082;
	s9 =	sld [smem:$0x3FAC]  }
0x2f: {  	lr =	sadd.s32 s0, s3;
	s0 =	sld [smem:$0x3FA3]  }
0x30: {  	s3 =	sld [smem:$0x3FA6]  }
0x31: {  	[smem:$0x3FAF] =	sst s10  }
0x32: {  	s10 =	sld [smem:$0x3FAD];
	_ =	sdelay $0x3  }
0x33: {  	p0 =	seq.s32 s10, $0x1;
	s10 =	sld [smem:$0x3FAF];
	_ =	sdelay $0x3  }
0x34: {  	[smem:$0x3FAF] =	sst s10  }
0x35: {  	s10 =	sld [smem:$0x3FAE];
	_ =	sdelay $0x3  }
0x36: {  	p1 =	seq.s32 s10, $0x1;
	s10 =	sld [smem:$0x3FAF];
	_ =	sdelay $0x3  }
0x37: {  	[smem:$0x3FAF] =	sst s10  }
0x38: {  	s10 =	sld [smem:$0x3FB0]  }
0x39: {  	_ = 	snop;
	(pc) =	sbr.ind lr, $3  }
0x3a: {  	_ = 	snop  }
0x3b: {  	_ = 	snop  }
0x3c: {  	p2 =	seq.s32 s10, $0x1;
	s10 =	sld [smem:$0x3FAF]  }
0x3d: {  	_ =	shalt  }
0x3e: {  	_ =	shalt  }
0x3f: {  	_ =	shalt  }
0x40: {  	_ =	shalt  }
0x41: {  	_ =	shalt  }
0x42: {  	_ =	shalt  }
0x43: {  	_ =	shalt  }
0x44: {  	_ =	shalt  }
0x45: {  	_ =	shalt  }
0x46: {  	_ =	shalt  }
0x47: {  	_ =	shalt  }
0x48: {  	_ =	shalt  }
0x49: {  	_ =	shalt  }
0x4a: {  	_ =	shalt  }
0x4b: {  	_ =	shalt  }
0x4c: {  	_ =	shalt  }
0x4d: {  	_ =	shalt  }
0x4e: {  	_ =	shalt  }
0x4f: {  	_ =	shalt  }
0x50: {  	_ =	shalt  }
0x51: {  	_ =	shalt  }
0x52: {  	_ =	shalt  }
0x53: {  	_ =	shalt  }
0x54: {  	_ =	shalt  }
0x55: {  	_ =	shalt  }
0x56: {  	_ =	shalt  }
0x57: {  	_ =	shalt  }
0x58: {  	_ =	shalt  }
0x59: {  	_ =	shalt  }
0x5a: {  	_ =	shalt  }
0x5b: {  	_ =	shalt  }
0x5c: {  	_ =	shalt  }
0x5d: {  	_ =	shalt  }
0x5e: {  	_ =	shalt  }
0x5f: {  	_ =	shalt  }
0x60: {  	_ =	shalt  }
0x61: {  	_ =	shalt  }
0x62: {  	_ =	shalt  }
0x63: {  	_ =	shalt  }
0x64: {  	_ =	shalt  }
0x65: {  	_ =	shalt  }
0x66: {  	_ =	shalt  }
0x67: {  	_ =	shalt  }
0x68: {  	_ =	shalt  }
0x69: {  	_ =	shalt  }
0x6a: {  	_ =	shalt  }
0x6b: {  	_ =	shalt  }
0x6c: {  	_ =	shalt  }
0x6d: {  	_ =	shalt  }
0x6e: {  	_ =	shalt  }
0x6f: {  	_ =	shalt  }
0x70: {  	_ =	shalt  }
0x71: {  	_ =	shalt  }
0x72: {  	_ =	shalt  }
0x73: {  	_ =	shalt  }
0x74: {  	_ =	shalt  }
0x75: {  	_ =	shalt  }
0x76: {  	_ =	shalt  }
0x77: {  	_ =	shalt  }
0x78: {  	_ =	shalt  }
0x79: {  	_ =	shalt  }
0x7a: {  	_ =	shalt  }
0x7b: {  	_ =	shalt  }
0x7c: {  	_ =	shalt  }
0x7d: {  	_ =	shalt  }
0x7e: {  	_ =	shalt  }
0x7f: {  	_ =	shalt  }
0x80: {  	_ =	shalt  }
0x81: {  	_ =	shalt  }
0x82: {  	_ =	shalt  }
0x83: {  	_ =	shalt  }
0x84: {  	_ =	shalt  }
0x85: {  	_ =	shalt  }
0x86: {  	_ =	shalt  }
0x87: {  	_ =	shalt  }
.Lfunc_end0:
.L_simem_size_0:
called_computation.2_lowered:
.L_overlay_start_0:
0x88: {  	s2 =	sld [smem:$0x3FD9]  }
0x89: {  	s3 =	sld [smem:$0x3FFE];
	_ =	sdelay $0x1  }
0x8a: {  	s1 =	srdreg.scid  }
0x8b: {  	s0 =	sand.u32 $0x1, s1  }
0x8c: {  	s17 =	sshll.u32 s0, $0xA;
	s2 =	sadd.s32 s3, s2  }
0x8d: {  	s2 =	sadd.s32 s2, s17  }
0x8e: {  	[smem:$0x3FBB] =	sst s2  }
0x8f: {  	_ = 	snop  }
0x90: {  	s2 =	sld [smem:$0x3FD0];
	(tm) =	ssettm $0x1  }
0x91: {  	s18 =	sld [smem:$0x3FFB];
	_ =	sdelay $0x3  }
0x92: {  	_ =	strace s18  }
0x93: {  	s3 =	sld [smem:$0x3FFC];
	_ =	sdelay $0x3  }
0x94: {  	_ =	strace s3  }
0x95: {  	s3 =	sld [smem:$0x3FFD];
	_ =	sdelay $0x3  }
0x96: {  	_ =	strace s3  }
0x97: {  	_ =	strace $0x8FFFFFFF  }
0x98: {  	s19 =	sld [smem:$0x3FDB];
	_ =	sdelay $0x1  }
0x99: {  	s4 =	simm.s32 $_scs_section_size  }
0x9a: {  	s5 =	simm.s32 $_size__tile_overlayer_lowered;
	s6 =	simm.s32 $_tile_overlayer_lowered  }
0x9b: {  	s22 =	simm.s32 $0x1BFF;
	s21 =	sshll.u32 s6, $0x1;
	s3 =	sadd.s32 s4, s19  }
0x9c: {  	s7 =	simm.s32 $0x0;
	s20 =	sshll.u32 s5, $0x1;
	s5 =	sadd.s32 s21, s3  }
0x9d: {  	[timem:s7], [sflag:s22] =	dma.local [hbm:s5], s20  }
0x9e: {  	_ =	swait.ge [sflag:s22], s20  }
0x9f: {  	s4 =	ssub.s32 $0x0, s20;
	[sflag:s22] =	ssyncset.done $0x0  }
0xa0: {  	[sflag:s22] =	ssyncadd.s32 s4;
	_ =	sdelay $0x1  }
0xa1: {  	s23 =	simm.s32 $0x1B8B  }
0xa2: {  	_ =	swait.ge [sflag:s23], $0x1  }
0xa3: {  	[sflag:s23] =	ssyncset.done $0x0  }
0xa4: {  	s25 =	simm.s32 $0x1B8E;
	s24 =	sld [smem:$0x3FFE];
	[sflag:s23] =	ssyncadd.s32 $0xFFFFFFFF  }
0xa5: {  	s26 =	simm.s32 $execute0_lowered;
	[smem:$0x3FD2] =	sst s25  }
0xa6: {  	s5 =	sshll.u32 s26, $0x1;
	_ =	strace $0x8000004C;
	[dreg:$0x1] =	wrdreg $0xFFFFFFFF  }
0xa7: {  	s28 =	simm.s32 $_size_execute0_lowered;
	s3 =	sadd.s32 s3, s5;
	[dreg:$0x0] =	wrdreg $0x0  }
0xa8: {  	s5 =	sshll.u32 s28, $0x1;
	[dreg:$0x2] =	wrdreg s3  }
0xa9: {  	[dreg:$0x3] =	wrdreg s5  }
0xaa: {  	[dreg:$0x4] =	wrdreg $0xC0  }
0xab: {  	_ =	task [dreg:s7], $0x5FFFF  }
0xac: {  	[dreg:$0x1] =	wrdreg $0xFFFFFFFF  }
0xad: {  	[dreg:$0x0] =	wrdreg $0x60  }
0xae: {  	[dreg:$0x2] =	wrdreg s24  }
0xaf: {  	[dreg:$0x3] =	wrdreg s2  }
0xb0: {  	[dreg:$0x4] =	wrdreg $0x8D000  }
0xb1: {  	[dreg:$0x5] =	wrdreg $0x9  }
0xb2: {  	_ =	task.clear_ibuf [dreg:s7], $0x6FFFF;
	_ =	strace $0x9000004C  }
0xb3: {  	s29 =	simm.s32 $0x9;
	_ =	strace $0x8000004E  }
0xb4: {  	_ =	swait.ge [sflag:s29], $0x1  }
0xb5: {  	[sflag:s29] =	ssyncadd.s32 $0xFFFFFFFF  }
0xb6: {  	_ =	strace $0x9000004E  }
0xb7: {  	_ =	sfence  }
0xb8: {  	s30 =	sld [smem:$0x0];
	_ =	sdelay $0x2  }
0xb9: {  	s31 =	sshll.u32 s1, $0xD;
	s1 =	sshrl.u32 s1, $0x2  }
0xba: {  	s3 =	sand.u32 $0x4000, s31;
	s1 =	sadd.s32 s1, s30  }
0xbb: {  	s0 =	sor.u32 s3, s0;
	s1 =	sshll.u32 s1, $0x11  }
0xbc: {  	s0 =	sor.u32 s1, s0  }
0xbd: {  	s0 =	sadd.s32 $0x8F2B, s0  }
0xbe: {  	[sflag:s0] =	ssyncadd.remote.s32 $0x1  }
0xbf: {  	_ =	sfence.sel $0xFFFF  }
0xc0: {  	[dreg:$0x0] =	wrdreg $0xFFFFFFFF;
	(pc) =	sbr.abs _section_cstart, $3  }
0xc1: {  	[dreg:$0x1] =	wrdreg $0xFFFFFFFF  }
0xc2: {  	_ =	task.clear_ibuf [dreg:s7], $0x2FFFF;
	_ =	strace $0x9FFFFFFF  }
0xc3: {  	(tm) =	ssettm $0x7FFFFFFF  }
tec
execute0_lowered:
.L_overlay_start_1:
0x0: {  	(tag) =	ssettag $0x1  }
0x1: {  	s10 =	rddreg [dreg:$0x0]  }
0x2: {  	s0 =	rddreg [dreg:$0x1]  }
0x3: {  	s2 =	rddreg [dreg:$0x2];
	s18 =	srdreg.scid  }
0x4: {  	s1 =	stileid.u32;
	s3 =	simm.s32 $0x0;
	s24 =	simm.s32 $0x580  }
0x5: {  	s26 =	simm.s32 $0x600;
	[dreg:$0x4] =	wrdreg s0;
	s4 =	smul.u32 $0xA00, s1  }
0x6: {  	s0 =	sand.u32 $0x1, s18;
	[smem:$0x7FF] =	sst s3;
	s6 =	smul.u32 $0xA0, s1  }
0x7: {  	p0 =	seq.s32 s1, $0xF;
	s7 =	sshll.u32 s1, $0x8;
	s23 =	sshll.u32 s1, $0x6  }
0x8: {  	s5 =	sshll.u32 s0, $0x7;
	_ =	strace $0x8000004D;
	s19 =	smul.u32 $0x4E800, s0  }
0x9: {  	s7 =	sadd.s32 s7, s10;
	s8 =	sshll.u32 s0, $0xC;
	[dreg:$0x8] =	wrdreg s24  }
0xa: {  	[dreg:$0x9] =	wrdreg s26;
	s4 =	sor.u32 s5, s4;
	s6 =	simm.s32 @p0 $0x930  }
0xb: {  	s7 =	sadd.s32 s8, s7;
	s25 =	rddreg [dreg:$0x4];
	s6 =	sshll.u32 s6, $0x7  }
0xc: {  	s4 =	sshrl.u32 s4, $0x3;
	s20 =	sadd.s32 $0x1D200, s7;
	s5 =	sadd.s32 s19, s6  }
0xd: {  	s4 =	sadd.s32 s4, s10;
	[dreg:$0x6] =	wrdreg s20;
	s5 =	sshrl.u32 s5, $0x3  }
0xe: {  	s22 =	sadd.s32 s6, s2;
	s4 =	sadd.s32 $0x223000, s4;
	s5 =	sadd.s32 s5, s10  }
0xf: {  	s6 =	sshrl.u32 s22, $0x3;
	[dreg:$0x5] =	wrdreg s4;
	s21 =	sadd.s32 $0x1200, s5  }
0x10: {  	s4 =	sor.u32 $0x1C05, s23;
	s5 =	simm.s32 $0x5;
	[dreg:$0x7] =	wrdreg s21  }
0x11: {  	[spmem:s6], [sflag:s4] =	dma.local [hbm:s25], $0xA00  }
0x12: {  	_ =	swait.ge [sflag:s5], $0xA00  }
0x13: {  	s8 =	simm.s32 $0x100;
	[sflag:s5] =	ssyncset.done $0x0  }
0x14: {  	s7 =	simm.s32 $0x80;
	s9 =	rddreg [dreg:$0x5];
	[sflag:s5] =	ssyncadd.s32 $0xFFFFF600  }
0x15: {  	[tilespmem:s3], [sflag:$0x5] =	stream.strided.gather [hbm4b:s9+s7], $0x500, s8, s7, $0x38;
	[tilespmem:$0xDB80] =	vst v63  }
0x16: {  	_ =	swait.ge [sflag:s5], $0x500  }
0x17: {  	[sflag:s5] =	ssyncset.done $0x0  }
0x18: {  	s9 =	simm.s32 $0x500;
	s11 =	rddreg [dreg:$0x6];
	[sflag:s5] =	ssyncadd.s32 $0xFFFFFB00  }
0x19: {  	[tilespmem:s9], [sflag:$0x5] =	stream.linear.gather [hbm4b:s11+s3], $0x500, $0x38;
	[tilespmem:$0xDB80] =	vst v63  }
0x1a: {  	_ =	swait.ge [sflag:s5], $0x500  }
0x1b: {  	[sflag:s5] =	ssyncset.done $0x0  }
0x1c: {  	s12 =	simm.s32 $0x1;
	[sflag:s5] =	ssyncadd.s32 $0xFFFFFB00  }
0x1d: {  	s10 =	sadd.s32 $0x2E600, s10;
	s11 =	simm.s32 $0xD00;
	[bflag:$0x0] =	sbarrier.arrive $0xFFFF  }
0x1e: {  	[tilespmem:s11], [sflag:$0x1] =	stream.indirect.gather [hbm4b:s10+s7], $0x80, s3, s7, $0xb8;
	[tilespmem:$0xDB80] =	vst v63  }
0x1f: {  	_ =	swait.ge [sflag:s12], $0x4000  }
0x20: {  	[sflag:s12] =	ssyncset.done $0x0  }
0x21: {  	[sflag:s12] =	ssyncadd.s32 $0xFFFFC000  }
0x22: {  	[spmem:s2] =	stream.indirect.scatter.add.f32 [tilespmem:s11], [sflag:$0x3], $0x80, s9, s7, $0xb8;
	[tilespmem:$0xDB80] =	vst v63  }
0x23: {  	s13 =	simm.s32 $0x4D00;
	s14 =	simm.s32 $0x2  }
0x24: {  	[tilespmem:s13], [sflag:$0x2] =	stream.indirect.gather [hbm4b:s10+s7], $0x80, s7, s7, $0xb8;
	[tilespmem:$0xDB80] =	vst v63  }
0x25: {  	_ =	swait.ge [sflag:s14], $0x4000  }
0x26: {  	[sflag:s14] =	ssyncset.done $0x0  }
0x27: {  	s15 =	simm.s32 $0x3;
	s16 =	rddreg [dreg:$0x8];
	[sflag:s14] =	ssyncadd.s32 $0xFFFFC000  }
0x28: {  	[spmem:s2] =	stream.indirect.scatter.add.f32 [tilespmem:s13], [sflag:$0x4], $0x80, s16, s7, $0xb8;
	[tilespmem:$0xDB80] =	vst v63  }
0x29: {  	_ =	swait.ge [sflag:s15], $0x4000  }
0x2a: {  	[sflag:s15] =	ssyncset.done $0x0  }
0x2b: {  	[sflag:s15] =	ssyncadd.s32 $0xFFFFC000  }
0x2c: {  	[tilespmem:s11], [sflag:$0x1] =	stream.indirect.gather [hbm4b:s10+s7], $0x80, s8, s7, $0xb8;
	[tilespmem:$0xDB80] =	vst v63  }
0x2d: {  	_ =	swait.ge [sflag:s12], $0x4000  }
0x2e: {  	[sflag:s12] =	ssyncset.done $0x0  }
0x2f: {  	s16 =	simm.s32 $0x4;
	s17 =	rddreg [dreg:$0x9];
	[sflag:s12] =	ssyncadd.s32 $0xFFFFC000  }
0x30: {  	[spmem:s2] =	stream.indirect.scatter.add.f32 [tilespmem:s11], [sflag:$0x3], $0x80, s17, s7, $0xb8;
	[tilespmem:$0xDB80] =	vst v63  }
0x31: {  	_ =	swait.ge [sflag:s16], $0x4000  }
0x32: {  	[sflag:s16] =	ssyncset.done $0x0  }
0x33: {  	s17 =	simm.s32 $0x180;
	[sflag:s16] =	ssyncadd.s32 $0xFFFFC000  }
0x34: {  	[tilespmem:s13], [sflag:$0x2] =	stream.indirect.gather [hbm4b:s10+s7], $0x80, s17, s7, $0xb8;
	[tilespmem:$0xDB80] =	vst v63  }
0x35: {  	_ =	swait.ge [sflag:s14], $0x4000  }
0x36: {  	[sflag:s14] =	ssyncset.done $0x0  }
0x37: {  	s18 =	simm.s32 $0x680;
	[sflag:s14] =	ssyncadd.s32 $0xFFFFC000  }
0x38: {  	[spmem:s2] =	stream.indirect.scatter.add.f32 [tilespmem:s13], [sflag:$0x4], $0x80, s18, s7, $0xb8;
	[tilespmem:$0xDB80] =	vst v63  }
0x39: {  	_ =	swait.ge [sflag:s15], $0x4000  }
0x3a: {  	[sflag:s15] =	ssyncset.done $0x0  }
0x3b: {  	s19 =	simm.s32 $0x200;
	[sflag:s15] =	ssyncadd.s32 $0xFFFFC000  }
0x3c: {  	[tilespmem:s11], [sflag:$0x1] =	stream.indirect.gather [hbm4b:s10+s7], $0x80, s19, s7, $0xb8;
	[tilespmem:$0xDB80] =	vst v63  }
0x3d: {  	_ =	swait.ge [sflag:s12], $0x4000  }
0x3e: {  	[sflag:s12] =	ssyncset.done $0x0  }
0x3f: {  	s20 =	simm.s32 $0x700;
	[sflag:s12] =	ssyncadd.s32 $0xFFFFC000  }
0x40: {  	[spmem:s2] =	stream.indirect.scatter.add.f32 [tilespmem:s11], [sflag:$0x3], $0x80, s20, s7, $0xb8;
	[tilespmem:$0xDB80] =	vst v63  }
0x41: {  	_ =	swait.ge [sflag:s16], $0x4000  }
0x42: {  	[sflag:s16] =	ssyncset.done $0x0  }
0x43: {  	s21 =	simm.s32 $0x280;
	[sflag:s16] =	ssyncadd.s32 $0xFFFFC000  }
0x44: {  	[tilespmem:s13], [sflag:$0x2] =	stream.indirect.gather [hbm4b:s10+s7], $0x80, s21, s7, $0xb8;
	[tilespmem:$0xDB80] =	vst v63  }
0x45: {  	_ =	swait.ge [sflag:s14], $0x4000  }
0x46: {  	[sflag:s14] =	ssyncset.done $0x0  }
0x47: {  	s22 =	simm.s32 $0x780;
	[sflag:s14] =	ssyncadd.s32 $0xFFFFC000  }
0x48: {  	[spmem:s2] =	stream.indirect.scatter.add.f32 [tilespmem:s13], [sflag:$0x4], $0x80, s22, s7, $0xb8;
	[tilespmem:$0xDB80] =	vst v63  }
0x49: {  	_ =	swait.ge [sflag:s15], $0x4000  }
0x4a: {  	[sflag:s15] =	ssyncset.done $0x0  }
0x4b: {  	s23 =	simm.s32 $0x300;
	[sflag:s15] =	ssyncadd.s32 $0xFFFFC000  }
0x4c: {  	[tilespmem:s11], [sflag:$0x1] =	stream.indirect.gather [hbm4b:s10+s7], $0x80, s23, s7, $0xb8;
	[tilespmem:$0xDB80] =	vst v63  }
0x4d: {  	_ =	swait.ge [sflag:s12], $0x4000  }
0x4e: {  	[sflag:s12] =	ssyncset.done $0x0  }
0x4f: {  	s24 =	simm.s32 $0x800;
	[sflag:s12] =	ssyncadd.s32 $0xFFFFC000  }
0x50: {  	[spmem:s2] =	stream.indirect.scatter.add.f32 [tilespmem:s11], [sflag:$0x3], $0x80, s24, s7, $0xb8;
	[tilespmem:$0xDB80] =	vst v63  }
0x51: {  	_ =	swait.ge [sflag:s16], $0x4000  }
0x52: {  	[sflag:s16] =	ssyncset.done $0x0  }
0x53: {  	s25 =	simm.s32 $0x380;
	[sflag:s16] =	ssyncadd.s32 $0xFFFFC000  }
0x54: {  	[tilespmem:s13], [sflag:$0x2] =	stream.indirect.gather [hbm4b:s10+s7], $0x80, s25, s7, $0xb8;
	[tilespmem:$0xDB80] =	vst v63  }
0x55: {  	_ =	swait.ge [sflag:s14], $0x4000  }
0x56: {  	[sflag:s14] =	ssyncset.done $0x0  }
0x57: {  	s26 =	simm.s32 $0x880;
	[sflag:s14] =	ssyncadd.s32 $0xFFFFC000  }
0x58: {  	[spmem:s2] =	stream.indirect.scatter.add.f32 [tilespmem:s13], [sflag:$0x4], $0x80, s26, s7, $0xb8;
	[tilespmem:$0xDB80] =	vst v63  }
0x59: {  	_ =	swait.ge [sflag:s15], $0x4000  }
0x5a: {  	[sflag:s15] =	ssyncset.done $0x0  }
0x5b: {  	s28 =	simm.s32 $0x400;
	[sflag:s15] =	ssyncadd.s32 $0xFFFFC000  }
0x5c: {  	[tilespmem:s11], [sflag:$0x1] =	stream.indirect.gather [hbm4b:s10+s7], $0x80, s28, s7, $0xb8;
	[tilespmem:$0xDB80] =	vst v63  }
0x5d: {  	_ =	swait.ge [sflag:s12], $0x4000  }
0x5e: {  	[sflag:s12] =	ssyncset.done $0x0  }
0x5f: {  	s29 =	simm.s32 $0x900;
	[sflag:s12] =	ssyncadd.s32 $0xFFFFC000  }
0x60: {  	[spmem:s2] =	stream.indirect.scatter.add.f32 [tilespmem:s11], [sflag:$0x3], $0x80, s29, s7, $0xb8;
	[tilespmem:$0xDB80] =	vst v63  }
0x61: {  	_ =	swait.ge [sflag:s16], $0x4000  }
0x62: {  	[sflag:s16] =	ssyncset.done $0x0  }
0x63: {  	s30 =	simm.s32 $0x480;
	[sflag:s16] =	ssyncadd.s32 $0xFFFFC000  }
0x64: {  	[tilespmem:s13], [sflag:$0x2] =	stream.indirect.gather [hbm4b:s10+s7], $0x80, s30, s7, $0xb8;
	[tilespmem:$0xDB80] =	vst v63  }
0x65: {  	_ =	swait.ge [sflag:s14], $0x4000  }
0x66: {  	[sflag:s14] =	ssyncset.done $0x0  }
0x67: {  	s31 =	simm.s32 $0x980;
	[sflag:s14] =	ssyncadd.s32 $0xFFFFC000  }
0x68: {  	[spmem:s2] =	stream.indirect.scatter.add.f32 [tilespmem:s13], [sflag:$0x4], $0x80, s31, s7, $0xb8;
	[tilespmem:$0xDB80] =	vst v63  }
0x69: {  	_ =	swait.ge [sflag:s15], $0x4000  }
0x6a: {  	[sflag:s15] =	ssyncset.done $0x0  }
0x6b: {  	[sflag:s15] =	ssyncadd.s32 $0xFFFFC000  }
0x6c: {  	_ =	swait.ge [sflag:s16], $0x4000  }
0x6d: {  	[sflag:s16] =	ssyncset.done $0x0  }
0x6e: {  	[sflag:s16] =	ssyncadd.s32 $0xFFFFC000  }
0x6f: {  	[bflag:$0x0] =	sbarrier.arrive $0xFFFF  }
0x70: {  	s0 =	ssub.s32 $0x2, s0;
	s1 =	rddreg [dreg:$0x7]  }
0x71: {  	[dreg:$0xa] =	wrdreg s1;
	s1 =	sshrl.u32 s0, $0x1  }
0x72: {  	s0 =	ssub.s32 s0, s1  }
0x73: {  	s0 =	smax.u32 s0, $0x1  }
0x74: {  	p0 =	sne.s32 s0, $0x1  }
.Ltmp0:
0x75: {  	_ = 	snop;
	(pc) =	sbr.rel @!p0 .LBB2_2-.Ltmp0, $4  }
0x76: {  	_ = 	snop  }
0x77: {  	s1 =	rddreg [dreg:$0xa]  }
0x78: {  	[hbm:s1], [sflag:s4] =	dma.local [spmem:s6], $0xA00  }
0x79: {  	s0 =	sadd.s32 $0xFFFFFFFF, s0;
	_ =	swait.ge [sflag:s5], $0xA00  }
.LBB2_1:
0x7a: {  	[sflag:s5] =	ssyncset.done $0x0  }
0x7b: {  	s1 =	rddreg [dreg:$0x4];
	[sflag:s5] =	ssyncadd.s32 $0xFFFFF600  }
0x7c: {  	[spmem:s6], [sflag:s4] =	dma.local [hbm:s1], $0xA00  }
0x7d: {  	_ =	swait.ge [sflag:s5], $0xA00  }
0x7e: {  	[sflag:s5] =	ssyncset.done $0x0  }
0x7f: {  	s1 =	rddreg [dreg:$0x5];
	[sflag:s5] =	ssyncadd.s32 $0xFFFFF600  }
0x80: {  	[tilespmem:s3], [sflag:$0x5] =	stream.strided.gather [hbm4b:s1+s7], $0x500, s8, s7, $0x38;
	[tilespmem:$0xDB80] =	vst v63  }
0x81: {  	_ =	swait.ge [sflag:s5], $0x500  }
0x82: {  	[sflag:s5] =	ssyncset.done $0x0  }
0x83: {  	s1 =	rddreg [dreg:$0x6];
	[sflag:s5] =	ssyncadd.s32 $0xFFFFFB00  }
0x84: {  	[tilespmem:s9], [sflag:$0x5] =	stream.linear.gather [hbm4b:s1+s3], $0x500, $0x38;
	[tilespmem:$0xDB80] =	vst v63  }
0x85: {  	_ =	swait.ge [sflag:s5], $0x500  }
0x86: {  	[sflag:s5] =	ssyncset.done $0x0  }
0x87: {  	[sflag:s5] =	ssyncadd.s32 $0xFFFFFB00  }
0x88: {  	[bflag:$0x0] =	sbarrier.arrive $0xFFFF  }
0x89: {  	[tilespmem:s11], [sflag:$0x1] =	stream.indirect.gather [hbm4b:s10+s7], $0x80, s3, s7, $0xb8;
	[tilespmem:$0xDB80] =	vst v63  }
0x8a: {  	_ =	swait.ge [sflag:s12], $0x4000  }
0x8b: {  	[sflag:s12] =	ssyncset.done $0x0  }
0x8c: {  	[sflag:s12] =	ssyncadd.s32 $0xFFFFC000  }
0x8d: {  	[spmem:s2] =	stream.indirect.scatter.add.f32 [tilespmem:s11], [sflag:$0x3], $0x80, s9, s7, $0xb8;
	[tilespmem:$0xDB80] =	vst v63  }
0x8e: {  	_ = 	snop  }
0x8f: {  	[tilespmem:s13], [sflag:$0x2] =	stream.indirect.gather [hbm4b:s10+s7], $0x80, s7, s7, $0xb8;
	[tilespmem:$0xDB80] =	vst v63  }
0x90: {  	_ =	swait.ge [sflag:s14], $0x4000  }
0x91: {  	[sflag:s14] =	ssyncset.done $0x0  }
0x92: {  	s1 =	rddreg [dreg:$0x8];
	[sflag:s14] =	ssyncadd.s32 $0xFFFFC000  }
0x93: {  	[spmem:s2] =	stream.indirect.scatter.add.f32 [tilespmem:s13], [sflag:$0x4], $0x80, s1, s7, $0xb8;
	[tilespmem:$0xDB80] =	vst v63  }
0x94: {  	_ =	swait.ge [sflag:s15], $0x4000  }
0x95: {  	[sflag:s15] =	ssyncset.done $0x0  }
0x96: {  	[sflag:s15] =	ssyncadd.s32 $0xFFFFC000  }
0x97: {  	[tilespmem:s11], [sflag:$0x1] =	stream.indirect.gather [hbm4b:s10+s7], $0x80, s8, s7, $0xb8;
	[tilespmem:$0xDB80] =	vst v63  }
0x98: {  	_ =	swait.ge [sflag:s12], $0x4000  }
0x99: {  	[sflag:s12] =	ssyncset.done $0x0  }
0x9a: {  	s1 =	rddreg [dreg:$0x9];
	[sflag:s12] =	ssyncadd.s32 $0xFFFFC000  }
0x9b: {  	[spmem:s2] =	stream.indirect.scatter.add.f32 [tilespmem:s11], [sflag:$0x3], $0x80, s1, s7, $0xb8;
	[tilespmem:$0xDB80] =	vst v63  }
0x9c: {  	_ =	swait.ge [sflag:s16], $0x4000  }
0x9d: {  	[sflag:s16] =	ssyncset.done $0x0  }
0x9e: {  	[sflag:s16] =	ssyncadd.s32 $0xFFFFC000  }
0x9f: {  	[tilespmem:s13], [sflag:$0x2] =	stream.indirect.gather [hbm4b:s10+s7], $0x80, s17, s7, $0xb8;
	[tilespmem:$0xDB80] =	vst v63  }
0xa0: {  	_ =	swait.ge [sflag:s14], $0x4000  }
0xa1: {  	[sflag:s14] =	ssyncset.done $0x0  }
0xa2: {  	[sflag:s14] =	ssyncadd.s32 $0xFFFFC000  }
0xa3: {  	[spmem:s2] =	stream.indirect.scatter.add.f32 [tilespmem:s13], [sflag:$0x4], $0x80, s18, s7, $0xb8;
	[tilespmem:$0xDB80] =	vst v63  }
0xa4: {  	_ =	swait.ge [sflag:s15], $0x4000  }
0xa5: {  	[sflag:s15] =	ssyncset.done $0x0  }
0xa6: {  	[sflag:s15] =	ssyncadd.s32 $0xFFFFC000  }
0xa7: {  	[tilespmem:s11], [sflag:$0x1] =	stream.indirect.gather [hbm4b:s10+s7], $0x80, s19, s7, $0xb8;
	[tilespmem:$0xDB80] =	vst v63  }
0xa8: {  	_ =	swait.ge [sflag:s12], $0x4000  }
0xa9: {  	[sflag:s12] =	ssyncset.done $0x0  }
0xaa: {  	[sflag:s12] =	ssyncadd.s32 $0xFFFFC000  }
0xab: {  	[spmem:s2] =	stream.indirect.scatter.add.f32 [tilespmem:s11], [sflag:$0x3], $0x80, s20, s7, $0xb8;
	[tilespmem:$0xDB80] =	vst v63  }
0xac: {  	_ =	swait.ge [sflag:s16], $0x4000  }
0xad: {  	[sflag:s16] =	ssyncset.done $0x0  }
0xae: {  	[sflag:s16] =	ssyncadd.s32 $0xFFFFC000  }
0xaf: {  	[tilespmem:s13], [sflag:$0x2] =	stream.indirect.gather [hbm4b:s10+s7], $0x80, s21, s7, $0xb8;
	[tilespmem:$0xDB80] =	vst v63  }
0xb0: {  	_ =	swait.ge [sflag:s14], $0x4000  }
0xb1: {  	[sflag:s14] =	ssyncset.done $0x0  }
0xb2: {  	[sflag:s14] =	ssyncadd.s32 $0xFFFFC000  }
0xb3: {  	[spmem:s2] =	stream.indirect.scatter.add.f32 [tilespmem:s13], [sflag:$0x4], $0x80, s22, s7, $0xb8;
	[tilespmem:$0xDB80] =	vst v63  }
0xb4: {  	_ =	swait.ge [sflag:s15], $0x4000  }
0xb5: {  	[sflag:s15] =	ssyncset.done $0x0  }
0xb6: {  	[sflag:s15] =	ssyncadd.s32 $0xFFFFC000  }
0xb7: {  	[tilespmem:s11], [sflag:$0x1] =	stream.indirect.gather [hbm4b:s10+s7], $0x80, s23, s7, $0xb8;
	[tilespmem:$0xDB80] =	vst v63  }
0xb8: {  	_ =	swait.ge [sflag:s12], $0x4000  }
0xb9: {  	[sflag:s12] =	ssyncset.done $0x0  }
0xba: {  	[sflag:s12] =	ssyncadd.s32 $0xFFFFC000  }
0xbb: {  	[spmem:s2] =	stream.indirect.scatter.add.f32 [tilespmem:s11], [sflag:$0x3], $0x80, s24, s7, $0xb8;
	[tilespmem:$0xDB80] =	vst v63  }
0xbc: {  	_ =	swait.ge [sflag:s16], $0x4000  }
0xbd: {  	[sflag:s16] =	ssyncset.done $0x0  }
0xbe: {  	[sflag:s16] =	ssyncadd.s32 $0xFFFFC000  }
0xbf: {  	[tilespmem:s13], [sflag:$0x2] =	stream.indirect.gather [hbm4b:s10+s7], $0x80, s25, s7, $0xb8;
	[tilespmem:$0xDB80] =	vst v63  }
0xc0: {  	_ =	swait.ge [sflag:s14], $0x4000  }
0xc1: {  	[sflag:s14] =	ssyncset.done $0x0  }
0xc2: {  	[sflag:s14] =	ssyncadd.s32 $0xFFFFC000  }
0xc3: {  	[spmem:s2] =	stream.indirect.scatter.add.f32 [tilespmem:s13], [sflag:$0x4], $0x80, s26, s7, $0xb8;
	[tilespmem:$0xDB80] =	vst v63  }
0xc4: {  	_ =	swait.ge [sflag:s15], $0x4000  }
0xc5: {  	[sflag:s15] =	ssyncset.done $0x0  }
0xc6: {  	[sflag:s15] =	ssyncadd.s32 $0xFFFFC000  }
0xc7: {  	[tilespmem:s11], [sflag:$0x1] =	stream.indirect.gather [hbm4b:s10+s7], $0x80, s28, s7, $0xb8;
	[tilespmem:$0xDB80] =	vst v63  }
0xc8: {  	_ =	swait.ge [sflag:s12], $0x4000  }
0xc9: {  	[sflag:s12] =	ssyncset.done $0x0  }
0xca: {  	[sflag:s12] =	ssyncadd.s32 $0xFFFFC000  }
0xcb: {  	[spmem:s2] =	stream.indirect.scatter.add.f32 [tilespmem:s11], [sflag:$0x3], $0x80, s29, s7, $0xb8;
	[tilespmem:$0xDB80] =	vst v63  }
0xcc: {  	_ =	swait.ge [sflag:s16], $0x4000  }
0xcd: {  	[sflag:s16] =	ssyncset.done $0x0  }
0xce: {  	[sflag:s16] =	ssyncadd.s32 $0xFFFFC000  }
0xcf: {  	[tilespmem:s13], [sflag:$0x2] =	stream.indirect.gather [hbm4b:s10+s7], $0x80, s30, s7, $0xb8;
	[tilespmem:$0xDB80] =	vst v63  }
0xd0: {  	_ =	swait.ge [sflag:s14], $0x4000  }
0xd1: {  	[sflag:s14] =	ssyncset.done $0x0  }
0xd2: {  	[sflag:s14] =	ssyncadd.s32 $0xFFFFC000  }
0xd3: {  	[spmem:s2] =	stream.indirect.scatter.add.f32 [tilespmem:s13], [sflag:$0x4], $0x80, s31, s7, $0xb8;
	[tilespmem:$0xDB80] =	vst v63  }
0xd4: {  	_ =	swait.ge [sflag:s15], $0x4000  }
0xd5: {  	[sflag:s15] =	ssyncset.done $0x0  }
0xd6: {  	[sflag:s15] =	ssyncadd.s32 $0xFFFFC000  }
0xd7: {  	_ =	swait.ge [sflag:s16], $0x4000  }
0xd8: {  	p0 =	sne.s32 s0, $0x1;
	[sflag:s16] =	ssyncset.done $0x0  }
.Ltmp1:
0xd9: {  	[sflag:s16] =	ssyncadd.s32 $0xFFFFC000;
	(pc) =	sbr.rel @p0 .LBB2_1-.Ltmp1, $4  }
0xda: {  	[bflag:$0x0] =	sbarrier.arrive $0xFFFF  }
0xdb: {  	s1 =	rddreg [dreg:$0x7]  }
0xdc: {  	[hbm:s1], [sflag:s4] =	dma.local [spmem:s6], $0xA00  }
0xdd: {  	s0 =	sadd.s32 $0xFFFFFFFF, s0;
	_ =	swait.ge [sflag:s5], $0xA00  }
.LBB2_2:
0xde: {  	[sflag:s5] =	ssyncset.done $0x0  }
0xdf: {  	[sflag:s5] =	ssyncadd.s32 $0xFFFFF600  }
0xe0: {  	_ =	sfence.sel $0x180000  }
0xe1: {  	[bflag:$0x0] =	sbarrier.arrive $0xFFFF  }
0xe2: {  	_ =	strace $0x9000004D  }
0xe3: {  	s0 =	stileid.u32;
	[bflag:$0x2] =	sbarrier.arrive $0xFFFF  }
0xe4: {  	p0 =	sne.s32 s0, $0x0;
	s0 =	rddreg [dreg:$0x3]  }
0xe5: {  	s0 =	sadd.s32 @!p0 $0x100000, s0  }
0xe6: {  	[sflag:s0] =	ssyncadd.tile.s32 @!p0 $0x1;
	_ =	shalt  }
.Lfunc_end2:
_tile_overlayer_lowered:
.L_overlay_start_2:
0xe7: {  	(tag) =	ssettag $0x2  }
0xe8: {  	s0 =	rddreg [dreg:$0x0];
	s2 =	stileid.u32  }
0xe9: {  	s1 =	rddreg [dreg:$0x1];
	p0 =	sne.s32 s2, $0x0  }
0xea: {  	s3 =	rddreg [dreg:$0x2];
	[bflag:$0x3] =	sbarrier.arrive $0xFFFF;
	s2 =	simm.s32 @!p0 $0x1C05  }
0xeb: {  	[timem:s3], [sflag:s2] =	dma.local @!p0 [hbm:s0], s1  }
0xec: {  	s0 =	simm.s32 @!p0 $0x5  }
0xed: {  	_ =	swait.ge @!p0 [sflag:s0], s1  }
0xee: {  	s1 =	ssub.s32 @!p0 $0x0, s1;
	[sflag:s0] =	ssyncset.done @!p0 $0x0  }
0xef: {  	[sflag:s0] =	ssyncadd.s32 @!p0 s1  }
0xf0: {  	[bflag:$0x3] =	sbarrier.arrive $0xFFFF  }
0xf1: {  	_ =	shalt  }

// kernel: kernel.8.cloned.1.call-start
scs
__scs_entry_jumppad:
0x0: {  	(pc) =	sbr.rel $0x88, $3  }
0x1: {  	(tag) =	ssettag $0x0;
	lr =	simm.s32 $0x1  }
0x2: {  	[smem:$0x3F94] =	sst lr;
	_ =	strace $0xD0000000  }
0x3: {  	_ = 	snop  }
0x4: {  	_ = 	snop  }
0x5: {  	_ = 	snop  }
0x6: {  	_ = 	snop  }
0x7: {  	_ = 	snop  }
__scs_overlays_trampoline_lowered:
0x8: {  	[smem:$0x3FA3] =	sst s0  }
0x9: {  	[smem:$0x3FA4] =	sst s1  }
0xa: {  	[smem:$0x3FA5] =	sst s2  }
0xb: {  	[smem:$0x3FA6] =	sst s3  }
0xc: {  	[smem:$0x3FA7] =	sst s4  }
0xd: {  	[smem:$0x3FA8] =	sst s5  }
0xe: {  	[smem:$0x3FA9] =	sst s6  }
0xf: {  	[smem:$0x3FAA] =	sst s7  }
0x10: {  	[smem:$0x3FAB] =	sst s8  }
0x11: {  	[smem:$0x3FAC] =	sst s9;
	s0 =	simm.s32 @!p0 $0x0  }
0x12: {  	s1 =	sld [smem:$0x3F92];
	s0 =	simm.s32 @p0 $0x1  }
0x13: {  	[smem:$0x3FAD] =	sst s0;
	s0 =	simm.s32 @!p1 $0x0  }
0x14: {  	s2 =	sld [smem:$0x3F91];
	s0 =	simm.s32 @p1 $0x1  }
0x15: {  	[smem:$0x3FAE] =	sst s0;
	s0 =	simm.s32 @!p2 $0x0  }
0x16: {  	s3 =	sld [smem:$0x3FDB];
	s0 =	simm.s32 @p2 $0x1  }
0x17: {  	s4 =	simm.s32 $0x1BF5;
	[smem:$0x3FB0] =	sst s0  }
0x18: {  	s0 =	sld [smem:$0x3F93];
	_ =	swait.ge [sflag:s4], $0x0  }
0x19: {  	s7 =	sld [smem:$0x3F94]  }
0x1a: {  	s8 =	sadd.s32 $0xFFFFE003, lr  }
0x1b: {  	s9 =	sadd.s32 $0xFFFFFEF7, lr;
	s5 =	simm.s32 $0xFFFFFFFF;
	p2 =	slt.u32 s8, $0xFFFFF086  }
0x1c: {  	p1 =	slt.u32 s9, $0xF7A;
	s5 =	simm.s32 @!p2 $0x0  }
0x1d: {  	s5 =	simm.s32 @p1 $0x1;
	p0 =	seq.s32 s7, s2  }
0x1e: {  	s7 =	smul.u32 @!p0 $0xF7A, s2;
	p2 =	seq.s32 @!p0 s5, $0x0  }
0x1f: {  	s9 =	smul.u32 $0xF7A, s1;
	s8 =	simm.s32 @!p0 $0x1BF5;
	p2 =	por !p2, p0  }
0x20: {  	[sflag:s8] =	ssyncset.s32 @!p0 $0xFFFFF086;
	s6 =	sadd.s32 @!p0 s3, s7;
	s7 =	simm.s32 @!p0 $0x108  }
0x21: {  	s3 =	sadd.s32 s3, s9;
	s6 =	sadd.s32 @!p0 $0x88, s6;
	s7 =	simm.s32 @p2 $0x1082  }
0x22: {  	[simem:s7], [sflag:s8] =	dma.local @!p0 [hbm:s6], $0xF7A  }
0x23: {  	s9 =	sor.u32 $0xD0000000, s2;
	s6 =	simm.s32 $0x108;
	_ =	swait.ge @!p0 [sflag:s8], $0x0  }
0x24: {  	s3 =	sadd.s32 $0x88, s3;
	s6 =	simm.s32 @!p1 $0x1082;
	[sflag:s4] =	ssyncset.s32 $0xFFFFF086  }
0x25: {  	[simem:s6], [sflag:s4] =	dma.local [hbm:s3], $0xF7A  }
0x26: {  	[smem:$0x3F94] =	sst s1;
	(tag) =	ssettag s2;
	_ =	strace s9  }
0x27: {  	s1 =	sld [smem:$0x3FA4]  }
0x28: {  	s2 =	sld [smem:$0x3FA5]  }
0x29: {  	s4 =	sld [smem:$0x3FA7]  }
0x2a: {  	p0 =	seq.s32 s5, $0x0;
	s5 =	sld [smem:$0x3FA8]  }
0x2b: {  	s6 =	sld [smem:$0x3FA9]  }
0x2c: {  	s7 =	sld [smem:$0x3FAA]  }
0x2d: {  	s3 =	simm.s32 $0x108;
	s8 =	sld [smem:$0x3FAB]  }
0x2e: {  	s3 =	simm.s32 @!p0 $0x1082;
	s9 =	sld [smem:$0x3FAC]  }
0x2f: {  	lr =	sadd.s32 s0, s3;
	s0 =	sld [smem:$0x3FA3]  }
0x30: {  	s3 =	sld [smem:$0x3FA6]  }
0x31: {  	[smem:$0x3FAF] =	sst s10  }
0x32: {  	s10 =	sld [smem:$0x3FAD];
	_ =	sdelay $0x3  }
0x33: {  	p0 =	seq.s32 s10, $0x1;
	s10 =	sld [smem:$0x3FAF];
	_ =	sdelay $0x3  }
0x34: {  	[smem:$0x3FAF] =	sst s10  }
0x35: {  	s10 =	sld [smem:$0x3FAE];
	_ =	sdelay $0x3  }
0x36: {  	p1 =	seq.s32 s10, $0x1;
	s10 =	sld [smem:$0x3FAF];
	_ =	sdelay $0x3  }
0x37: {  	[smem:$0x3FAF] =	sst s10  }
0x38: {  	s10 =	sld [smem:$0x3FB0]  }
0x39: {  	_ = 	snop;
	(pc) =	sbr.ind lr, $3  }
0x3a: {  	_ = 	snop  }
0x3b: {  	_ = 	snop  }
0x3c: {  	p2 =	seq.s32 s10, $0x1;
	s10 =	sld [smem:$0x3FAF]  }
0x3d: {  	_ =	shalt  }
0x3e: {  	_ =	shalt  }
0x3f: {  	_ =	shalt  }
0x40: {  	_ =	shalt  }
0x41: {  	_ =	shalt  }
0x42: {  	_ =	shalt  }
0x43: {  	_ =	shalt  }
0x44: {  	_ =	shalt  }
0x45: {  	_ =	shalt  }
0x46: {  	_ =	shalt  }
0x47: {  	_ =	shalt  }
0x48: {  	_ =	shalt  }
0x49: {  	_ =	shalt  }
0x4a: {  	_ =	shalt  }
0x4b: {  	_ =	shalt  }
0x4c: {  	_ =	shalt  }
0x4d: {  	_ =	shalt  }
0x4e: {  	_ =	shalt  }
0x4f: {  	_ =	shalt  }
0x50: {  	_ =	shalt  }
0x51: {  	_ =	shalt  }
0x52: {  	_ =	shalt  }
0x53: {  	_ =	shalt  }
0x54: {  	_ =	shalt  }
0x55: {  	_ =	shalt  }
0x56: {  	_ =	shalt  }
0x57: {  	_ =	shalt  }
0x58: {  	_ =	shalt  }
0x59: {  	_ =	shalt  }
0x5a: {  	_ =	shalt  }
0x5b: {  	_ =	shalt  }
0x5c: {  	_ =	shalt  }
0x5d: {  	_ =	shalt  }
0x5e: {  	_ =	shalt  }
0x5f: {  	_ =	shalt  }
0x60: {  	_ =	shalt  }
0x61: {  	_ =	shalt  }
0x62: {  	_ =	shalt  }
0x63: {  	_ =	shalt  }
0x64: {  	_ =	shalt  }
0x65: {  	_ =	shalt  }
0x66: {  	_ =	shalt  }
0x67: {  	_ =	shalt  }
0x68: {  	_ =	shalt  }
0x69: {  	_ =	shalt  }
0x6a: {  	_ =	shalt  }
0x6b: {  	_ =	shalt  }
0x6c: {  	_ =	shalt  }
0x6d: {  	_ =	shalt  }
0x6e: {  	_ =	shalt  }
0x6f: {  	_ =	shalt  }
0x70: {  	_ =	shalt  }
0x71: {  	_ =	shalt  }
0x72: {  	_ =	shalt  }
0x73: {  	_ =	shalt  }
0x74: {  	_ =	shalt  }
0x75: {  	_ =	shalt  }
0x76: {  	_ =	shalt  }
0x77: {  	_ =	shalt  }
0x78: {  	_ =	shalt  }
0x79: {  	_ =	shalt  }
0x7a: {  	_ =	shalt  }
0x7b: {  	_ =	shalt  }
0x7c: {  	_ =	shalt  }
0x7d: {  	_ =	shalt  }
0x7e: {  	_ =	shalt  }
0x7f: {  	_ =	shalt  }
0x80: {  	_ =	shalt  }
0x81: {  	_ =	shalt  }
0x82: {  	_ =	shalt  }
0x83: {  	_ =	shalt  }
0x84: {  	_ =	shalt  }
0x85: {  	_ =	shalt  }
0x86: {  	_ =	shalt  }
0x87: {  	_ =	shalt  }
.Lfunc_end0:
.L_simem_size_0:
called_computation_lowered:
.L_overlay_start_0:
0x88: {  	s2 =	sld [smem:$0x3FD9]  }
0x89: {  	s3 =	sld [smem:$0x3FFE];
	_ =	sdelay $0x1  }
0x8a: {  	s1 =	srdreg.scid  }
0x8b: {  	s0 =	sand.u32 $0x1, s1  }
0x8c: {  	s16 =	sshll.u32 s0, $0xA;
	s2 =	sadd.s32 s3, s2  }
0x8d: {  	s2 =	sadd.s32 s2, s16  }
0x8e: {  	[smem:$0x3FBB] =	sst s2  }
0x8f: {  	_ = 	snop  }
0x90: {  	(tm) =	ssettm $0x1  }
0x91: {  	s17 =	sld [smem:$0x3FFB];
	_ =	sdelay $0x3  }
0x92: {  	_ =	strace s17  }
0x93: {  	s2 =	sld [smem:$0x3FFC];
	_ =	sdelay $0x3  }
0x94: {  	_ =	strace s2  }
0x95: {  	s2 =	sld [smem:$0x3FFD];
	_ =	sdelay $0x3  }
0x96: {  	_ =	strace s2  }
0x97: {  	_ =	strace $0x8FFFFFFF  }
0x98: {  	s18 =	sld [smem:$0x3FDB];
	_ =	sdelay $0x1  }
0x99: {  	s19 =	simm.s32 $_scs_section_size  }
0x9a: {  	s4 =	simm.s32 $_size__tile_overlayer_lowered;
	s5 =	simm.s32 $_tile_overlayer_lowered  }
0x9b: {  	s22 =	simm.s32 $0x1BFF;
	s21 =	sshll.u32 s5, $0x1;
	s2 =	sadd.s32 s19, s18  }
0x9c: {  	s6 =	simm.s32 $0x0;
	s20 =	sshll.u32 s4, $0x1;
	s4 =	sadd.s32 s21, s2  }
0x9d: {  	[timem:s6], [sflag:s22] =	dma.local [hbm:s4], s20  }
0x9e: {  	_ =	swait.ge [sflag:s22], s20  }
0x9f: {  	s3 =	ssub.s32 $0x0, s20;
	[sflag:s22] =	ssyncset.done $0x0  }
0xa0: {  	[sflag:s22] =	ssyncadd.s32 s3;
	_ =	sdelay $0x1  }
0xa1: {  	s23 =	simm.s32 $0x1B8B  }
0xa2: {  	_ =	swait.ge [sflag:s23], $0x1  }
0xa3: {  	[sflag:s23] =	ssyncset.done $0x0  }
0xa4: {  	s25 =	simm.s32 $0x1B8E;
	s24 =	sld [smem:$0x3FFE];
	[sflag:s23] =	ssyncadd.s32 $0xFFFFFFFF  }
0xa5: {  	s26 =	simm.s32 $execute0_lowered;
	[smem:$0x3FD2] =	sst s25  }
0xa6: {  	s4 =	sshll.u32 s26, $0x1;
	_ =	strace $0x80000046;
	[dreg:$0x1] =	wrdreg $0xFFFFFFFF  }
0xa7: {  	s28 =	simm.s32 $_size_execute0_lowered;
	s2 =	sadd.s32 s2, s4;
	[dreg:$0x0] =	wrdreg $0x0  }
0xa8: {  	s4 =	sshll.u32 s28, $0x1;
	[dreg:$0x2] =	wrdreg s2  }
0xa9: {  	[dreg:$0x3] =	wrdreg s4  }
0xaa: {  	[dreg:$0x4] =	wrdreg $0xC0  }
0xab: {  	_ =	task [dreg:s6], $0x5FFFF  }
0xac: {  	[dreg:$0x1] =	wrdreg $0xFFFFFFFF  }
0xad: {  	[dreg:$0x0] =	wrdreg $0x60  }
0xae: {  	[dreg:$0x2] =	wrdreg s24  }
0xaf: {  	[dreg:$0x3] =	wrdreg $0x9  }
0xb0: {  	_ =	task.clear_ibuf [dreg:s6], $0x4FFFF;
	_ =	strace $0x90000046  }
0xb1: {  	s29 =	simm.s32 $0x9;
	_ =	strace $0x80000048  }
0xb2: {  	_ =	swait.ge [sflag:s29], $0x1  }
0xb3: {  	[sflag:s29] =	ssyncadd.s32 $0xFFFFFFFF  }
0xb4: {  	_ =	strace $0x90000048  }
0xb5: {  	_ =	sfence  }
0xb6: {  	s30 =	sld [smem:$0x0];
	_ =	sdelay $0x2  }
0xb7: {  	s31 =	sshll.u32 s1, $0xD;
	s1 =	sshrl.u32 s1, $0x2  }
0xb8: {  	s3 =	sand.u32 $0x4000, s31;
	s1 =	sadd.s32 s1, s30  }
0xb9: {  	s0 =	sor.u32 s3, s0;
	s1 =	sshll.u32 s1, $0x11  }
0xba: {  	s0 =	sor.u32 s1, s0  }
0xbb: {  	s0 =	sadd.s32 $0x8F2B, s0  }
0xbc: {  	[sflag:s0] =	ssyncadd.remote.s32 $0x1  }
0xbd: {  	_ =	sfence.sel $0xFFFF  }
0xbe: {  	[dreg:$0x0] =	wrdreg $0xFFFFFFFF;
	(pc) =	sbr.abs _section_cstart, $3  }
0xbf: {  	[dreg:$0x1] =	wrdreg $0xFFFFFFFF  }
0xc0: {  	_ =	task.clear_ibuf [dreg:s6], $0x2FFFF;
	_ =	strace $0x9FFFFFFF  }
0xc1: {  	(tm) =	ssettm $0x7FFFFFFF  }
tec
execute0_lowered:
.L_overlay_start_1:
0x0: {  	(tag) =	ssettag $0x1  }
0x1: {  	s0 =	srdreg.scid  }
0x2: {  	s4 =	rddreg [dreg:$0x0];
	s1 =	stileid.u32  }
0x3: {  	s2 =	simm.s32 $0x0;
	s12 =	simm.s32 $0xA900;
	s13 =	simm.s32 $0x80  }
0x4: {  	s14 =	simm.s32 $0x400;
	s5 =	sand.u32 $0x1, s0;
	s6 =	smul.u32 $0x7000, s1  }
0x5: {  	s15 =	simm.s32 $0x0;
	s0 =	rddreg [dreg:$0x1];
	s3 =	smul.u32 $0x70000, s5  }
0x6: {  	[smem:$0x7FF] =	sst s2;
	s7 =	sshrl.u32 s1, $0x3;
	s26 =	smul.u32 $0x31000, s5  }
0x7: {  	s9 =	sshll.u32 s1, $0x8;
	s10 =	sshll.u32 s1, $0x7;
	s8 =	smul.u32 $0x18800, s7  }
0x8: {  	_ =	strace $0x80000047;
	s11 =	smul.u32 $0xA000, s5;
	s28 =	sand.u32 $0x380, s10  }
0x9: {  	s7 =	smul.u32 $0x5000, s7;
	s9 =	sadd.s32 s9, s4;
	s30 =	ssub.s32 $0x2, s5  }
0xa: {  	s5 =	sshll.u32 s5, $0xC;
	s10 =	simm.s32 $0x7000;
	s31 =	sshrl.u32 s30, $0x1  }
0xb: {  	s5 =	sadd.s32 s5, s9;
	s9 =	simm.s32 $0x1;
	s3 =	sadd.s32 s6, s3  }
0xc: {  	s6 =	sadd.s32 s26, s8;
	s7 =	sadd.s32 s11, s7;
	s8 =	ssub.s32 s30, s31  }
0xd: {  	s5 =	sadd.s32 $0x1D200, s5;
	s11 =	simm.s32 $0x7800;
	s3 =	sshrl.u32 s3, $0x3  }
0xe: {  	s6 =	sor.u32 s28, s6;
	s7 =	sor.u32 s28, s7;
	s8 =	smax.u32 s8, $0x1  }
0xf: {  	s29 =	sadd.s32 s3, s4;
	s6 =	sshrl.u32 s6, $0x3;
	s7 =	sshrl.u32 s7, $0x3  }
0x10: {  	s3 =	sadd.s32 $0x1F200, s4;
	s6 =	sadd.s32 s6, s4;
	s7 =	sadd.s32 s7, s4  }
0x11: {  	v0 =	vimm.f32 $1.000000000e+00;
	s4 =	sadd.s32 $0x1200, s29;
	s6 =	sadd.s32 $0x1FA00, s6;
	s7 =	sadd.s32 $0x2BE00, s7  }
.LBB2_1:
0x12: {  	[tilespmem:s2], [sflag:$0x1] =	stream.linear.gather [hbm4b:s4+s2], $0x7000, $0x38;
	[tilespmem:$0xB300] =	vst v63  }
0x13: {  	_ =	swait.ge [sflag:s9], $0x7000  }
0x14: {  	[sflag:s9] =	ssyncset.done $0x0  }
0x15: {  	[sflag:s9] =	ssyncadd.s32 $0xFFFF9000  }
0x16: {  	[tilespmem:s10], [sflag:$0x1] =	stream.linear.gather [hbm4b:s5+s2], $0x500, $0x38;
	[tilespmem:$0xB300] =	vst v63  }
0x17: {  	_ =	swait.ge [sflag:s9], $0x500  }
0x18: {  	[sflag:s9] =	ssyncset.done $0x0  }
0x19: {  	[sflag:s9] =	ssyncadd.s32 $0xFFFFFB00  }
0x1a: {  	[tilespmem:s11], [sflag:$0x1] =	stream.linear.gather [hbm4b:s3+s2], $0x3100, $0x38;
	[tilespmem:$0xB300] =	vst v63  }
0x1b: {  	_ =	swait.ge [sflag:s9], $0x3100  }
0x1c: {  	[sflag:s9] =	ssyncset.done $0x0  }
0x1d: {  	[sflag:s9] =	ssyncadd.s32 $0xFFFFCF00  }
0x1e: {  	[tilespmem:s12], [sflag:$0x1] =	stream.linear.gather [hbm4b:s3+s2], $0xA00, $0x38;
	[tilespmem:$0xB300] =	vst v63  }
0x1f: {  	_ =	swait.ge [sflag:s9], $0xA00  }
0x20: {  	[sflag:s9] =	ssyncset.done $0x0  }
0x21: {  	s16 =	simm.s32 $0x180;
	[sflag:s9] =	ssyncadd.s32 $0xFFFFF600  }
.LBB2_2:
0x22: {  	s17 =	sshra.s32 s16, $0x2  }
0x23: {  	v1 =	vld [tilespmem:s17+$0xFFFFFFA0];
	_ =	sdelay $0x7  }
0x24: {  	[tilespmem:v1+s11+$0x0] =	vst.idx.add.f32.msk $0xffff, v0  }
0x25: {  	v1 =	vld [tilespmem:s17+$0xFFFFFFB0];
	_ =	sdelay $0x7  }
0x26: {  	[tilespmem:v1+s11+$0x0] =	vst.idx.add.f32.msk $0xffff, v0  }
0x27: {  	v1 =	vld [tilespmem:s17+$0xFFFFFFC0];
	_ =	sdelay $0x7  }
0x28: {  	[tilespmem:v1+s11+$0x0] =	vst.idx.add.f32.msk $0xffff, v0  }
0x29: {  	v1 =	vld [tilespmem:s17+$0xFFFFFFD0];
	_ =	sdelay $0x7  }
0x2a: {  	[tilespmem:v1+s11+$0x0] =	vst.idx.add.f32.msk $0xffff, v0  }
0x2b: {  	v1 =	vld [tilespmem:s17+$0xFFFFFFE0];
	_ =	sdelay $0x7  }
0x2c: {  	[tilespmem:v1+s11+$0x0] =	vst.idx.add.f32.msk $0xffff, v0  }
0x2d: {  	v1 =	vld [tilespmem:s17+$0xFFFFFFF0];
	_ =	sdelay $0x7  }
0x2e: {  	[tilespmem:v1+s11+$0x0] =	vst.idx.add.f32.msk $0xffff, v0  }
0x2f: {  	v1 =	vld [tilespmem:s17+$0x0];
	_ =	sdelay $0x2  }
0x30: {  	p0 =	sne.s32 s16, $0x1BF80  }
.Ltmp0:
0x31: {  	_ = 	snop;
	(pc) =	sbr.rel @p0 .LBB2_2-.Ltmp0, $2  }
0x32: {  	_ =	sdelay $0x2  }
0x33: {  	s16 =	sadd.s32 $0x200, s16;
	[tilespmem:v1+s11+$0x0] =	vst.idx.add.f32.msk $0xffff, v0  }
0x34: {  	v1 =	vld [tilespmem:$0x7000];
	_ =	sdelay $0x7  }
0x35: {  	[tilespmem:v1+s12+$0x0] =	vst.idx.add.f32.msk $0xffff, v0  }
0x36: {  	v1 =	vld [tilespmem:$0x7010];
	_ =	sdelay $0x7  }
0x37: {  	[tilespmem:v1+s12+$0x0] =	vst.idx.add.f32.msk $0xffff, v0  }
0x38: {  	v1 =	vld [tilespmem:$0x7020];
	_ =	sdelay $0x7  }
0x39: {  	[tilespmem:v1+s12+$0x0] =	vst.idx.add.f32.msk $0xffff, v0  }
0x3a: {  	v1 =	vld [tilespmem:$0x7030];
	_ =	sdelay $0x7  }
0x3b: {  	[tilespmem:v1+s12+$0x0] =	vst.idx.add.f32.msk $0xffff, v0  }
0x3c: {  	v1 =	vld [tilespmem:$0x7040];
	_ =	sdelay $0x7  }
0x3d: {  	[tilespmem:v1+s12+$0x0] =	vst.idx.add.f32.msk $0xffff, v0  }
0x3e: {  	v1 =	vld [tilespmem:$0x7050];
	_ =	sdelay $0x7  }
0x3f: {  	[tilespmem:v1+s12+$0x0] =	vst.idx.add.f32.msk $0xffff, v0  }
0x40: {  	v1 =	vld [tilespmem:$0x7060];
	_ =	sdelay $0x7  }
0x41: {  	[tilespmem:v1+s12+$0x0] =	vst.idx.add.f32.msk $0xffff, v0  }
0x42: {  	v1 =	vld [tilespmem:$0x7070];
	_ =	sdelay $0x7  }
0x43: {  	[tilespmem:v1+s12+$0x0] =	vst.idx.add.f32.msk $0xffff, v0  }
0x44: {  	v1 =	vld [tilespmem:$0x7080];
	_ =	sdelay $0x7  }
0x45: {  	[tilespmem:v1+s12+$0x0] =	vst.idx.add.f32.msk $0xffff, v0  }
0x46: {  	v1 =	vld [tilespmem:$0x7090];
	_ =	sdelay $0x7  }
0x47: {  	[tilespmem:v1+s12+$0x0] =	vst.idx.add.f32.msk $0xffff, v0  }
0x48: {  	v1 =	vld [tilespmem:$0x70A0];
	_ =	sdelay $0x7  }
0x49: {  	[tilespmem:v1+s12+$0x0] =	vst.idx.add.f32.msk $0xffff, v0  }
0x4a: {  	v1 =	vld [tilespmem:$0x70B0];
	_ =	sdelay $0x7  }
0x4b: {  	[tilespmem:v1+s12+$0x0] =	vst.idx.add.f32.msk $0xffff, v0  }
0x4c: {  	v1 =	vld [tilespmem:$0x70C0];
	_ =	sdelay $0x7  }
0x4d: {  	[tilespmem:v1+s12+$0x0] =	vst.idx.add.f32.msk $0xffff, v0  }
0x4e: {  	v1 =	vld [tilespmem:$0x70D0];
	_ =	sdelay $0x7  }
0x4f: {  	[tilespmem:v1+s12+$0x0] =	vst.idx.add.f32.msk $0xffff, v0  }
0x50: {  	v1 =	vld [tilespmem:$0x70E0];
	_ =	sdelay $0x7  }
0x51: {  	[tilespmem:v1+s12+$0x0] =	vst.idx.add.f32.msk $0xffff, v0  }
0x52: {  	v1 =	vld [tilespmem:$0x70F0];
	_ =	sdelay $0x7  }
0x53: {  	[tilespmem:v1+s12+$0x0] =	vst.idx.add.f32.msk $0xffff, v0  }
0x54: {  	v1 =	vld [tilespmem:$0x7100];
	_ =	sdelay $0x7  }
0x55: {  	[tilespmem:v1+s12+$0x0] =	vst.idx.add.f32.msk $0xffff, v0  }
0x56: {  	v1 =	vld [tilespmem:$0x7110];
	_ =	sdelay $0x7  }
0x57: {  	[tilespmem:v1+s12+$0x0] =	vst.idx.add.f32.msk $0xffff, v0  }
0x58: {  	v1 =	vld [tilespmem:$0x7120];
	_ =	sdelay $0x7  }
0x59: {  	[tilespmem:v1+s12+$0x0] =	vst.idx.add.f32.msk $0xffff, v0  }
0x5a: {  	v1 =	vld [tilespmem:$0x7130];
	_ =	sdelay $0x7  }
0x5b: {  	[tilespmem:v1+s12+$0x0] =	vst.idx.add.f32.msk $0xffff, v0  }
0x5c: {  	v1 =	vld [tilespmem:$0x7140];
	_ =	sdelay $0x7  }
0x5d: {  	[tilespmem:v1+s12+$0x0] =	vst.idx.add.f32.msk $0xffff, v0  }
0x5e: {  	v1 =	vld [tilespmem:$0x7150];
	_ =	sdelay $0x7  }
0x5f: {  	[tilespmem:v1+s12+$0x0] =	vst.idx.add.f32.msk $0xffff, v0  }
0x60: {  	v1 =	vld [tilespmem:$0x7160];
	_ =	sdelay $0x7  }
0x61: {  	[tilespmem:v1+s12+$0x0] =	vst.idx.add.f32.msk $0xffff, v0  }
0x62: {  	v1 =	vld [tilespmem:$0x7170];
	_ =	sdelay $0x7  }
0x63: {  	[tilespmem:v1+s12+$0x0] =	vst.idx.add.f32.msk $0xffff, v0  }
0x64: {  	v1 =	vld [tilespmem:$0x7180];
	_ =	sdelay $0x7  }
0x65: {  	[tilespmem:v1+s12+$0x0] =	vst.idx.add.f32.msk $0xffff, v0  }
0x66: {  	v1 =	vld [tilespmem:$0x7190];
	_ =	sdelay $0x7  }
0x67: {  	[tilespmem:v1+s12+$0x0] =	vst.idx.add.f32.msk $0xffff, v0  }
0x68: {  	v1 =	vld [tilespmem:$0x71A0];
	_ =	sdelay $0x7  }
0x69: {  	[tilespmem:v1+s12+$0x0] =	vst.idx.add.f32.msk $0xffff, v0  }
0x6a: {  	v1 =	vld [tilespmem:$0x71B0];
	_ =	sdelay $0x7  }
0x6b: {  	[tilespmem:v1+s12+$0x0] =	vst.idx.add.f32.msk $0xffff, v0  }
0x6c: {  	v1 =	vld [tilespmem:$0x71C0];
	_ =	sdelay $0x7  }
0x6d: {  	[tilespmem:v1+s12+$0x0] =	vst.idx.add.f32.msk $0xffff, v0  }
0x6e: {  	v1 =	vld [tilespmem:$0x71D0];
	_ =	sdelay $0x7  }
0x6f: {  	[tilespmem:v1+s12+$0x0] =	vst.idx.add.f32.msk $0xffff, v0  }
0x70: {  	v1 =	vld [tilespmem:$0x71E0];
	_ =	sdelay $0x7  }
0x71: {  	[tilespmem:v1+s12+$0x0] =	vst.idx.add.f32.msk $0xffff, v0  }
0x72: {  	v1 =	vld [tilespmem:$0x71F0];
	_ =	sdelay $0x7  }
0x73: {  	[tilespmem:v1+s12+$0x0] =	vst.idx.add.f32.msk $0xffff, v0  }
0x74: {  	v1 =	vld [tilespmem:$0x7200];
	_ =	sdelay $0x7  }
0x75: {  	[tilespmem:v1+s12+$0x0] =	vst.idx.add.f32.msk $0xffff, v0  }
0x76: {  	v1 =	vld [tilespmem:$0x7210];
	_ =	sdelay $0x7  }
0x77: {  	[tilespmem:v1+s12+$0x0] =	vst.idx.add.f32.msk $0xffff, v0  }
0x78: {  	v1 =	vld [tilespmem:$0x7220];
	_ =	sdelay $0x7  }
0x79: {  	[tilespmem:v1+s12+$0x0] =	vst.idx.add.f32.msk $0xffff, v0  }
0x7a: {  	v1 =	vld [tilespmem:$0x7230];
	_ =	sdelay $0x7  }
0x7b: {  	[tilespmem:v1+s12+$0x0] =	vst.idx.add.f32.msk $0xffff, v0  }
0x7c: {  	v1 =	vld [tilespmem:$0x7240];
	_ =	sdelay $0x7  }
0x7d: {  	[tilespmem:v1+s12+$0x0] =	vst.idx.add.f32.msk $0xffff, v0  }
0x7e: {  	v1 =	vld [tilespmem:$0x7250];
	_ =	sdelay $0x7  }
0x7f: {  	[tilespmem:v1+s12+$0x0] =	vst.idx.add.f32.msk $0xffff, v0  }
0x80: {  	v1 =	vld [tilespmem:$0x7260];
	_ =	sdelay $0x7  }
0x81: {  	[tilespmem:v1+s12+$0x0] =	vst.idx.add.f32.msk $0xffff, v0  }
0x82: {  	v1 =	vld [tilespmem:$0x7270];
	_ =	sdelay $0x7  }
0x83: {  	[tilespmem:v1+s12+$0x0] =	vst.idx.add.f32.msk $0xffff, v0  }
0x84: {  	v1 =	vld [tilespmem:$0x7280];
	_ =	sdelay $0x7  }
0x85: {  	[tilespmem:v1+s12+$0x0] =	vst.idx.add.f32.msk $0xffff, v0  }
0x86: {  	v1 =	vld [tilespmem:$0x7290];
	_ =	sdelay $0x7  }
0x87: {  	[tilespmem:v1+s12+$0x0] =	vst.idx.add.f32.msk $0xffff, v0  }
0x88: {  	v1 =	vld [tilespmem:$0x72A0];
	_ =	sdelay $0x7  }
0x89: {  	[tilespmem:v1+s12+$0x0] =	vst.idx.add.f32.msk $0xffff, v0  }
0x8a: {  	v1 =	vld [tilespmem:$0x72B0];
	_ =	sdelay $0x7  }
0x8b: {  	[tilespmem:v1+s12+$0x0] =	vst.idx.add.f32.msk $0xffff, v0  }
0x8c: {  	v1 =	vld [tilespmem:$0x72C0];
	_ =	sdelay $0x7  }
0x8d: {  	[tilespmem:v1+s12+$0x0] =	vst.idx.add.f32.msk $0xffff, v0  }
0x8e: {  	v1 =	vld [tilespmem:$0x72D0];
	_ =	sdelay $0x7  }
0x8f: {  	[tilespmem:v1+s12+$0x0] =	vst.idx.add.f32.msk $0xffff, v0  }
0x90: {  	v1 =	vld [tilespmem:$0x72E0];
	_ =	sdelay $0x7  }
0x91: {  	[tilespmem:v1+s12+$0x0] =	vst.idx.add.f32.msk $0xffff, v0  }
0x92: {  	v1 =	vld [tilespmem:$0x72F0];
	_ =	sdelay $0x7  }
0x93: {  	[tilespmem:v1+s12+$0x0] =	vst.idx.add.f32.msk $0xffff, v0  }
0x94: {  	v1 =	vld [tilespmem:$0x7300];
	_ =	sdelay $0x7  }
0x95: {  	[tilespmem:v1+s12+$0x0] =	vst.idx.add.f32.msk $0xffff, v0  }
0x96: {  	v1 =	vld [tilespmem:$0x7310];
	_ =	sdelay $0x7  }
0x97: {  	[tilespmem:v1+s12+$0x0] =	vst.idx.add.f32.msk $0xffff, v0  }
0x98: {  	v1 =	vld [tilespmem:$0x7320];
	_ =	sdelay $0x7  }
0x99: {  	[tilespmem:v1+s12+$0x0] =	vst.idx.add.f32.msk $0xffff, v0  }
0x9a: {  	v1 =	vld [tilespmem:$0x7330];
	_ =	sdelay $0x7  }
0x9b: {  	[tilespmem:v1+s12+$0x0] =	vst.idx.add.f32.msk $0xffff, v0  }
0x9c: {  	v1 =	vld [tilespmem:$0x7340];
	_ =	sdelay $0x7  }
0x9d: {  	[tilespmem:v1+s12+$0x0] =	vst.idx.add.f32.msk $0xffff, v0  }
0x9e: {  	v1 =	vld [tilespmem:$0x7350];
	_ =	sdelay $0x7  }
0x9f: {  	[tilespmem:v1+s12+$0x0] =	vst.idx.add.f32.msk $0xffff, v0  }
0xa0: {  	v1 =	vld [tilespmem:$0x7360];
	_ =	sdelay $0x7  }
0xa1: {  	[tilespmem:v1+s12+$0x0] =	vst.idx.add.f32.msk $0xffff, v0  }
0xa2: {  	v1 =	vld [tilespmem:$0x7370];
	_ =	sdelay $0x7  }
0xa3: {  	[tilespmem:v1+s12+$0x0] =	vst.idx.add.f32.msk $0xffff, v0  }
0xa4: {  	v1 =	vld [tilespmem:$0x7380];
	_ =	sdelay $0x7  }
0xa5: {  	[tilespmem:v1+s12+$0x0] =	vst.idx.add.f32.msk $0xffff, v0  }
0xa6: {  	v1 =	vld [tilespmem:$0x7390];
	_ =	sdelay $0x7  }
0xa7: {  	[tilespmem:v1+s12+$0x0] =	vst.idx.add.f32.msk $0xffff, v0  }
0xa8: {  	v1 =	vld [tilespmem:$0x73A0];
	_ =	sdelay $0x7  }
0xa9: {  	[tilespmem:v1+s12+$0x0] =	vst.idx.add.f32.msk $0xffff, v0  }
0xaa: {  	v1 =	vld [tilespmem:$0x73B0];
	_ =	sdelay $0x7  }
0xab: {  	[tilespmem:v1+s12+$0x0] =	vst.idx.add.f32.msk $0xffff, v0  }
0xac: {  	v1 =	vld [tilespmem:$0x73C0];
	_ =	sdelay $0x7  }
0xad: {  	[tilespmem:v1+s12+$0x0] =	vst.idx.add.f32.msk $0xffff, v0  }
0xae: {  	v1 =	vld [tilespmem:$0x73D0];
	_ =	sdelay $0x7  }
0xaf: {  	[tilespmem:v1+s12+$0x0] =	vst.idx.add.f32.msk $0xffff, v0  }
0xb0: {  	v1 =	vld [tilespmem:$0x73E0];
	_ =	sdelay $0x7  }
0xb1: {  	[tilespmem:v1+s12+$0x0] =	vst.idx.add.f32.msk $0xffff, v0  }
0xb2: {  	v1 =	vld [tilespmem:$0x73F0];
	_ =	sdelay $0x7  }
0xb3: {  	[tilespmem:v1+s12+$0x0] =	vst.idx.add.f32.msk $0xffff, v0  }
0xb4: {  	v1 =	vld [tilespmem:$0x7400];
	_ =	sdelay $0x7  }
0xb5: {  	[tilespmem:v1+s12+$0x0] =	vst.idx.add.f32.msk $0xffff, v0  }
0xb6: {  	v1 =	vld [tilespmem:$0x7410];
	_ =	sdelay $0x7  }
0xb7: {  	[tilespmem:v1+s12+$0x0] =	vst.idx.add.f32.msk $0xffff, v0  }
0xb8: {  	v1 =	vld [tilespmem:$0x7420];
	_ =	sdelay $0x7  }
0xb9: {  	[tilespmem:v1+s12+$0x0] =	vst.idx.add.f32.msk $0xffff, v0  }
0xba: {  	v1 =	vld [tilespmem:$0x7430];
	_ =	sdelay $0x7  }
0xbb: {  	[tilespmem:v1+s12+$0x0] =	vst.idx.add.f32.msk $0xffff, v0  }
0xbc: {  	v1 =	vld [tilespmem:$0x7440];
	_ =	sdelay $0x7  }
0xbd: {  	[tilespmem:v1+s12+$0x0] =	vst.idx.add.f32.msk $0xffff, v0  }
0xbe: {  	v1 =	vld [tilespmem:$0x7450];
	_ =	sdelay $0x7  }
0xbf: {  	[tilespmem:v1+s12+$0x0] =	vst.idx.add.f32.msk $0xffff, v0  }
0xc0: {  	v1 =	vld [tilespmem:$0x7460];
	_ =	sdelay $0x7  }
0xc1: {  	[tilespmem:v1+s12+$0x0] =	vst.idx.add.f32.msk $0xffff, v0  }
0xc2: {  	v1 =	vld [tilespmem:$0x7470];
	_ =	sdelay $0x7  }
0xc3: {  	[tilespmem:v1+s12+$0x0] =	vst.idx.add.f32.msk $0xffff, v0  }
0xc4: {  	v1 =	vld [tilespmem:$0x7480];
	_ =	sdelay $0x7  }
0xc5: {  	[tilespmem:v1+s12+$0x0] =	vst.idx.add.f32.msk $0xffff, v0  }
0xc6: {  	v1 =	vld [tilespmem:$0x7490];
	_ =	sdelay $0x7  }
0xc7: {  	[tilespmem:v1+s12+$0x0] =	vst.idx.add.f32.msk $0xffff, v0  }
0xc8: {  	v1 =	vld [tilespmem:$0x74A0];
	_ =	sdelay $0x7  }
0xc9: {  	[tilespmem:v1+s12+$0x0] =	vst.idx.add.f32.msk $0xffff, v0  }
0xca: {  	v1 =	vld [tilespmem:$0x74B0];
	_ =	sdelay $0x7  }
0xcb: {  	[tilespmem:v1+s12+$0x0] =	vst.idx.add.f32.msk $0xffff, v0  }
0xcc: {  	v1 =	vld [tilespmem:$0x74C0];
	_ =	sdelay $0x7  }
0xcd: {  	[tilespmem:v1+s12+$0x0] =	vst.idx.add.f32.msk $0xffff, v0  }
0xce: {  	v1 =	vld [tilespmem:$0x74D0];
	_ =	sdelay $0x7  }
0xcf: {  	[tilespmem:v1+s12+$0x0] =	vst.idx.add.f32.msk $0xffff, v0  }
0xd0: {  	v1 =	vld [tilespmem:$0x74E0];
	_ =	sdelay $0x7  }
0xd1: {  	[tilespmem:v1+s12+$0x0] =	vst.idx.add.f32.msk $0xffff, v0  }
0xd2: {  	v1 =	vld [tilespmem:$0x74F0];
	_ =	sdelay $0x7  }
0xd3: {  	[tilespmem:v1+s12+$0x0] =	vst.idx.add.f32.msk $0xffff, v0  }
0xd4: {  	[hbm4b:s6+s13] =	stream.strided.scatter [tilespmem:s11], [sflag:$0x1], $0x3100, s14, s13, $0x38;
	[tilespmem:$0xB300] =	vst v63  }
0xd5: {  	s15 =	sadd.s32 $0x1, s15;
	_ =	swait.ge [sflag:s9], $0x3100  }
0xd6: {  	p0 =	sne.s32 s15, s8;
	[sflag:s9] =	ssyncset.done $0x0  }
.Ltmp1:
0xd7: {  	[sflag:s9] =	ssyncadd.s32 $0xFFFFCF00;
	(pc) =	sbr.rel @p0 .LBB2_1-.Ltmp1, $4  }
0xd8: {  	[hbm4b:s7+s13] =	stream.strided.scatter [tilespmem:s12], [sflag:$0x1], $0xA00, s14, s13, $0x38;
	[tilespmem:$0xB300] =	vst v63  }
0xd9: {  	_ =	swait.ge [sflag:s9], $0xA00  }
0xda: {  	[sflag:s9] =	ssyncset.done $0x0  }
0xdb: {  	[sflag:s9] =	ssyncadd.s32 $0xFFFFF600  }
0xdc: {  	_ =	sfence.sel $0x180000  }
0xdd: {  	[bflag:$0x0] =	sbarrier.arrive $0xFFFF  }
0xde: {  	p0 =	sne.s32 s1, $0x0;
	_ =	strace $0x90000047  }
0xdf: {  	s0 =	sadd.s32 @!p0 $0x100000, s0;
	[bflag:$0x2] =	sbarrier.arrive $0xFFFF  }
0xe0: {  	[sflag:s0] =	ssyncadd.tile.s32 @!p0 $0x1;
	_ =	shalt  }
.Lfunc_end2:
_tile_overlayer_lowered:
.L_overlay_start_2:
0xe1: {  	(tag) =	ssettag $0x2  }
0xe2: {  	s0 =	rddreg [dreg:$0x0];
	s2 =	stileid.u32  }
0xe3: {  	s1 =	rddreg [dreg:$0x1];
	p0 =	sne.s32 s2, $0x0  }
0xe4: {  	s3 =	rddreg [dreg:$0x2];
	[bflag:$0x3] =	sbarrier.arrive $0xFFFF;
	s2 =	simm.s32 @!p0 $0x1C01  }
0xe5: {  	[timem:s3], [sflag:s2] =	dma.local @!p0 [hbm:s0], s1  }
0xe6: {  	s0 =	simm.s32 @!p0 $0x1  }
0xe7: {  	_ =	swait.ge @!p0 [sflag:s0], s1  }
0xe8: {  	s1 =	ssub.s32 @!p0 $0x0, s1;
	[sflag:s0] =	ssyncset.done @!p0 $0x0  }
0xe9: {  	[sflag:s0] =	ssyncadd.s32 @!p0 s1  }
0xea: {  	[bflag:$0x3] =	sbarrier.arrive $0xFFFF  }
0xeb: {  	_ =	shalt  }

</sc_bundles>
